<compile_context>
chip_gen: v7x
topology: tpu7x:2x2x1
jax: 0.10.2.dev20260603
libtpu: 0.0.44.dev20260713+nightly
codegen_flags: <defaults>
</compile_context>

<pallas_src>
import functools

import jax
import jax.numpy as jnp
from jax import lax
from jax.experimental import pallas as pl
from jax.experimental.pallas import tpu as pltpu
from jax.experimental.pallas import tpu_sc as plsc

_VOCAB = 100000
_DIM = 128
_OUT = 32
_B = 4096
_L = 200

_NC = 2
_NS = 16
_NW = _NC * _NS
_IPT = _B // _NW
_LANES = 16


def _bf16_bits(x):
    u = lax.bitcast_convert_type(x, jnp.int32)
    return (u + jnp.int32(0x7FFF) + ((u >> 16) & 1)) >> 16


_PACK = _DIM // _OUT
_VS = _VOCAB // _PACK


def _project_body(t0, t1, t2, t3, w_ref, o_ref):
    dn = (((1,), (1,)), ((), ()))
    for j, tr in enumerate((t0, t1, t2, t3)):
        o_ref[:, _OUT * j:_OUT * (j + 1)] = lax.dot_general(
            tr[...], w_ref[...], dimension_numbers=dn,
            preferred_element_type=jnp.float32)


def _project_table(table, W):
    rows_blk = 5000
    grid = _VS // rows_blk
    in_specs = [
        pl.BlockSpec((rows_blk, _DIM),
                     (lambda g, jj=j: (g + jj * grid, 0)))
        for j in range(_PACK)
    ]
    in_specs.append(pl.BlockSpec((_OUT, _DIM), lambda g: (0, 0)))
    return pl.pallas_call(
        _project_body,
        grid=(grid,),
        in_specs=in_specs,
        out_specs=pl.BlockSpec((rows_blk, _DIM), lambda g: (g, 0)),
        out_shape=jax.ShapeDtypeStruct((_VS, _DIM), jnp.float32),
    )(table, table, table, table, W)


_NBUF = 4
_LPG = 5


def _pool_body(xr_hbm, tp_hbm, b_hbm, out_hbm,
               idx_v, bufs, acc, bias_v, sems):
    wid = lax.axis_index("s") * _NC + lax.axis_index("c")
    pltpu.sync_copy(xr_hbm.at[wid], idx_v)
    pltpu.sync_copy(b_hbm, bias_v)

    zero = jnp.zeros((_LANES,), jnp.float32)

    def zr(r, c):
        acc[r, pl.ds(0, _LANES)] = zero
        acc[r, pl.ds(_LANES, _LANES)] = zero
        return c
    lax.fori_loop(0, _IPT, zr, 0, unroll=8)

    nsteps = _L // _LPG

    for j in range(_NBUF):
        pltpu.make_async_copy(
            tp_hbm.at[idx_v.at[pl.ds(j * _LPG * _IPT, _LPG * _IPT)]],
            bufs[j], sems[j]).start()

    def outer(i, c):
        s0 = i * _NBUF
        for j in range(_NBUF):
            s = s0 + j
            buf = bufs[j]
            sem = sems[j]
            pltpu.make_async_copy(
                tp_hbm.at[idx_v.at[pl.ds(s * _LPG * _IPT, _LPG * _IPT)]],
                buf, sem).wait()

            def accum(r, cc):
                v0 = buf[r, pl.ds(0, _LANES)]
                v1 = buf[r, pl.ds(_LANES, _LANES)]
                for part in range(1, _LPG):
                    rr = part * _IPT + r
                    v0 = v0 + buf[rr, pl.ds(0, _LANES)]
                    v1 = v1 + buf[rr, pl.ds(_LANES, _LANES)]
                plsc.addupdate(acc.at[r, pl.ds(0, _LANES)], v0)
                plsc.addupdate(acc.at[r, pl.ds(_LANES, _LANES)], v1)
                return cc
            lax.fori_loop(0, _IPT, accum, 0, unroll=8)

            snext = s + _NBUF

            @pl.when(snext < nsteps)
            def _():
                pltpu.make_async_copy(
                    tp_hbm.at[idx_v.at[pl.ds(snext * _LPG * _IPT,
                                             _LPG * _IPT)]], buf, sem
                ).start()
        return c
    lax.fori_loop(0, nsteps // _NBUF, outer, 0)

    scale = jnp.float32(1.0 / _L)
    blo = bias_v[pl.ds(0, _LANES)]
    bhi = bias_v[pl.ds(_LANES, _LANES)]

    def fin(r, c):
        v0 = acc[r, pl.ds(0, _LANES)] * scale + blo
        v1 = acc[r, pl.ds(_LANES, _LANES)] * scale + bhi
        acc[r, pl.ds(0, _LANES)] = 1.0 / (1.0 + jnp.exp(-v0))
        acc[r, pl.ds(_LANES, _LANES)] = 1.0 / (1.0 + jnp.exp(-v1))
        return c
    lax.fori_loop(0, _IPT, fin, 0, unroll=4)

    pltpu.sync_copy(acc, out_hbm.at[pl.ds(wid * _IPT, _IPT), :])


@functools.partial(
    pl.kernel,
    mesh=plsc.VectorSubcoreMesh(core_axis_name="c", subcore_axis_name="s"),
    compiler_params=pltpu.CompilerParams(
        use_tc_tiling_on_sc=False, needs_layout_passes=False),
    out_type=jax.ShapeDtypeStruct((_B, _OUT), jnp.float32),
    scratch_types=[
        pltpu.VMEM((_L * _IPT,), jnp.int32),
        [pltpu.VMEM((_LPG * _IPT, _OUT), jnp.float32) for _ in range(_NBUF)],
        pltpu.VMEM((_IPT, _OUT), jnp.float32),
        pltpu.VMEM((_OUT,), jnp.float32),
        [pltpu.SemaphoreType.DMA for _ in range(_NBUF)],
    ],
)
def _pool(xr_hbm, tp_hbm, b_hbm, out_hbm,
          idx_v, bufs, acc, bias_v, sems):
    _pool_body(xr_hbm, tp_hbm, b_hbm, out_hbm,
               idx_v, bufs, acc, bias_v, sems)


def kernel(x, table, W, b):
    x = x.astype(jnp.int32)
    tp = _project_table(table, W).reshape(_VOCAB, _OUT)
    xq = (x % _VS) * _PACK + x // _VS
    xr = xq.reshape(_NW, _IPT, _L).transpose(0, 2, 1).reshape(_NW, _L * _IPT)
    return _pool(xr, tp, b)

# --- scband reference (transcript-rebuilt; emitter-appended) ---
"""Pipeline reference for scband-genre-classifier-linear-15642270892047 (READ-ONLY COPY).

The authoritative reference and input builder live on the scoring server;
editing this copy changes nothing except your own understanding.
"""

import jax, jax.numpy as jnp
import numpy as np

VOCAB = 100000
DIM = 128
OUT = 32
B = 4096
L = 200


def setup_inputs(seed: int = 0) -> dict:
    key = jax.random.key(seed)
    k1, k2, k3 = jax.random.split(key, 3)
    x = jax.random.randint(k1, (B, L), 0, VOCAB, dtype=jnp.int32).astype(jnp.int64)
    # frozen pretrained embedding matrix (embedding_matrix init arg)
    table = jax.random.normal(k2, (VOCAB, DIM), dtype=jnp.float32) * 0.02
    # fc layer params
    W = jax.random.normal(k3, (OUT, DIM), dtype=jnp.float32) * (1.0 / np.sqrt(DIM))
    b = jnp.zeros((OUT,), dtype=jnp.float32)
    return {"x": x, "table": table, "W": W, "b": b}


def reference(x, table, W, b):
    # x = x.long(); emb = embedding(x)
    emb = jnp.take(table, x, axis=0)          # [B, L, DIM] gather
    # mean over sequence dim
    pooled = jnp.mean(emb, axis=1)            # [B, DIM]
    # sigmoid(fc(pooled))
    logits = pooled @ W.T + b                 # [B, OUT]
    return jax.nn.sigmoid(logits)

if __name__ == "__main__":
    import jax
    _d = setup_inputs()
    print(jax.jit(kernel)(*tuple(_d.values())))

</pallas_src>

<mosaic_0001>
#map = affine_map<(d0, d1) -> (0, 0)>
#map1 = affine_map<(d0, d1) -> (0)>
module attributes {stable_mosaic.version = 14 : i64} {
  func.func @_pool(%arg0: i32, %arg1: i32, %arg2: memref<32x25600xi32, #tpu.memory_space<hbm>>, %arg3: memref<100000x32xf32, #tpu.memory_space<hbm>>, %arg4: memref<32xf32, #tpu.memory_space<hbm>>, %arg5: memref<4096x32xf32, #tpu.memory_space<hbm>>, %arg6: memref<25600xi32, #tpu.memory_space<vmem>>, %arg7: memref<640x32xf32, #tpu.memory_space<vmem>>, %arg8: memref<640x32xf32, #tpu.memory_space<vmem>>, %arg9: memref<640x32xf32, #tpu.memory_space<vmem>>, %arg10: memref<640x32xf32, #tpu.memory_space<vmem>>, %arg11: memref<128x32xf32, #tpu.memory_space<vmem>>, %arg12: memref<32xf32, #tpu.memory_space<vmem>>, %arg13: memref<!tpu.dma_semaphore, #tpu.memory_space<semaphore_mem>>, %arg14: memref<!tpu.dma_semaphore, #tpu.memory_space<semaphore_mem>>, %arg15: memref<!tpu.dma_semaphore, #tpu.memory_space<semaphore_mem>>, %arg16: memref<!tpu.dma_semaphore, #tpu.memory_space<semaphore_mem>>) attributes {dimension_semantics = [#tpu.dimension_semantics<core_parallel>, #tpu.dimension_semantics<subcore_parallel>], iteration_bounds = array<i64: 2, 16>, scalar_prefetch = 0 : i64, scratch_operands = 11 : i64, tpu.core_type = #tpu.core_type<sc_vector_subcore>, window_params = [{transform_indices = #map}, {transform_indices = #map}, {transform_indices = #map1}, {transform_indices = #map}]} {
    %mul3A = arith.constant 2 : i32
    %mul3A_0 = arith.muli %arg1, %mul3A : i32
    %add3A = arith.addi %mul3A_0, %arg0 : i32
    "tpu.region"() ({
      %run_scoped3A = tpu.sem_alloc : memref<!tpu.dma_semaphore, #tpu.memory_space<semaphore_mem>>
      %dma_start3A_44 = arith.constant 0 : i32
      %dma_start3A_45 = tpu.memref_slice %arg2[%add3A, %dma_start3A_44] : memref<32x25600xi32, #tpu.memory_space<hbm>> -> memref<1x25600xi32, #tpu.memory_space<hbm>>
      %dma_start3A_46 = tpu.memref_squeeze %dma_start3A_45 : memref<1x25600xi32, #tpu.memory_space<hbm>> -> memref<25600xi32, #tpu.memory_space<hbm>>
      %dma_start3A_47 = arith.constant 0 : i32
      %dma_start3A_48 = tpu.memref_slice %arg2[%add3A, %dma_start3A_47] : memref<32x25600xi32, #tpu.memory_space<hbm>> -> memref<1x25600xi32, #tpu.memory_space<hbm>>
      %dma_start3A_49 = tpu.memref_squeeze %dma_start3A_48 : memref<1x25600xi32, #tpu.memory_space<hbm>> -> memref<25600xi32, #tpu.memory_space<hbm>>
      tpu.enqueue_dma source(%dma_start3A_49 : memref<25600xi32, #tpu.memory_space<hbm>>) target(%arg6 : memref<25600xi32, #tpu.memory_space<vmem>>) target_semaphore(%run_scoped3A : memref<!tpu.dma_semaphore, #tpu.memory_space<semaphore_mem>>)
      %dma_wait3A = arith.constant 0 : i32
      %dma_wait3A_50 = tpu.memref_slice %arg2[%add3A, %dma_wait3A] : memref<32x25600xi32, #tpu.memory_space<hbm>> -> memref<1x25600xi32, #tpu.memory_space<hbm>>
      %dma_wait3A_51 = tpu.memref_squeeze %dma_wait3A_50 : memref<1x25600xi32, #tpu.memory_space<hbm>> -> memref<25600xi32, #tpu.memory_space<hbm>>
      %dma_wait3A_52 = arith.constant 0 : i32
      %dma_wait3A_53 = tpu.memref_slice %arg2[%add3A, %dma_wait3A_52] : memref<32x25600xi32, #tpu.memory_space<hbm>> -> memref<1x25600xi32, #tpu.memory_space<hbm>>
      %dma_wait3A_54 = tpu.memref_squeeze %dma_wait3A_53 : memref<1x25600xi32, #tpu.memory_space<hbm>> -> memref<25600xi32, #tpu.memory_space<hbm>>
      tpu.wait_dma2 semaphore(%run_scoped3A : memref<!tpu.dma_semaphore, #tpu.memory_space<semaphore_mem>>) src(%dma_wait3A_54 : memref<25600xi32, #tpu.memory_space<hbm>>) dst(%arg6 : memref<25600xi32, #tpu.memory_space<vmem>>)
      tpu.yield
    }) : () -> ()
    "tpu.region"() ({
      %run_scoped3A = tpu.sem_alloc : memref<!tpu.dma_semaphore, #tpu.memory_space<semaphore_mem>>
      tpu.enqueue_dma source(%arg4 : memref<32xf32, #tpu.memory_space<hbm>>) target(%arg12 : memref<32xf32, #tpu.memory_space<vmem>>) target_semaphore(%run_scoped3A : memref<!tpu.dma_semaphore, #tpu.memory_space<semaphore_mem>>)
      tpu.wait_dma2 semaphore(%run_scoped3A : memref<!tpu.dma_semaphore, #tpu.memory_space<semaphore_mem>>) src(%arg4 : memref<32xf32, #tpu.memory_space<hbm>>) dst(%arg12 : memref<32xf32, #tpu.memory_space<vmem>>)
      tpu.yield
    }) : () -> ()
    %broadcast_in_dim3A = arith.constant 0.000000e+00 : f32
    %broadcast_in_dim3A_1 = vector.broadcast %broadcast_in_dim3A : f32 to vector<16xf32>
    %scan3A = arith.constant 0 : i32
    %scan3A_2 = arith.constant 0 : i32
    %scan3A_3 = arith.constant 128 : i32
    %scan3A_4 = arith.addi %scan3A_2, %scan3A_3 : i32
    %scan3A_5 = arith.constant 8 : i32
    scf.for %scan3A_44 = %scan3A_2 to %scan3A_4 step %scan3A_5  : i32 {
      %swap3A = arith.index_cast %scan3A_44 : i32 to index
      %swap3A_45 = arith.constant 0 : index
      %swap3A_46 = tpu.vector_load %arg11[%swap3A, %swap3A_45] {strides = array<i32>} : memref<128x32xf32, #tpu.memory_space<vmem>>, vector<16xf32>,
      tpu.vector_store %arg11[%swap3A, %swap3A_45], %broadcast_in_dim3A_1 {strides = array<i32>} : memref<128x32xf32, #tpu.memory_space<vmem>>, vector<16xf32>,
      %swap3A_47 = arith.index_cast %scan3A_44 : i32 to index
      %swap3A_48 = arith.constant 16 : index
      %swap3A_49 = tpu.vector_load %arg11[%swap3A_47, %swap3A_48] {strides = array<i32>} : memref<128x32xf32, #tpu.memory_space<vmem>>, vector<16xf32>,
      tpu.vector_store %arg11[%swap3A_47, %swap3A_48], %broadcast_in_dim3A_1 {strides = array<i32>} : memref<128x32xf32, #tpu.memory_space<vmem>>, vector<16xf32>,
      %scan3A_50 = arith.constant 1 : i32
      %scan3A_51 = arith.addi %scan3A_44, %scan3A_50 : i32
      %swap3A_52 = arith.index_cast %scan3A_51 : i32 to index
      %swap3A_53 = arith.constant 0 : index
      %swap3A_54 = tpu.vector_load %arg11[%swap3A_52, %swap3A_53] {strides = array<i32>} : memref<128x32xf32, #tpu.memory_space<vmem>>, vector<16xf32>,
      tpu.vector_store %arg11[%swap3A_52, %swap3A_53], %broadcast_in_dim3A_1 {strides = array<i32>} : memref<128x32xf32, #tpu.memory_space<vmem>>, vector<16xf32>,
      %swap3A_55 = arith.index_cast %scan3A_51 : i32 to index
      %swap3A_56 = arith.constant 16 : index
      %swap3A_57 = tpu.vector_load %arg11[%swap3A_55, %swap3A_56] {strides = array<i32>} : memref<128x32xf32, #tpu.memory_space<vmem>>, vector<16xf32>,
      tpu.vector_store %arg11[%swap3A_55, %swap3A_56], %broadcast_in_dim3A_1 {strides = array<i32>} : memref<128x32xf32, #tpu.memory_space<vmem>>, vector<16xf32>,
      %scan3A_58 = arith.constant 2 : i32
      %scan3A_59 = arith.addi %scan3A_44, %scan3A_58 : i32
      %swap3A_60 = arith.index_cast %scan3A_59 : i32 to index
      %swap3A_61 = arith.constant 0 : index
      %swap3A_62 = tpu.vector_load %arg11[%swap3A_60, %swap3A_61] {strides = array<i32>} : memref<128x32xf32, #tpu.memory_space<vmem>>, vector<16xf32>,
      tpu.vector_store %arg11[%swap3A_60, %swap3A_61], %broadcast_in_dim3A_1 {strides = array<i32>} : memref<128x32xf32, #tpu.memory_space<vmem>>, vector<16xf32>,
      %swap3A_63 = arith.index_cast %scan3A_59 : i32 to index
      %swap3A_64 = arith.constant 16 : index
      %swap3A_65 = tpu.vector_load %arg11[%swap3A_63, %swap3A_64] {strides = array<i32>} : memref<128x32xf32, #tpu.memory_space<vmem>>, vector<16xf32>,
      tpu.vector_store %arg11[%swap3A_63, %swap3A_64], %broadcast_in_dim3A_1 {strides = array<i32>} : memref<128x32xf32, #tpu.memory_space<vmem>>, vector<16xf32>,
      %scan3A_66 = arith.constant 3 : i32
      %scan3A_67 = arith.addi %scan3A_44, %scan3A_66 : i32
      %swap3A_68 = arith.index_cast %scan3A_67 : i32 to index
      %swap3A_69 = arith.constant 0 : index
      %swap3A_70 = tpu.vector_load %arg11[%swap3A_68, %swap3A_69] {strides = array<i32>} : memref<128x32xf32, #tpu.memory_space<vmem>>, vector<16xf32>,
      tpu.vector_store %arg11[%swap3A_68, %swap3A_69], %broadcast_in_dim3A_1 {strides = array<i32>} : memref<128x32xf32, #tpu.memory_space<vmem>>, vector<16xf32>,
      %swap3A_71 = arith.index_cast %scan3A_67 : i32 to index
      %swap3A_72 = arith.constant 16 : index
      %swap3A_73 = tpu.vector_load %arg11[%swap3A_71, %swap3A_72] {strides = array<i32>} : memref<128x32xf32, #tpu.memory_space<vmem>>, vector<16xf32>,
      tpu.vector_store %arg11[%swap3A_71, %swap3A_72], %broadcast_in_dim3A_1 {strides = array<i32>} : memref<128x32xf32, #tpu.memory_space<vmem>>, vector<16xf32>,
      %scan3A_74 = arith.constant 4 : i32
      %scan3A_75 = arith.addi %scan3A_44, %scan3A_74 : i32
      %swap3A_76 = arith.index_cast %scan3A_75 : i32 to index
      %swap3A_77 = arith.constant 0 : index
      %swap3A_78 = tpu.vector_load %arg11[%swap3A_76, %swap3A_77] {strides = array<i32>} : memref<128x32xf32, #tpu.memory_space<vmem>>, vector<16xf32>,
      tpu.vector_store %arg11[%swap3A_76, %swap3A_77], %broadcast_in_dim3A_1 {strides = array<i32>} : memref<128x32xf32, #tpu.memory_space<vmem>>, vector<16xf32>,
      %swap3A_79 = arith.index_cast %scan3A_75 : i32 to index
      %swap3A_80 = arith.constant 16 : index
      %swap3A_81 = tpu.vector_load %arg11[%swap3A_79, %swap3A_80] {strides = array<i32>} : memref<128x32xf32, #tpu.memory_space<vmem>>, vector<16xf32>,
      tpu.vector_store %arg11[%swap3A_79, %swap3A_80], %broadcast_in_dim3A_1 {strides = array<i32>} : memref<128x32xf32, #tpu.memory_space<vmem>>, vector<16xf32>,
      %scan3A_82 = arith.constant 5 : i32
      %scan3A_83 = arith.addi %scan3A_44, %scan3A_82 : i32
      %swap3A_84 = arith.index_cast %scan3A_83 : i32 to index
      %swap3A_85 = arith.constant 0 : index
      %swap3A_86 = tpu.vector_load %arg11[%swap3A_84, %swap3A_85] {strides = array<i32>} : memref<128x32xf32, #tpu.memory_space<vmem>>, vector<16xf32>,
      tpu.vector_store %arg11[%swap3A_84, %swap3A_85], %broadcast_in_dim3A_1 {strides = array<i32>} : memref<128x32xf32, #tpu.memory_space<vmem>>, vector<16xf32>,
      %swap3A_87 = arith.index_cast %scan3A_83 : i32 to index
      %swap3A_88 = arith.constant 16 : index
      %swap3A_89 = tpu.vector_load %arg11[%swap3A_87, %swap3A_88] {strides = array<i32>} : memref<128x32xf32, #tpu.memory_space<vmem>>, vector<16xf32>,
      tpu.vector_store %arg11[%swap3A_87, %swap3A_88], %broadcast_in_dim3A_1 {strides = array<i32>} : memref<128x32xf32, #tpu.memory_space<vmem>>, vector<16xf32>,
      %scan3A_90 = arith.constant 6 : i32
      %scan3A_91 = arith.addi %scan3A_44, %scan3A_90 : i32
      %swap3A_92 = arith.index_cast %scan3A_91 : i32 to index
      %swap3A_93 = arith.constant 0 : index
      %swap3A_94 = tpu.vector_load %arg11[%swap3A_92, %swap3A_93] {strides = array<i32>} : memref<128x32xf32, #tpu.memory_space<vmem>>, vector<16xf32>,
      tpu.vector_store %arg11[%swap3A_92, %swap3A_93], %broadcast_in_dim3A_1 {strides = array<i32>} : memref<128x32xf32, #tpu.memory_space<vmem>>, vector<16xf32>,
      %swap3A_95 = arith.index_cast %scan3A_91 : i32 to index
      %swap3A_96 = arith.constant 16 : index
      %swap3A_97 = tpu.vector_load %arg11[%swap3A_95, %swap3A_96] {strides = array<i32>} : memref<128x32xf32, #tpu.memory_space<vmem>>, vector<16xf32>,
      tpu.vector_store %arg11[%swap3A_95, %swap3A_96], %broadcast_in_dim3A_1 {strides = array<i32>} : memref<128x32xf32, #tpu.memory_space<vmem>>, vector<16xf32>,
      %scan3A_98 = arith.constant 7 : i32
      %scan3A_99 = arith.addi %scan3A_44, %scan3A_98 : i32
      %swap3A_100 = arith.index_cast %scan3A_99 : i32 to index
      %swap3A_101 = arith.constant 0 : index
      %swap3A_102 = tpu.vector_load %arg11[%swap3A_100, %swap3A_101] {strides = array<i32>} : memref<128x32xf32, #tpu.memory_space<vmem>>, vector<16xf32>,
      tpu.vector_store %arg11[%swap3A_100, %swap3A_101], %broadcast_in_dim3A_1 {strides = array<i32>} : memref<128x32xf32, #tpu.memory_space<vmem>>, vector<16xf32>,
      %swap3A_103 = arith.index_cast %scan3A_99 : i32 to index
      %swap3A_104 = arith.constant 16 : index
      %swap3A_105 = tpu.vector_load %arg11[%swap3A_103, %swap3A_104] {strides = array<i32>} : memref<128x32xf32, #tpu.memory_space<vmem>>, vector<16xf32>,
      tpu.vector_store %arg11[%swap3A_103, %swap3A_104], %broadcast_in_dim3A_1 {strides = array<i32>} : memref<128x32xf32, #tpu.memory_space<vmem>>, vector<16xf32>,
    }
    %scan3A_6 = arith.constant 128 : i32
    %dma_start3A = arith.constant 0 : i32
    %dma_start3A_7 = tpu.memref_slice %arg6[%dma_start3A] : memref<25600xi32, #tpu.memory_space<vmem>> -> memref<640xi32, #tpu.memory_space<vmem>>
    %dma_start3A_8 = arith.constant 0 : i32
    %dma_start3A_9 = arith.constant 0 : i32
    %dma_start3A_10 = tpu.memref_slice %arg3[%dma_start3A_8, %dma_start3A_9] : memref<100000x32xf32, #tpu.memory_space<hbm>> -> memref<100000x32xf32, #tpu.memory_space<hbm>>
    tpu.enqueue_indirect_dma source(%dma_start3A_10 : memref<100000x32xf32, #tpu.memory_space<hbm>>) target(%arg7 : memref<640x32xf32, #tpu.memory_space<vmem>>) offsets(%dma_start3A_7 : memref<640xi32, #tpu.memory_space<vmem>>) semaphore(%arg13 : memref<!tpu.dma_semaphore, #tpu.memory_space<semaphore_mem>>)
    %dma_start3A_11 = arith.constant 640 : i32
    %dma_start3A_12 = tpu.memref_slice %arg6[%dma_start3A_11] : memref<25600xi32, #tpu.memory_space<vmem>> -> memref<640xi32, #tpu.memory_space<vmem>>
    %dma_start3A_13 = arith.constant 0 : i32
    %dma_start3A_14 = arith.constant 0 : i32
    %dma_start3A_15 = tpu.memref_slice %arg3[%dma_start3A_13, %dma_start3A_14] : memref<100000x32xf32, #tpu.memory_space<hbm>> -> memref<100000x32xf32, #tpu.memory_space<hbm>>
    tpu.enqueue_indirect_dma source(%dma_start3A_15 : memref<100000x32xf32, #tpu.memory_space<hbm>>) target(%arg8 : memref<640x32xf32, #tpu.memory_space<vmem>>) offsets(%dma_start3A_12 : memref<640xi32, #tpu.memory_space<vmem>>) semaphore(%arg14 : memref<!tpu.dma_semaphore, #tpu.memory_space<semaphore_mem>>)
    %dma_start3A_16 = arith.constant 1280 : i32
    %dma_start3A_17 = tpu.memref_slice %arg6[%dma_start3A_16] : memref<25600xi32, #tpu.memory_space<vmem>> -> memref<640xi32, #tpu.memory_space<vmem>>
    %dma_start3A_18 = arith.constant 0 : i32
    %dma_start3A_19 = arith.constant 0 : i32
    %dma_start3A_20 = tpu.memref_slice %arg3[%dma_start3A_18, %dma_start3A_19] : memref<100000x32xf32, #tpu.memory_space<hbm>> -> memref<100000x32xf32, #tpu.memory_space<hbm>>
    tpu.enqueue_indirect_dma source(%dma_start3A_20 : memref<100000x32xf32, #tpu.memory_space<hbm>>) target(%arg9 : memref<640x32xf32, #tpu.memory_space<vmem>>) offsets(%dma_start3A_17 : memref<640xi32, #tpu.memory_space<vmem>>) semaphore(%arg15 : memref<!tpu.dma_semaphore, #tpu.memory_space<semaphore_mem>>)
    %dma_start3A_21 = arith.constant 1920 : i32
    %dma_start3A_22 = tpu.memref_slice %arg6[%dma_start3A_21] : memref<25600xi32, #tpu.memory_space<vmem>> -> memref<640xi32, #tpu.memory_space<vmem>>
    %dma_start3A_23 = arith.constant 0 : i32
    %dma_start3A_24 = arith.constant 0 : i32
    %dma_start3A_25 = tpu.memref_slice %arg3[%dma_start3A_23, %dma_start3A_24] : memref<100000x32xf32, #tpu.memory_space<hbm>> -> memref<100000x32xf32, #tpu.memory_space<hbm>>
    tpu.enqueue_indirect_dma source(%dma_start3A_25 : memref<100000x32xf32, #tpu.memory_space<hbm>>) target(%arg10 : memref<640x32xf32, #tpu.memory_space<vmem>>) offsets(%dma_start3A_22 : memref<640xi32, #tpu.memory_space<vmem>>) semaphore(%arg16 : memref<!tpu.dma_semaphore, #tpu.memory_space<semaphore_mem>>)
    %scan3A_26 = arith.constant 0 : i32
    %scan3A_27 = arith.constant 0 : i32
    %scan3A_28 = arith.constant 10 : i32
    %scan3A_29 = arith.addi %scan3A_27, %scan3A_28 : i32
    %scan3A_30 = arith.constant 1 : i32
    scf.for %scan3A_44 = %scan3A_27 to %scan3A_29 step %scan3A_30  : i32 {
      %mul3A_45 = arith.constant 4 : i32
      %mul3A_46 = arith.muli %scan3A_44, %mul3A_45 : i32
      %add3A_47 = arith.constant 0 : i32
      %add3A_48 = arith.addi %mul3A_46, %add3A_47 : i32
      %mul3A_49 = arith.constant 5 : i32
      %mul3A_50 = arith.muli %add3A_48, %mul3A_49 : i32
      %mul3A_51 = arith.constant 128 : i32
      %mul3A_52 = arith.muli %mul3A_50, %mul3A_51 : i32
      %dma_wait3A = tpu.memref_slice %arg6[%mul3A_52] : memref<25600xi32, #tpu.memory_space<vmem>> -> memref<640xi32, #tpu.memory_space<vmem>>
      %dma_wait3A_53 = arith.constant 0 : i32
      %dma_wait3A_54 = arith.constant 0 : i32
      %dma_wait3A_55 = tpu.memref_slice %arg3[%dma_wait3A_53, %dma_wait3A_54] : memref<100000x32xf32, #tpu.memory_space<hbm>> -> memref<100000x32xf32, #tpu.memory_space<hbm>>
      tpu.wait_indirect_dma semaphore(%arg13 : memref<!tpu.dma_semaphore, #tpu.memory_space<semaphore_mem>>) src(%dma_wait3A_55 : memref<100000x32xf32, #tpu.memory_space<hbm>>) dst(%arg7 : memref<640x32xf32, #tpu.memory_space<vmem>>)
      %scan3A_56 = arith.constant 0 : i32
      %scan3A_57 = arith.constant 0 : i32
      %scan3A_58 = arith.constant 128 : i32
      %scan3A_59 = arith.addi %scan3A_57, %scan3A_58 : i32
      %scan3A_60 = arith.constant 8 : i32
      scf.for %scan3A_135 = %scan3A_57 to %scan3A_59 step %scan3A_60  : i32 {
        %get3A_136 = arith.index_cast %scan3A_135 : i32 to index
        %get3A_137 = arith.constant 0 : index
        %get3A_138 = tpu.vector_load %arg7[%get3A_136, %get3A_137] {strides = array<i32>} : memref<640x32xf32, #tpu.memory_space<vmem>>, vector<16xf32>,
        %get3A_139 = arith.index_cast %scan3A_135 : i32 to index
        %get3A_140 = arith.constant 16 : index
        %get3A_141 = tpu.vector_load %arg7[%get3A_139, %get3A_140] {strides = array<i32>} : memref<640x32xf32, #tpu.memory_space<vmem>>, vector<16xf32>,
        %add3A_142 = arith.constant 128 : i32
        %add3A_143 = arith.addi %add3A_142, %scan3A_135 : i32
        %get3A_144 = arith.index_cast %add3A_143 : i32 to index
        %get3A_145 = arith.constant 0 : index
        %get3A_146 = tpu.vector_load %arg7[%get3A_144, %get3A_145] {strides = array<i32>} : memref<640x32xf32, #tpu.memory_space<vmem>>, vector<16xf32>,
        %add3A_147 = arith.addf %get3A_138, %get3A_146 : vector<16xf32>
        %get3A_148 = arith.index_cast %add3A_143 : i32 to index
        %get3A_149 = arith.constant 16 : index
        %get3A_150 = tpu.vector_load %arg7[%get3A_148, %get3A_149] {strides = array<i32>} : memref<640x32xf32, #tpu.memory_space<vmem>>, vector<16xf32>,
        %add3A_151 = arith.addf %get3A_141, %get3A_150 : vector<16xf32>
        %add3A_152 = arith.constant 256 : i32
        %add3A_153 = arith.addi %add3A_152, %scan3A_135 : i32
        %get3A_154 = arith.index_cast %add3A_153 : i32 to index
        %get3A_155 = arith.constant 0 : index
        %get3A_156 = tpu.vector_load %arg7[%get3A_154, %get3A_155] {strides = array<i32>} : memref<640x32xf32, #tpu.memory_space<vmem>>, vector<16xf32>,
        %add3A_157 = arith.addf %add3A_147, %get3A_156 : vector<16xf32>
        %get3A_158 = arith.index_cast %add3A_153 : i32 to index
        %get3A_159 = arith.constant 16 : index
        %get3A_160 = tpu.vector_load %arg7[%get3A_158, %get3A_159] {strides = array<i32>} : memref<640x32xf32, #tpu.memory_space<vmem>>, vector<16xf32>,
        %add3A_161 = arith.addf %add3A_151, %get3A_160 : vector<16xf32>
        %add3A_162 = arith.constant 384 : i32
        %add3A_163 = arith.addi %add3A_162, %scan3A_135 : i32
        %get3A_164 = arith.index_cast %add3A_163 : i32 to index
        %get3A_165 = arith.constant 0 : index
        %get3A_166 = tpu.vector_load %arg7[%get3A_164, %get3A_165] {strides = array<i32>} : memref<640x32xf32, #tpu.memory_space<vmem>>, vector<16xf32>,
        %add3A_167 = arith.addf %add3A_157, %get3A_166 : vector<16xf32>
        %get3A_168 = arith.index_cast %add3A_163 : i32 to index
        %get3A_169 = arith.constant 16 : index
        %get3A_170 = tpu.vector_load %arg7[%get3A_168, %get3A_169] {strides = array<i32>} : memref<640x32xf32, #tpu.memory_space<vmem>>, vector<16xf32>,
        %add3A_171 = arith.addf %add3A_161, %get3A_170 : vector<16xf32>
        %add3A_172 = arith.constant 512 : i32
        %add3A_173 = arith.addi %add3A_172, %scan3A_135 : i32
        %get3A_174 = arith.index_cast %add3A_173 : i32 to index
        %get3A_175 = arith.constant 0 : index
        %get3A_176 = tpu.vector_load %arg7[%get3A_174, %get3A_175] {strides = array<i32>} : memref<640x32xf32, #tpu.memory_space<vmem>>, vector<16xf32>,
        %add3A_177 = arith.addf %add3A_167, %get3A_176 : vector<16xf32>
        %get3A_178 = arith.index_cast %add3A_173 : i32 to index
        %get3A_179 = arith.constant 16 : index
        %get3A_180 = tpu.vector_load %arg7[%get3A_178, %get3A_179] {strides = array<i32>} : memref<640x32xf32, #tpu.memory_space<vmem>>, vector<16xf32>,
        %add3A_181 = arith.addf %add3A_171, %get3A_180 : vector<16xf32>
        %swap3A = arith.index_cast %scan3A_135 : i32 to index
        %swap3A_182 = arith.constant 0 : index
        %swap3A_183 = tpu.vector_load %arg11[%swap3A, %swap3A_182] {strides = array<i32>} : memref<128x32xf32, #tpu.memory_space<vmem>>, vector<16xf32>,
        tpu.vector_store %arg11[%swap3A, %swap3A_182], %add3A_177 {add = true, strides = array<i32>} : memref<128x32xf32, #tpu.memory_space<vmem>>, vector<16xf32>,
        %swap3A_184 = arith.index_cast %scan3A_135 : i32 to index
        %swap3A_185 = arith.constant 16 : index
        %swap3A_186 = tpu.vector_load %arg11[%swap3A_184, %swap3A_185] {strides = array<i32>} : memref<128x32xf32, #tpu.memory_space<vmem>>, vector<16xf32>,
        tpu.vector_store %arg11[%swap3A_184, %swap3A_185], %add3A_181 {add = true, strides = array<i32>} : memref<128x32xf32, #tpu.memory_space<vmem>>, vector<16xf32>,
        %scan3A_187 = arith.constant 1 : i32
        %scan3A_188 = arith.addi %scan3A_135, %scan3A_187 : i32
        %get3A_189 = arith.index_cast %scan3A_188 : i32 to index
        %get3A_190 = arith.constant 0 : index
        %get3A_191 = tpu.vector_load %arg7[%get3A_189, %get3A_190] {strides = array<i32>} : memref<640x32xf32, #tpu.memory_space<vmem>>, vector<16xf32>,
        %get3A_192 = arith.index_cast %scan3A_188 : i32 to index
        %get3A_193 = arith.constant 16 : index
        %get3A_194 = tpu.vector_load %arg7[%get3A_192, %get3A_193] {strides = array<i32>} : memref<640x32xf32, #tpu.memory_space<vmem>>, vector<16xf32>,
        %add3A_195 = arith.constant 128 : i32
        %add3A_196 = arith.addi %add3A_195, %scan3A_188 : i32
        %get3A_197 = arith.index_cast %add3A_196 : i32 to index
        %get3A_198 = arith.constant 0 : index
        %get3A_199 = tpu.vector_load %arg7[%get3A_197, %get3A_198] {strides = array<i32>} : memref<640x32xf32, #tpu.memory_space<vmem>>, vector<16xf32>,
        %add3A_200 = arith.addf %get3A_191, %get3A_199 : vector<16xf32>
        %get3A_201 = arith.index_cast %add3A_196 : i32 to index
        %get3A_202 = arith.constant 16 : index
        %get3A_203 = tpu.vector_load %arg7[%get3A_201, %get3A_202] {strides = array<i32>} : memref<640x32xf32, #tpu.memory_space<vmem>>, vector<16xf32>,
        %add3A_204 = arith.addf %get3A_194, %get3A_203 : vector<16xf32>
        %add3A_205 = arith.constant 256 : i32
        %add3A_206 = arith.addi %add3A_205, %scan3A_188 : i32
        %get3A_207 = arith.index_cast %add3A_206 : i32 to index
        %get3A_208 = arith.constant 0 : index
        %get3A_209 = tpu.vector_load %arg7[%get3A_207, %get3A_208] {strides = array<i32>} : memref<640x32xf32, #tpu.memory_space<vmem>>, vector<16xf32>,
        %add3A_210 = arith.addf %add3A_200, %get3A_209 : vector<16xf32>
        %get3A_211 = arith.index_cast %add3A_206 : i32 to index
        %get3A_212 = arith.constant 16 : index
        %get3A_213 = tpu.vector_load %arg7[%get3A_211, %get3A_212] {strides = array<i32>} : memref<640x32xf32, #tpu.memory_space<vmem>>, vector<16xf32>,
        %add3A_214 = arith.addf %add3A_204, %get3A_213 : vector<16xf32>
        %add3A_215 = arith.constant 384 : i32
        %add3A_216 = arith.addi %add3A_215, %scan3A_188 : i32
        %get3A_217 = arith.index_cast %add3A_216 : i32 to index
        %get3A_218 = arith.constant 0 : index
        %get3A_219 = tpu.vector_load %arg7[%get3A_217, %get3A_218] {strides = array<i32>} : memref<640x32xf32, #tpu.memory_space<vmem>>, vector<16xf32>,
        %add3A_220 = arith.addf %add3A_210, %get3A_219 : vector<16xf32>
        %get3A_221 = arith.index_cast %add3A_216 : i32 to index
        %get3A_222 = arith.constant 16 : index
        %get3A_223 = tpu.vector_load %arg7[%get3A_221, %get3A_222] {strides = array<i32>} : memref<640x32xf32, #tpu.memory_space<vmem>>, vector<16xf32>,
        %add3A_224 = arith.addf %add3A_214, %get3A_223 : vector<16xf32>
        %add3A_225 = arith.constant 512 : i32
        %add3A_226 = arith.addi %add3A_225, %scan3A_188 : i32
        %get3A_227 = arith.index_cast %add3A_226 : i32 to index
        %get3A_228 = arith.constant 0 : index
        %get3A_229 = tpu.vector_load %arg7[%get3A_227, %get3A_228] {strides = array<i32>} : memref<640x32xf32, #tpu.memory_space<vmem>>, vector<16xf32>,
        %add3A_230 = arith.addf %add3A_220, %get3A_229 : vector<16xf32>
        %get3A_231 = arith.index_cast %add3A_226 : i32 to index
        %get3A_232 = arith.constant 16 : index
        %get3A_233 = tpu.vector_load %arg7[%get3A_231, %get3A_232] {strides = array<i32>} : memref<640x32xf32, #tpu.memory_space<vmem>>, vector<16xf32>,
        %add3A_234 = arith.addf %add3A_224, %get3A_233 : vector<16xf32>
        %swap3A_235 = arith.index_cast %scan3A_188 : i32 to index
        %swap3A_236 = arith.constant 0 : index
        %swap3A_237 = tpu.vector_load %arg11[%swap3A_235, %swap3A_236] {strides = array<i32>} : memref<128x32xf32, #tpu.memory_space<vmem>>, vector<16xf32>,
        tpu.vector_store %arg11[%swap3A_235, %swap3A_236], %add3A_230 {add = true, strides = array<i32>} : memref<128x32xf32, #tpu.memory_space<vmem>>, vector<16xf32>,
        %swap3A_238 = arith.index_cast %scan3A_188 : i32 to index
        %swap3A_239 = arith.constant 16 : index
        %swap3A_240 = tpu.vector_load %arg11[%swap3A_238, %swap3A_239] {strides = array<i32>} : memref<128x32xf32, #tpu.memory_space<vmem>>, vector<16xf32>,
        tpu.vector_store %arg11[%swap3A_238, %swap3A_239], %add3A_234 {add = true, strides = array<i32>} : memref<128x32xf32, #tpu.memory_space<vmem>>, vector<16xf32>,
        %scan3A_241 = arith.constant 2 : i32
        %scan3A_242 = arith.addi %scan3A_135, %scan3A_241 : i32
        %get3A_243 = arith.index_cast %scan3A_242 : i32 to index
        %get3A_244 = arith.constant 0 : index
        %get3A_245 = tpu.vector_load %arg7[%get3A_243, %get3A_244] {strides = array<i32>} : memref<640x32xf32, #tpu.memory_space<vmem>>, vector<16xf32>,
        %get3A_246 = arith.index_cast %scan3A_242 : i32 to index
        %get3A_247 = arith.constant 16 : index
        %get3A_248 = tpu.vector_load %arg7[%get3A_246, %get3A_247] {strides = array<i32>} : memref<640x32xf32, #tpu.memory_space<vmem>>, vector<16xf32>,
        %add3A_249 = arith.constant 128 : i32
        %add3A_250 = arith.addi %add3A_249, %scan3A_242 : i32
        %get3A_251 = arith.index_cast %add3A_250 : i32 to index
        %get3A_252 = arith.constant 0 : index
        %get3A_253 = tpu.vector_load %arg7[%get3A_251, %get3A_252] {strides = array<i32>} : memref<640x32xf32, #tpu.memory_space<vmem>>, vector<16xf32>,
        %add3A_254 = arith.addf %get3A_245, %get3A_253 : vector<16xf32>
        %get3A_255 = arith.index_cast %add3A_250 : i32 to index
        %get3A_256 = arith.constant 16 : index
        %get3A_257 = tpu.vector_load %arg7[%get3A_255, %get3A_256] {strides = array<i32>} : memref<640x32xf32, #tpu.memory_space<vmem>>, vector<16xf32>,
        %add3A_258 = arith.addf %get3A_248, %get3A_257 : vector<16xf32>
        %add3A_259 = arith.constant 256 : i32
        %add3A_260 = arith.addi %add3A_259, %scan3A_242 : i32
        %get3A_261 = arith.index_cast %add3A_260 : i32 to index
        %get3A_262 = arith.constant 0 : index
        %get3A_263 = tpu.vector_load %arg7[%get3A_261, %get3A_262] {strides = array<i32>} : memref<640x32xf32, #tpu.memory_space<vmem>>, vector<16xf32>,
        %add3A_264 = arith.addf %add3A_254, %get3A_263 : vector<16xf32>
        %get3A_265 = arith.index_cast %add3A_260 : i32 to index
        %get3A_266 = arith.constant 16 : index
        %get3A_267 = tpu.vector_load %arg7[%get3A_265, %get3A_266] {strides = array<i32>} : memref<640x32xf32, #tpu.memory_space<vmem>>, vector<16xf32>,
        %add3A_268 = arith.addf %add3A_258, %get3A_267 : vector<16xf32>
        %add3A_269 = arith.constant 384 : i32
        %add3A_270 = arith.addi %add3A_269, %scan3A_242 : i32
        %get3A_271 = arith.index_cast %add3A_270 : i32 to index
        %get3A_272 = arith.constant 0 : index
        %get3A_273 = tpu.vector_load %arg7[%get3A_271, %get3A_272] {strides = array<i32>} : memref<640x32xf32, #tpu.memory_space<vmem>>, vector<16xf32>,
        %add3A_274 = arith.addf %add3A_264, %get3A_273 : vector<16xf32>
        %get3A_275 = arith.index_cast %add3A_270 : i32 to index
        %get3A_276 = arith.constant 16 : index
        %get3A_277 = tpu.vector_load %arg7[%get3A_275, %get3A_276] {strides = array<i32>} : memref<640x32xf32, #tpu.memory_space<vmem>>, vector<16xf32>,
        %add3A_278 = arith.addf %add3A_268, %get3A_277 : vector<16xf32>
        %add3A_279 = arith.constant 512 : i32
        %add3A_280 = arith.addi %add3A_279, %scan3A_242 : i32
        %get3A_281 = arith.index_cast %add3A_280 : i32 to index
        %get3A_282 = arith.constant 0 : index
        %get3A_283 = tpu.vector_load %arg7[%get3A_281, %get3A_282] {strides = array<i32>} : memref<640x32xf32, #tpu.memory_space<vmem>>, vector<16xf32>,
        %add3A_284 = arith.addf %add3A_274, %get3A_283 : vector<16xf32>
        %get3A_285 = arith.index_cast %add3A_280 : i32 to index
        %get3A_286 = arith.constant 16 : index
        %get3A_287 = tpu.vector_load %arg7[%get3A_285, %get3A_286] {strides = array<i32>} : memref<640x32xf32, #tpu.memory_space<vmem>>, vector<16xf32>,
        %add3A_288 = arith.addf %add3A_278, %get3A_287 : vector<16xf32>
        %swap3A_289 = arith.index_cast %scan3A_242 : i32 to index
        %swap3A_290 = arith.constant 0 : index
        %swap3A_291 = tpu.vector_load %arg11[%swap3A_289, %swap3A_290] {strides = array<i32>} : memref<128x32xf32, #tpu.memory_space<vmem>>, vector<16xf32>,
        tpu.vector_store %arg11[%swap3A_289, %swap3A_290], %add3A_284 {add = true, strides = array<i32>} : memref<128x32xf32, #tpu.memory_space<vmem>>, vector<16xf32>,
        %swap3A_292 = arith.index_cast %scan3A_242 : i32 to index
        %swap3A_293 = arith.constant 16 : index
        %swap3A_294 = tpu.vector_load %arg11[%swap3A_292, %swap3A_293] {strides = array<i32>} : memref<128x32xf32, #tpu.memory_space<vmem>>, vector<16xf32>,
        tpu.vector_store %arg11[%swap3A_292, %swap3A_293], %add3A_288 {add = true, strides = array<i32>} : memref<128x32xf32, #tpu.memory_space<vmem>>, vector<16xf32>,
        %scan3A_295 = arith.constant 3 : i32
        %scan3A_296 = arith.addi %scan3A_135, %scan3A_295 : i32
        %get3A_297 = arith.index_cast %scan3A_296 : i32 to index
        %get3A_298 = arith.constant 0 : index
        %get3A_299 = tpu.vector_load %arg7[%get3A_297, %get3A_298] {strides = array<i32>} : memref<640x32xf32, #tpu.memory_space<vmem>>, vector<16xf32>,
        %get3A_300 = arith.index_cast %scan3A_296 : i32 to index
        %get3A_301 = arith.constant 16 : index
        %get3A_302 = tpu.vector_load %arg7[%get3A_300, %get3A_301] {strides = array<i32>} : memref<640x32xf32, #tpu.memory_space<vmem>>, vector<16xf32>,
        %add3A_303 = arith.constant 128 : i32
        %add3A_304 = arith.addi %add3A_303, %scan3A_296 : i32
        %get3A_305 = arith.index_cast %add3A_304 : i32 to index
        %get3A_306 = arith.constant 0 : index
        %get3A_307 = tpu.vector_load %arg7[%get3A_305, %get3A_306] {strides = array<i32>} : memref<640x32xf32, #tpu.memory_space<vmem>>, vector<16xf32>,
        %add3A_308 = arith.addf %get3A_299, %get3A_307 : vector<16xf32>
        %get3A_309 = arith.index_cast %add3A_304 : i32 to index
        %get3A_310 = arith.constant 16 : index
        %get3A_311 = tpu.vector_load %arg7[%get3A_309, %get3A_310] {strides = array<i32>} : memref<640x32xf32, #tpu.memory_space<vmem>>, vector<16xf32>,
        %add3A_312 = arith.addf %get3A_302, %get3A_311 : vector<16xf32>
        %add3A_313 = arith.constant 256 : i32
        %add3A_314 = arith.addi %add3A_313, %scan3A_296 : i32
        %get3A_315 = arith.index_cast %add3A_314 : i32 to index
        %get3A_316 = arith.constant 0 : index
        %get3A_317 = tpu.vector_load %arg7[%get3A_315, %get3A_316] {strides = array<i32>} : memref<640x32xf32, #tpu.memory_space<vmem>>, vector<16xf32>,
        %add3A_318 = arith.addf %add3A_308, %get3A_317 : vector<16xf32>
        %get3A_319 = arith.index_cast %add3A_314 : i32 to index
        %get3A_320 = arith.constant 16 : index
        %get3A_321 = tpu.vector_load %arg7[%get3A_319, %get3A_320] {strides = array<i32>} : memref<640x32xf32, #tpu.memory_space<vmem>>, vector<16xf32>,
        %add3A_322 = arith.addf %add3A_312, %get3A_321 : vector<16xf32>
        %add3A_323 = arith.constant 384 : i32
        %add3A_324 = arith.addi %add3A_323, %scan3A_296 : i32
        %get3A_325 = arith.index_cast %add3A_324 : i32 to index
        %get3A_326 = arith.constant 0 : index
        %get3A_327 = tpu.vector_load %arg7[%get3A_325, %get3A_326] {strides = array<i32>} : memref<640x32xf32, #tpu.memory_space<vmem>>, vector<16xf32>,
        %add3A_328 = arith.addf %add3A_318, %get3A_327 : vector<16xf32>
        %get3A_329 = arith.index_cast %add3A_324 : i32 to index
        %get3A_330 = arith.constant 16 : index
        %get3A_331 = tpu.vector_load %arg7[%get3A_329, %get3A_330] {strides = array<i32>} : memref<640x32xf32, #tpu.memory_space<vmem>>, vector<16xf32>,
        %add3A_332 = arith.addf %add3A_322, %get3A_331 : vector<16xf32>
        %add3A_333 = arith.constant 512 : i32
        %add3A_334 = arith.addi %add3A_333, %scan3A_296 : i32
        %get3A_335 = arith.index_cast %add3A_334 : i32 to index
        %get3A_336 = arith.constant 0 : index
        %get3A_337 = tpu.vector_load %arg7[%get3A_335, %get3A_336] {strides = array<i32>} : memref<640x32xf32, #tpu.memory_space<vmem>>, vector<16xf32>,
        %add3A_338 = arith.addf %add3A_328, %get3A_337 : vector<16xf32>
        %get3A_339 = arith.index_cast %add3A_334 : i32 to index
        %get3A_340 = arith.constant 16 : index
        %get3A_341 = tpu.vector_load %arg7[%get3A_339, %get3A_340] {strides = array<i32>} : memref<640x32xf32, #tpu.memory_space<vmem>>, vector<16xf32>,
        %add3A_342 = arith.addf %add3A_332, %get3A_341 : vector<16xf32>
        %swap3A_343 = arith.index_cast %scan3A_296 : i32 to index
        %swap3A_344 = arith.constant 0 : index
        %swap3A_345 = tpu.vector_load %arg11[%swap3A_343, %swap3A_344] {strides = array<i32>} : memref<128x32xf32, #tpu.memory_space<vmem>>, vector<16xf32>,
        tpu.vector_store %arg11[%swap3A_343, %swap3A_344], %add3A_338 {add = true, strides = array<i32>} : memref<128x32xf32, #tpu.memory_space<vmem>>, vector<16xf32>,
        %swap3A_346 = arith.index_cast %scan3A_296 : i32 to index
        %swap3A_347 = arith.constant 16 : index
        %swap3A_348 = tpu.vector_load %arg11[%swap3A_346, %swap3A_347] {strides = array<i32>} : memref<128x32xf32, #tpu.memory_space<vmem>>, vector<16xf32>,
        tpu.vector_store %arg11[%swap3A_346, %swap3A_347], %add3A_342 {add = true, strides = array<i32>} : memref<128x32xf32, #tpu.memory_space<vmem>>, vector<16xf32>,
        %scan3A_349 = arith.constant 4 : i32
        %scan3A_350 = arith.addi %scan3A_135, %scan3A_349 : i32
        %get3A_351 = arith.index_cast %scan3A_350 : i32 to index
        %get3A_352 = arith.constant 0 : index
        %get3A_353 = tpu.vector_load %arg7[%get3A_351, %get3A_352] {strides = array<i32>} : memref<640x32xf32, #tpu.memory_space<vmem>>, vector<16xf32>,
        %get3A_354 = arith.index_cast %scan3A_350 : i32 to index
        %get3A_355 = arith.constant 16 : index
        %get3A_356 = tpu.vector_load %arg7[%get3A_354, %get3A_355] {strides = array<i32>} : memref<640x32xf32, #tpu.memory_space<vmem>>, vector<16xf32>,
        %add3A_357 = arith.constant 128 : i32
        %add3A_358 = arith.addi %add3A_357, %scan3A_350 : i32
        %get3A_359 = arith.index_cast %add3A_358 : i32 to index
        %get3A_360 = arith.constant 0 : index
        %get3A_361 = tpu.vector_load %arg7[%get3A_359, %get3A_360] {strides = array<i32>} : memref<640x32xf32, #tpu.memory_space<vmem>>, vector<16xf32>,
        %add3A_362 = arith.addf %get3A_353, %get3A_361 : vector<16xf32>
        %get3A_363 = arith.index_cast %add3A_358 : i32 to index
        %get3A_364 = arith.constant 16 : index
        %get3A_365 = tpu.vector_load %arg7[%get3A_363, %get3A_364] {strides = array<i32>} : memref<640x32xf32, #tpu.memory_space<vmem>>, vector<16xf32>,
        %add3A_366 = arith.addf %get3A_356, %get3A_365 : vector<16xf32>
        %add3A_367 = arith.constant 256 : i32
        %add3A_368 = arith.addi %add3A_367, %scan3A_350 : i32
        %get3A_369 = arith.index_cast %add3A_368 : i32 to index
        %get3A_370 = arith.constant 0 : index
        %get3A_371 = tpu.vector_load %arg7[%get3A_369, %get3A_370] {strides = array<i32>} : memref<640x32xf32, #tpu.memory_space<vmem>>, vector<16xf32>,
        %add3A_372 = arith.addf %add3A_362, %get3A_371 : vector<16xf32>
        %get3A_373 = arith.index_cast %add3A_368 : i32 to index
        %get3A_374 = arith.constant 16 : index
        %get3A_375 = tpu.vector_load %arg7[%get3A_373, %get3A_374] {strides = array<i32>} : memref<640x32xf32, #tpu.memory_space<vmem>>, vector<16xf32>,
        %add3A_376 = arith.addf %add3A_366, %get3A_375 : vector<16xf32>
        %add3A_377 = arith.constant 384 : i32
        %add3A_378 = arith.addi %add3A_377, %scan3A_350 : i32
        %get3A_379 = arith.index_cast %add3A_378 : i32 to index
        %get3A_380 = arith.constant 0 : index
        %get3A_381 = tpu.vector_load %arg7[%get3A_379, %get3A_380] {strides = array<i32>} : memref<640x32xf32, #tpu.memory_space<vmem>>, vector<16xf32>,
        %add3A_382 = arith.addf %add3A_372, %get3A_381 : vector<16xf32>
        %get3A_383 = arith.index_cast %add3A_378 : i32 to index
        %get3A_384 = arith.constant 16 : index
        %get3A_385 = tpu.vector_load %arg7[%get3A_383, %get3A_384] {strides = array<i32>} : memref<640x32xf32, #tpu.memory_space<vmem>>, vector<16xf32>,
        %add3A_386 = arith.addf %add3A_376, %get3A_385 : vector<16xf32>
        %add3A_387 = arith.constant 512 : i32
        %add3A_388 = arith.addi %add3A_387, %scan3A_350 : i32
        %get3A_389 = arith.index_cast %add3A_388 : i32 to index
        %get3A_390 = arith.constant 0 : index
        %get3A_391 = tpu.vector_load %arg7[%get3A_389, %get3A_390] {strides = array<i32>} : memref<640x32xf32, #tpu.memory_space<vmem>>, vector<16xf32>,
        %add3A_392 = arith.addf %add3A_382, %get3A_391 : vector<16xf32>
        %get3A_393 = arith.index_cast %add3A_388 : i32 to index
        %get3A_394 = arith.constant 16 : index
        %get3A_395 = tpu.vector_load %arg7[%get3A_393, %get3A_394] {strides = array<i32>} : memref<640x32xf32, #tpu.memory_space<vmem>>, vector<16xf32>,
        %add3A_396 = arith.addf %add3A_386, %get3A_395 : vector<16xf32>
        %swap3A_397 = arith.index_cast %scan3A_350 : i32 to index
        %swap3A_398 = arith.constant 0 : index
        %swap3A_399 = tpu.vector_load %arg11[%swap3A_397, %swap3A_398] {strides = array<i32>} : memref<128x32xf32, #tpu.memory_space<vmem>>, vector<16xf32>,
        tpu.vector_store %arg11[%swap3A_397, %swap3A_398], %add3A_392 {add = true, strides = array<i32>} : memref<128x32xf32, #tpu.memory_space<vmem>>, vector<16xf32>,
        %swap3A_400 = arith.index_cast %scan3A_350 : i32 to index
        %swap3A_401 = arith.constant 16 : index
        %swap3A_402 = tpu.vector_load %arg11[%swap3A_400, %swap3A_401] {strides = array<i32>} : memref<128x32xf32, #tpu.memory_space<vmem>>, vector<16xf32>,
        tpu.vector_store %arg11[%swap3A_400, %swap3A_401], %add3A_396 {add = true, strides = array<i32>} : memref<128x32xf32, #tpu.memory_space<vmem>>, vector<16xf32>,
        %scan3A_403 = arith.constant 5 : i32
        %scan3A_404 = arith.addi %scan3A_135, %scan3A_403 : i32
        %get3A_405 = arith.index_cast %scan3A_404 : i32 to index
        %get3A_406 = arith.constant 0 : index
        %get3A_407 = tpu.vector_load %arg7[%get3A_405, %get3A_406] {strides = array<i32>} : memref<640x32xf32, #tpu.memory_space<vmem>>, vector<16xf32>,
        %get3A_408 = arith.index_cast %scan3A_404 : i32 to index
        %get3A_409 = arith.constant 16 : index
        %get3A_410 = tpu.vector_load %arg7[%get3A_408, %get3A_409] {strides = array<i32>} : memref<640x32xf32, #tpu.memory_space<vmem>>, vector<16xf32>,
        %add3A_411 = arith.constant 128 : i32
        %add3A_412 = arith.addi %add3A_411, %scan3A_404 : i32
        %get3A_413 = arith.index_cast %add3A_412 : i32 to index
        %get3A_414 = arith.constant 0 : index
        %get3A_415 = tpu.vector_load %arg7[%get3A_413, %get3A_414] {strides = array<i32>} : memref<640x32xf32, #tpu.memory_space<vmem>>, vector<16xf32>,
        %add3A_416 = arith.addf %get3A_407, %get3A_415 : vector<16xf32>
        %get3A_417 = arith.index_cast %add3A_412 : i32 to index
        %get3A_418 = arith.constant 16 : index
        %get3A_419 = tpu.vector_load %arg7[%get3A_417, %get3A_418] {strides = array<i32>} : memref<640x32xf32, #tpu.memory_space<vmem>>, vector<16xf32>,
        %add3A_420 = arith.addf %get3A_410, %get3A_419 : vector<16xf32>
        %add3A_421 = arith.constant 256 : i32
        %add3A_422 = arith.addi %add3A_421, %scan3A_404 : i32
        %get3A_423 = arith.index_cast %add3A_422 : i32 to index
        %get3A_424 = arith.constant 0 : index
        %get3A_425 = tpu.vector_load %arg7[%get3A_423, %get3A_424] {strides = array<i32>} : memref<640x32xf32, #tpu.memory_space<vmem>>, vector<16xf32>,
        %add3A_426 = arith.addf %add3A_416, %get3A_425 : vector<16xf32>
        %get3A_427 = arith.index_cast %add3A_422 : i32 to index
        %get3A_428 = arith.constant 16 : index
        %get3A_429 = tpu.vector_load %arg7[%get3A_427, %get3A_428] {strides = array<i32>} : memref<640x32xf32, #tpu.memory_space<vmem>>, vector<16xf32>,
        %add3A_430 = arith.addf %add3A_420, %get3A_429 : vector<16xf32>
        %add3A_431 = arith.constant 384 : i32
        %add3A_432 = arith.addi %add3A_431, %scan3A_404 : i32
        %get3A_433 = arith.index_cast %add3A_432 : i32 to index
        %get3A_434 = arith.constant 0 : index
        %get3A_435 = tpu.vector_load %arg7[%get3A_433, %get3A_434] {strides = array<i32>} : memref<640x32xf32, #tpu.memory_space<vmem>>, vector<16xf32>,
        %add3A_436 = arith.addf %add3A_426, %get3A_435 : vector<16xf32>
        %get3A_437 = arith.index_cast %add3A_432 : i32 to index
        %get3A_438 = arith.constant 16 : index
        %get3A_439 = tpu.vector_load %arg7[%get3A_437, %get3A_438] {strides = array<i32>} : memref<640x32xf32, #tpu.memory_space<vmem>>, vector<16xf32>,
        %add3A_440 = arith.addf %add3A_430, %get3A_439 : vector<16xf32>
        %add3A_441 = arith.constant 512 : i32
        %add3A_442 = arith.addi %add3A_441, %scan3A_404 : i32
        %get3A_443 = arith.index_cast %add3A_442 : i32 to index
        %get3A_444 = arith.constant 0 : index
        %get3A_445 = tpu.vector_load %arg7[%get3A_443, %get3A_444] {strides = array<i32>} : memref<640x32xf32, #tpu.memory_space<vmem>>, vector<16xf32>,
        %add3A_446 = arith.addf %add3A_436, %get3A_445 : vector<16xf32>
        %get3A_447 = arith.index_cast %add3A_442 : i32 to index
        %get3A_448 = arith.constant 16 : index
        %get3A_449 = tpu.vector_load %arg7[%get3A_447, %get3A_448] {strides = array<i32>} : memref<640x32xf32, #tpu.memory_space<vmem>>, vector<16xf32>,
        %add3A_450 = arith.addf %add3A_440, %get3A_449 : vector<16xf32>
        %swap3A_451 = arith.index_cast %scan3A_404 : i32 to index
        %swap3A_452 = arith.constant 0 : index
        %swap3A_453 = tpu.vector_load %arg11[%swap3A_451, %swap3A_452] {strides = array<i32>} : memref<128x32xf32, #tpu.memory_space<vmem>>, vector<16xf32>,
        tpu.vector_store %arg11[%swap3A_451, %swap3A_452], %add3A_446 {add = true, strides = array<i32>} : memref<128x32xf32, #tpu.memory_space<vmem>>, vector<16xf32>,
        %swap3A_454 = arith.index_cast %scan3A_404 : i32 to index
        %swap3A_455 = arith.constant 16 : index
        %swap3A_456 = tpu.vector_load %arg11[%swap3A_454, %swap3A_455] {strides = array<i32>} : memref<128x32xf32, #tpu.memory_space<vmem>>, vector<16xf32>,
        tpu.vector_store %arg11[%swap3A_454, %swap3A_455], %add3A_450 {add = true, strides = array<i32>} : memref<128x32xf32, #tpu.memory_space<vmem>>, vector<16xf32>,
        %scan3A_457 = arith.constant 6 : i32
        %scan3A_458 = arith.addi %scan3A_135, %scan3A_457 : i32
        %get3A_459 = arith.index_cast %scan3A_458 : i32 to index
        %get3A_460 = arith.constant 0 : index
        %get3A_461 = tpu.vector_load %arg7[%get3A_459, %get3A_460] {strides = array<i32>} : memref<640x32xf32, #tpu.memory_space<vmem>>, vector<16xf32>,
        %get3A_462 = arith.index_cast %scan3A_458 : i32 to index
        %get3A_463 = arith.constant 16 : index
        %get3A_464 = tpu.vector_load %arg7[%get3A_462, %get3A_463] {strides = array<i32>} : memref<640x32xf32, #tpu.memory_space<vmem>>, vector<16xf32>,
        %add3A_465 = arith.constant 128 : i32
        %add3A_466 = arith.addi %add3A_465, %scan3A_458 : i32
        %get3A_467 = arith.index_cast %add3A_466 : i32 to index
        %get3A_468 = arith.constant 0 : index
        %get3A_469 = tpu.vector_load %arg7[%get3A_467, %get3A_468] {strides = array<i32>} : memref<640x32xf32, #tpu.memory_space<vmem>>, vector<16xf32>,
        %add3A_470 = arith.addf %get3A_461, %get3A_469 : vector<16xf32>
        %get3A_471 = arith.index_cast %add3A_466 : i32 to index
        %get3A_472 = arith.constant 16 : index
        %get3A_473 = tpu.vector_load %arg7[%get3A_471, %get3A_472] {strides = array<i32>} : memref<640x32xf32, #tpu.memory_space<vmem>>, vector<16xf32>,
        %add3A_474 = arith.addf %get3A_464, %get3A_473 : vector<16xf32>
        %add3A_475 = arith.constant 256 : i32
        %add3A_476 = arith.addi %add3A_475, %scan3A_458 : i32
        %get3A_477 = arith.index_cast %add3A_476 : i32 to index
        %get3A_478 = arith.constant 0 : index
        %get3A_479 = tpu.vector_load %arg7[%get3A_477, %get3A_478] {strides = array<i32>} : memref<640x32xf32, #tpu.memory_space<vmem>>, vector<16xf32>,
        %add3A_480 = arith.addf %add3A_470, %get3A_479 : vector<16xf32>
        %get3A_481 = arith.index_cast %add3A_476 : i32 to index
        %get3A_482 = arith.constant 16 : index
        %get3A_483 = tpu.vector_load %arg7[%get3A_481, %get3A_482] {strides = array<i32>} : memref<640x32xf32, #tpu.memory_space<vmem>>, vector<16xf32>,
        %add3A_484 = arith.addf %add3A_474, %get3A_483 : vector<16xf32>
        %add3A_485 = arith.constant 384 : i32
        %add3A_486 = arith.addi %add3A_485, %scan3A_458 : i32
        %get3A_487 = arith.index_cast %add3A_486 : i32 to index
        %get3A_488 = arith.constant 0 : index
        %get3A_489 = tpu.vector_load %arg7[%get3A_487, %get3A_488] {strides = array<i32>} : memref<640x32xf32, #tpu.memory_space<vmem>>, vector<16xf32>,
        %add3A_490 = arith.addf %add3A_480, %get3A_489 : vector<16xf32>
        %get3A_491 = arith.index_cast %add3A_486 : i32 to index
        %get3A_492 = arith.constant 16 : index
        %get3A_493 = tpu.vector_load %arg7[%get3A_491, %get3A_492] {strides = array<i32>} : memref<640x32xf32, #tpu.memory_space<vmem>>, vector<16xf32>,
        %add3A_494 = arith.addf %add3A_484, %get3A_493 : vector<16xf32>
        %add3A_495 = arith.constant 512 : i32
        %add3A_496 = arith.addi %add3A_495, %scan3A_458 : i32
        %get3A_497 = arith.index_cast %add3A_496 : i32 to index
        %get3A_498 = arith.constant 0 : index
        %get3A_499 = tpu.vector_load %arg7[%get3A_497, %get3A_498] {strides = array<i32>} : memref<640x32xf32, #tpu.memory_space<vmem>>, vector<16xf32>,
        %add3A_500 = arith.addf %add3A_490, %get3A_499 : vector<16xf32>
        %get3A_501 = arith.index_cast %add3A_496 : i32 to index
        %get3A_502 = arith.constant 16 : index
        %get3A_503 = tpu.vector_load %arg7[%get3A_501, %get3A_502] {strides = array<i32>} : memref<640x32xf32, #tpu.memory_space<vmem>>, vector<16xf32>,
        %add3A_504 = arith.addf %add3A_494, %get3A_503 : vector<16xf32>
        %swap3A_505 = arith.index_cast %scan3A_458 : i32 to index
        %swap3A_506 = arith.constant 0 : index
        %swap3A_507 = tpu.vector_load %arg11[%swap3A_505, %swap3A_506] {strides = array<i32>} : memref<128x32xf32, #tpu.memory_space<vmem>>, vector<16xf32>,
        tpu.vector_store %arg11[%swap3A_505, %swap3A_506], %add3A_500 {add = true, strides = array<i32>} : memref<128x32xf32, #tpu.memory_space<vmem>>, vector<16xf32>,
        %swap3A_508 = arith.index_cast %scan3A_458 : i32 to index
        %swap3A_509 = arith.constant 16 : index
        %swap3A_510 = tpu.vector_load %arg11[%swap3A_508, %swap3A_509] {strides = array<i32>} : memref<128x32xf32, #tpu.memory_space<vmem>>, vector<16xf32>,
        tpu.vector_store %arg11[%swap3A_508, %swap3A_509], %add3A_504 {add = true, strides = array<i32>} : memref<128x32xf32, #tpu.memory_space<vmem>>, vector<16xf32>,
        %scan3A_511 = arith.constant 7 : i32
        %scan3A_512 = arith.addi %scan3A_135, %scan3A_511 : i32
        %get3A_513 = arith.index_cast %scan3A_512 : i32 to index
        %get3A_514 = arith.constant 0 : index
        %get3A_515 = tpu.vector_load %arg7[%get3A_513, %get3A_514] {strides = array<i32>} : memref<640x32xf32, #tpu.memory_space<vmem>>, vector<16xf32>,
        %get3A_516 = arith.index_cast %scan3A_512 : i32 to index
        %get3A_517 = arith.constant 16 : index
        %get3A_518 = tpu.vector_load %arg7[%get3A_516, %get3A_517] {strides = array<i32>} : memref<640x32xf32, #tpu.memory_space<vmem>>, vector<16xf32>,
        %add3A_519 = arith.constant 128 : i32
        %add3A_520 = arith.addi %add3A_519, %scan3A_512 : i32
        %get3A_521 = arith.index_cast %add3A_520 : i32 to index
        %get3A_522 = arith.constant 0 : index
        %get3A_523 = tpu.vector_load %arg7[%get3A_521, %get3A_522] {strides = array<i32>} : memref<640x32xf32, #tpu.memory_space<vmem>>, vector<16xf32>,
        %add3A_524 = arith.addf %get3A_515, %get3A_523 : vector<16xf32>
        %get3A_525 = arith.index_cast %add3A_520 : i32 to index
        %get3A_526 = arith.constant 16 : index
        %get3A_527 = tpu.vector_load %arg7[%get3A_525, %get3A_526] {strides = array<i32>} : memref<640x32xf32, #tpu.memory_space<vmem>>, vector<16xf32>,
        %add3A_528 = arith.addf %get3A_518, %get3A_527 : vector<16xf32>
        %add3A_529 = arith.constant 256 : i32
        %add3A_530 = arith.addi %add3A_529, %scan3A_512 : i32
        %get3A_531 = arith.index_cast %add3A_530 : i32 to index
        %get3A_532 = arith.constant 0 : index
        %get3A_533 = tpu.vector_load %arg7[%get3A_531, %get3A_532] {strides = array<i32>} : memref<640x32xf32, #tpu.memory_space<vmem>>, vector<16xf32>,
        %add3A_534 = arith.addf %add3A_524, %get3A_533 : vector<16xf32>
        %get3A_535 = arith.index_cast %add3A_530 : i32 to index
        %get3A_536 = arith.constant 16 : index
        %get3A_537 = tpu.vector_load %arg7[%get3A_535, %get3A_536] {strides = array<i32>} : memref<640x32xf32, #tpu.memory_space<vmem>>, vector<16xf32>,
        %add3A_538 = arith.addf %add3A_528, %get3A_537 : vector<16xf32>
        %add3A_539 = arith.constant 384 : i32
        %add3A_540 = arith.addi %add3A_539, %scan3A_512 : i32
        %get3A_541 = arith.index_cast %add3A_540 : i32 to index
        %get3A_542 = arith.constant 0 : index
        %get3A_543 = tpu.vector_load %arg7[%get3A_541, %get3A_542] {strides = array<i32>} : memref<640x32xf32, #tpu.memory_space<vmem>>, vector<16xf32>,
        %add3A_544 = arith.addf %add3A_534, %get3A_543 : vector<16xf32>
        %get3A_545 = arith.index_cast %add3A_540 : i32 to index
        %get3A_546 = arith.constant 16 : index
        %get3A_547 = tpu.vector_load %arg7[%get3A_545, %get3A_546] {strides = array<i32>} : memref<640x32xf32, #tpu.memory_space<vmem>>, vector<16xf32>,
        %add3A_548 = arith.addf %add3A_538, %get3A_547 : vector<16xf32>
        %add3A_549 = arith.constant 512 : i32
        %add3A_550 = arith.addi %add3A_549, %scan3A_512 : i32
        %get3A_551 = arith.index_cast %add3A_550 : i32 to index
        %get3A_552 = arith.constant 0 : index
        %get3A_553 = tpu.vector_load %arg7[%get3A_551, %get3A_552] {strides = array<i32>} : memref<640x32xf32, #tpu.memory_space<vmem>>, vector<16xf32>,
        %add3A_554 = arith.addf %add3A_544, %get3A_553 : vector<16xf32>
        %get3A_555 = arith.index_cast %add3A_550 : i32 to index
        %get3A_556 = arith.constant 16 : index
        %get3A_557 = tpu.vector_load %arg7[%get3A_555, %get3A_556] {strides = array<i32>} : memref<640x32xf32, #tpu.memory_space<vmem>>, vector<16xf32>,
        %add3A_558 = arith.addf %add3A_548, %get3A_557 : vector<16xf32>
        %swap3A_559 = arith.index_cast %scan3A_512 : i32 to index
        %swap3A_560 = arith.constant 0 : index
        %swap3A_561 = tpu.vector_load %arg11[%swap3A_559, %swap3A_560] {strides = array<i32>} : memref<128x32xf32, #tpu.memory_space<vmem>>, vector<16xf32>,
        tpu.vector_store %arg11[%swap3A_559, %swap3A_560], %add3A_554 {add = true, strides = array<i32>} : memref<128x32xf32, #tpu.memory_space<vmem>>, vector<16xf32>,
        %swap3A_562 = arith.index_cast %scan3A_512 : i32 to index
        %swap3A_563 = arith.constant 16 : index
        %swap3A_564 = tpu.vector_load %arg11[%swap3A_562, %swap3A_563] {strides = array<i32>} : memref<128x32xf32, #tpu.memory_space<vmem>>, vector<16xf32>,
        tpu.vector_store %arg11[%swap3A_562, %swap3A_563], %add3A_558 {add = true, strides = array<i32>} : memref<128x32xf32, #tpu.memory_space<vmem>>, vector<16xf32>,
      }
      %scan3A_61 = arith.constant 128 : i32
      %add3A_62 = arith.constant 4 : i32
      %add3A_63 = arith.addi %add3A_48, %add3A_62 : i32
      %lt3A = arith.constant 40 : i32
      %lt3A_64 = arith.cmpi slt, %add3A_63, %lt3A : i32
      %convert_element_type3A = arith.extui %lt3A_64 : i1 to i32
      %cond3A = arith.constant 0 : i32
      %cond3A_65 = arith.cmpi ne, %convert_element_type3A, %cond3A : i32
      scf.if %cond3A_65 {
        %mul3A_135 = arith.constant 5 : i32
        %mul3A_136 = arith.muli %add3A_63, %mul3A_135 : i32
        %mul3A_137 = arith.constant 128 : i32
        %mul3A_138 = arith.muli %mul3A_136, %mul3A_137 : i32
        %dma_start3A_139 = tpu.memref_slice %arg6[%mul3A_138] : memref<25600xi32, #tpu.memory_space<vmem>> -> memref<640xi32, #tpu.memory_space<vmem>>
        %dma_start3A_140 = arith.constant 0 : i32
        %dma_start3A_141 = arith.constant 0 : i32
        %dma_start3A_142 = tpu.memref_slice %arg3[%dma_start3A_140, %dma_start3A_141] : memref<100000x32xf32, #tpu.memory_space<hbm>> -> memref<100000x32xf32, #tpu.memory_space<hbm>>
        tpu.enqueue_indirect_dma source(%dma_start3A_142 : memref<100000x32xf32, #tpu.memory_space<hbm>>) target(%arg7 : memref<640x32xf32, #tpu.memory_space<vmem>>) offsets(%dma_start3A_139 : memref<640xi32, #tpu.memory_space<vmem>>) semaphore(%arg13 : memref<!tpu.dma_semaphore, #tpu.memory_space<semaphore_mem>>)
      } else {
      }
      %add3A_66 = arith.constant 1 : i32
      %add3A_67 = arith.addi %mul3A_46, %add3A_66 : i32
      %mul3A_68 = arith.constant 5 : i32
      %mul3A_69 = arith.muli %add3A_67, %mul3A_68 : i32
      %mul3A_70 = arith.constant 128 : i32
      %mul3A_71 = arith.muli %mul3A_69, %mul3A_70 : i32
      %dma_wait3A_72 = tpu.memref_slice %arg6[%mul3A_71] : memref<25600xi32, #tpu.memory_space<vmem>> -> memref<640xi32, #tpu.memory_space<vmem>>
      %dma_wait3A_73 = arith.constant 0 : i32
      %dma_wait3A_74 = arith.constant 0 : i32
      %dma_wait3A_75 = tpu.memref_slice %arg3[%dma_wait3A_73, %dma_wait3A_74] : memref<100000x32xf32, #tpu.memory_space<hbm>> -> memref<100000x32xf32, #tpu.memory_space<hbm>>
      tpu.wait_indirect_dma semaphore(%arg14 : memref<!tpu.dma_semaphore, #tpu.memory_space<semaphore_mem>>) src(%dma_wait3A_75 : memref<100000x32xf32, #tpu.memory_space<hbm>>) dst(%arg8 : memref<640x32xf32, #tpu.memory_space<vmem>>)
      %scan3A_76 = arith.constant 0 : i32
      %scan3A_77 = arith.constant 0 : i32
      %scan3A_78 = arith.constant 128 : i32
      %scan3A_79 = arith.addi %scan3A_77, %scan3A_78 : i32
      %scan3A_80 = arith.constant 8 : i32
      scf.for %scan3A_135 = %scan3A_77 to %scan3A_79 step %scan3A_80  : i32 {
        %get3A_136 = arith.index_cast %scan3A_135 : i32 to index
        %get3A_137 = arith.constant 0 : index
        %get3A_138 = tpu.vector_load %arg8[%get3A_136, %get3A_137] {strides = array<i32>} : memref<640x32xf32, #tpu.memory_space<vmem>>, vector<16xf32>,
        %get3A_139 = arith.index_cast %scan3A_135 : i32 to index
        %get3A_140 = arith.constant 16 : index
        %get3A_141 = tpu.vector_load %arg8[%get3A_139, %get3A_140] {strides = array<i32>} : memref<640x32xf32, #tpu.memory_space<vmem>>, vector<16xf32>,
        %add3A_142 = arith.constant 128 : i32
        %add3A_143 = arith.addi %add3A_142, %scan3A_135 : i32
        %get3A_144 = arith.index_cast %add3A_143 : i32 to index
        %get3A_145 = arith.constant 0 : index
        %get3A_146 = tpu.vector_load %arg8[%get3A_144, %get3A_145] {strides = array<i32>} : memref<640x32xf32, #tpu.memory_space<vmem>>, vector<16xf32>,
        %add3A_147 = arith.addf %get3A_138, %get3A_146 : vector<16xf32>
        %get3A_148 = arith.index_cast %add3A_143 : i32 to index
        %get3A_149 = arith.constant 16 : index
        %get3A_150 = tpu.vector_load %arg8[%get3A_148, %get3A_149] {strides = array<i32>} : memref<640x32xf32, #tpu.memory_space<vmem>>, vector<16xf32>,
        %add3A_151 = arith.addf %get3A_141, %get3A_150 : vector<16xf32>
        %add3A_152 = arith.constant 256 : i32
        %add3A_153 = arith.addi %add3A_152, %scan3A_135 : i32
        %get3A_154 = arith.index_cast %add3A_153 : i32 to index
        %get3A_155 = arith.constant 0 : index
        %get3A_156 = tpu.vector_load %arg8[%get3A_154, %get3A_155] {strides = array<i32>} : memref<640x32xf32, #tpu.memory_space<vmem>>, vector<16xf32>,
        %add3A_157 = arith.addf %add3A_147, %get3A_156 : vector<16xf32>
        %get3A_158 = arith.index_cast %add3A_153 : i32 to index
        %get3A_159 = arith.constant 16 : index
        %get3A_160 = tpu.vector_load %arg8[%get3A_158, %get3A_159] {strides = array<i32>} : memref<640x32xf32, #tpu.memory_space<vmem>>, vector<16xf32>,
        %add3A_161 = arith.addf %add3A_151, %get3A_160 : vector<16xf32>
        %add3A_162 = arith.constant 384 : i32
        %add3A_163 = arith.addi %add3A_162, %scan3A_135 : i32
        %get3A_164 = arith.index_cast %add3A_163 : i32 to index
        %get3A_165 = arith.constant 0 : index
        %get3A_166 = tpu.vector_load %arg8[%get3A_164, %get3A_165] {strides = array<i32>} : memref<640x32xf32, #tpu.memory_space<vmem>>, vector<16xf32>,
        %add3A_167 = arith.addf %add3A_157, %get3A_166 : vector<16xf32>
        %get3A_168 = arith.index_cast %add3A_163 : i32 to index
        %get3A_169 = arith.constant 16 : index
        %get3A_170 = tpu.vector_load %arg8[%get3A_168, %get3A_169] {strides = array<i32>} : memref<640x32xf32, #tpu.memory_space<vmem>>, vector<16xf32>,
        %add3A_171 = arith.addf %add3A_161, %get3A_170 : vector<16xf32>
        %add3A_172 = arith.constant 512 : i32
        %add3A_173 = arith.addi %add3A_172, %scan3A_135 : i32
        %get3A_174 = arith.index_cast %add3A_173 : i32 to index
        %get3A_175 = arith.constant 0 : index
        %get3A_176 = tpu.vector_load %arg8[%get3A_174, %get3A_175] {strides = array<i32>} : memref<640x32xf32, #tpu.memory_space<vmem>>, vector<16xf32>,
        %add3A_177 = arith.addf %add3A_167, %get3A_176 : vector<16xf32>
        %get3A_178 = arith.index_cast %add3A_173 : i32 to index
        %get3A_179 = arith.constant 16 : index
        %get3A_180 = tpu.vector_load %arg8[%get3A_178, %get3A_179] {strides = array<i32>} : memref<640x32xf32, #tpu.memory_space<vmem>>, vector<16xf32>,
        %add3A_181 = arith.addf %add3A_171, %get3A_180 : vector<16xf32>
        %swap3A = arith.index_cast %scan3A_135 : i32 to index
        %swap3A_182 = arith.constant 0 : index
        %swap3A_183 = tpu.vector_load %arg11[%swap3A, %swap3A_182] {strides = array<i32>} : memref<128x32xf32, #tpu.memory_space<vmem>>, vector<16xf32>,
        tpu.vector_store %arg11[%swap3A, %swap3A_182], %add3A_177 {add = true, strides = array<i32>} : memref<128x32xf32, #tpu.memory_space<vmem>>, vector<16xf32>,
        %swap3A_184 = arith.index_cast %scan3A_135 : i32 to index
        %swap3A_185 = arith.constant 16 : index
        %swap3A_186 = tpu.vector_load %arg11[%swap3A_184, %swap3A_185] {strides = array<i32>} : memref<128x32xf32, #tpu.memory_space<vmem>>, vector<16xf32>,
        tpu.vector_store %arg11[%swap3A_184, %swap3A_185], %add3A_181 {add = true, strides = array<i32>} : memref<128x32xf32, #tpu.memory_space<vmem>>, vector<16xf32>,
        %scan3A_187 = arith.constant 1 : i32
        %scan3A_188 = arith.addi %scan3A_135, %scan3A_187 : i32
        %get3A_189 = arith.index_cast %scan3A_188 : i32 to index
        %get3A_190 = arith.constant 0 : index
        %get3A_191 = tpu.vector_load %arg8[%get3A_189, %get3A_190] {strides = array<i32>} : memref<640x32xf32, #tpu.memory_space<vmem>>, vector<16xf32>,
        %get3A_192 = arith.index_cast %scan3A_188 : i32 to index
        %get3A_193 = arith.constant 16 : index
        %get3A_194 = tpu.vector_load %arg8[%get3A_192, %get3A_193] {strides = array<i32>} : memref<640x32xf32, #tpu.memory_space<vmem>>, vector<16xf32>,
        %add3A_195 = arith.constant 128 : i32
        %add3A_196 = arith.addi %add3A_195, %scan3A_188 : i32
        %get3A_197 = arith.index_cast %add3A_196 : i32 to index
        %get3A_198 = arith.constant 0 : index
        %get3A_199 = tpu.vector_load %arg8[%get3A_197, %get3A_198] {strides = array<i32>} : memref<640x32xf32, #tpu.memory_space<vmem>>, vector<16xf32>,
        %add3A_200 = arith.addf %get3A_191, %get3A_199 : vector<16xf32>
        %get3A_201 = arith.index_cast %add3A_196 : i32 to index
        %get3A_202 = arith.constant 16 : index
        %get3A_203 = tpu.vector_load %arg8[%get3A_201, %get3A_202] {strides = array<i32>} : memref<640x32xf32, #tpu.memory_space<vmem>>, vector<16xf32>,
        %add3A_204 = arith.addf %get3A_194, %get3A_203 : vector<16xf32>
        %add3A_205 = arith.constant 256 : i32
        %add3A_206 = arith.addi %add3A_205, %scan3A_188 : i32
        %get3A_207 = arith.index_cast %add3A_206 : i32 to index
        %get3A_208 = arith.constant 0 : index
        %get3A_209 = tpu.vector_load %arg8[%get3A_207, %get3A_208] {strides = array<i32>} : memref<640x32xf32, #tpu.memory_space<vmem>>, vector<16xf32>,
        %add3A_210 = arith.addf %add3A_200, %get3A_209 : vector<16xf32>
        %get3A_211 = arith.index_cast %add3A_206 : i32 to index
        %get3A_212 = arith.constant 16 : index
        %get3A_213 = tpu.vector_load %arg8[%get3A_211, %get3A_212] {strides = array<i32>} : memref<640x32xf32, #tpu.memory_space<vmem>>, vector<16xf32>,
        %add3A_214 = arith.addf %add3A_204, %get3A_213 : vector<16xf32>
        %add3A_215 = arith.constant 384 : i32
        %add3A_216 = arith.addi %add3A_215, %scan3A_188 : i32
        %get3A_217 = arith.index_cast %add3A_216 : i32 to index
        %get3A_218 = arith.constant 0 : index
        %get3A_219 = tpu.vector_load %arg8[%get3A_217, %get3A_218] {strides = array<i32>} : memref<640x32xf32, #tpu.memory_space<vmem>>, vector<16xf32>,
        %add3A_220 = arith.addf %add3A_210, %get3A_219 : vector<16xf32>
        %get3A_221 = arith.index_cast %add3A_216 : i32 to index
        %get3A_222 = arith.constant 16 : index
        %get3A_223 = tpu.vector_load %arg8[%get3A_221, %get3A_222] {strides = array<i32>} : memref<640x32xf32, #tpu.memory_space<vmem>>, vector<16xf32>,
        %add3A_224 = arith.addf %add3A_214, %get3A_223 : vector<16xf32>
        %add3A_225 = arith.constant 512 : i32
        %add3A_226 = arith.addi %add3A_225, %scan3A_188 : i32
        %get3A_227 = arith.index_cast %add3A_226 : i32 to index
        %get3A_228 = arith.constant 0 : index
        %get3A_229 = tpu.vector_load %arg8[%get3A_227, %get3A_228] {strides = array<i32>} : memref<640x32xf32, #tpu.memory_space<vmem>>, vector<16xf32>,
        %add3A_230 = arith.addf %add3A_220, %get3A_229 : vector<16xf32>
        %get3A_231 = arith.index_cast %add3A_226 : i32 to index
        %get3A_232 = arith.constant 16 : index
        %get3A_233 = tpu.vector_load %arg8[%get3A_231, %get3A_232] {strides = array<i32>} : memref<640x32xf32, #tpu.memory_space<vmem>>, vector<16xf32>,
        %add3A_234 = arith.addf %add3A_224, %get3A_233 : vector<16xf32>
        %swap3A_235 = arith.index_cast %scan3A_188 : i32 to index
        %swap3A_236 = arith.constant 0 : index
        %swap3A_237 = tpu.vector_load %arg11[%swap3A_235, %swap3A_236] {strides = array<i32>} : memref<128x32xf32, #tpu.memory_space<vmem>>, vector<16xf32>,
        tpu.vector_store %arg11[%swap3A_235, %swap3A_236], %add3A_230 {add = true, strides = array<i32>} : memref<128x32xf32, #tpu.memory_space<vmem>>, vector<16xf32>,
        %swap3A_238 = arith.index_cast %scan3A_188 : i32 to index
        %swap3A_239 = arith.constant 16 : index
        %swap3A_240 = tpu.vector_load %arg11[%swap3A_238, %swap3A_239] {strides = array<i32>} : memref<128x32xf32, #tpu.memory_space<vmem>>, vector<16xf32>,
        tpu.vector_store %arg11[%swap3A_238, %swap3A_239], %add3A_234 {add = true, strides = array<i32>} : memref<128x32xf32, #tpu.memory_space<vmem>>, vector<16xf32>,
        %scan3A_241 = arith.constant 2 : i32
        %scan3A_242 = arith.addi %scan3A_135, %scan3A_241 : i32
        %get3A_243 = arith.index_cast %scan3A_242 : i32 to index
        %get3A_244 = arith.constant 0 : index
        %get3A_245 = tpu.vector_load %arg8[%get3A_243, %get3A_244] {strides = array<i32>} : memref<640x32xf32, #tpu.memory_space<vmem>>, vector<16xf32>,
        %get3A_246 = arith.index_cast %scan3A_242 : i32 to index
        %get3A_247 = arith.constant 16 : index
        %get3A_248 = tpu.vector_load %arg8[%get3A_246, %get3A_247] {strides = array<i32>} : memref<640x32xf32, #tpu.memory_space<vmem>>, vector<16xf32>,
        %add3A_249 = arith.constant 128 : i32
        %add3A_250 = arith.addi %add3A_249, %scan3A_242 : i32
        %get3A_251 = arith.index_cast %add3A_250 : i32 to index
        %get3A_252 = arith.constant 0 : index
        %get3A_253 = tpu.vector_load %arg8[%get3A_251, %get3A_252] {strides = array<i32>} : memref<640x32xf32, #tpu.memory_space<vmem>>, vector<16xf32>,
        %add3A_254 = arith.addf %get3A_245, %get3A_253 : vector<16xf32>
        %get3A_255 = arith.index_cast %add3A_250 : i32 to index
        %get3A_256 = arith.constant 16 : index
        %get3A_257 = tpu.vector_load %arg8[%get3A_255, %get3A_256] {strides = array<i32>} : memref<640x32xf32, #tpu.memory_space<vmem>>, vector<16xf32>,
        %add3A_258 = arith.addf %get3A_248, %get3A_257 : vector<16xf32>
        %add3A_259 = arith.constant 256 : i32
        %add3A_260 = arith.addi %add3A_259, %scan3A_242 : i32
        %get3A_261 = arith.index_cast %add3A_260 : i32 to index
        %get3A_262 = arith.constant 0 : index
        %get3A_263 = tpu.vector_load %arg8[%get3A_261, %get3A_262] {strides = array<i32>} : memref<640x32xf32, #tpu.memory_space<vmem>>, vector<16xf32>,
        %add3A_264 = arith.addf %add3A_254, %get3A_263 : vector<16xf32>
        %get3A_265 = arith.index_cast %add3A_260 : i32 to index
        %get3A_266 = arith.constant 16 : index
        %get3A_267 = tpu.vector_load %arg8[%get3A_265, %get3A_266] {strides = array<i32>} : memref<640x32xf32, #tpu.memory_space<vmem>>, vector<16xf32>,
        %add3A_268 = arith.addf %add3A_258, %get3A_267 : vector<16xf32>
        %add3A_269 = arith.constant 384 : i32
        %add3A_270 = arith.addi %add3A_269, %scan3A_242 : i32
        %get3A_271 = arith.index_cast %add3A_270 : i32 to index
        %get3A_272 = arith.constant 0 : index
        %get3A_273 = tpu.vector_load %arg8[%get3A_271, %get3A_272] {strides = array<i32>} : memref<640x32xf32, #tpu.memory_space<vmem>>, vector<16xf32>,
        %add3A_274 = arith.addf %add3A_264, %get3A_273 : vector<16xf32>
        %get3A_275 = arith.index_cast %add3A_270 : i32 to index
        %get3A_276 = arith.constant 16 : index
        %get3A_277 = tpu.vector_load %arg8[%get3A_275, %get3A_276] {strides = array<i32>} : memref<640x32xf32, #tpu.memory_space<vmem>>, vector<16xf32>,
        %add3A_278 = arith.addf %add3A_268, %get3A_277 : vector<16xf32>
        %add3A_279 = arith.constant 512 : i32
        %add3A_280 = arith.addi %add3A_279, %scan3A_242 : i32
        %get3A_281 = arith.index_cast %add3A_280 : i32 to index
        %get3A_282 = arith.constant 0 : index
        %get3A_283 = tpu.vector_load %arg8[%get3A_281, %get3A_282] {strides = array<i32>} : memref<640x32xf32, #tpu.memory_space<vmem>>, vector<16xf32>,
        %add3A_284 = arith.addf %add3A_274, %get3A_283 : vector<16xf32>
        %get3A_285 = arith.index_cast %add3A_280 : i32 to index
        %get3A_286 = arith.constant 16 : index
        %get3A_287 = tpu.vector_load %arg8[%get3A_285, %get3A_286] {strides = array<i32>} : memref<640x32xf32, #tpu.memory_space<vmem>>, vector<16xf32>,
        %add3A_288 = arith.addf %add3A_278, %get3A_287 : vector<16xf32>
        %swap3A_289 = arith.index_cast %scan3A_242 : i32 to index
        %swap3A_290 = arith.constant 0 : index
        %swap3A_291 = tpu.vector_load %arg11[%swap3A_289, %swap3A_290] {strides = array<i32>} : memref<128x32xf32, #tpu.memory_space<vmem>>, vector<16xf32>,
        tpu.vector_store %arg11[%swap3A_289, %swap3A_290], %add3A_284 {add = true, strides = array<i32>} : memref<128x32xf32, #tpu.memory_space<vmem>>, vector<16xf32>,
        %swap3A_292 = arith.index_cast %scan3A_242 : i32 to index
        %swap3A_293 = arith.constant 16 : index
        %swap3A_294 = tpu.vector_load %arg11[%swap3A_292, %swap3A_293] {strides = array<i32>} : memref<128x32xf32, #tpu.memory_space<vmem>>, vector<16xf32>,
        tpu.vector_store %arg11[%swap3A_292, %swap3A_293], %add3A_288 {add = true, strides = array<i32>} : memref<128x32xf32, #tpu.memory_space<vmem>>, vector<16xf32>,
        %scan3A_295 = arith.constant 3 : i32
        %scan3A_296 = arith.addi %scan3A_135, %scan3A_295 : i32
        %get3A_297 = arith.index_cast %scan3A_296 : i32 to index
        %get3A_298 = arith.constant 0 : index
        %get3A_299 = tpu.vector_load %arg8[%get3A_297, %get3A_298] {strides = array<i32>} : memref<640x32xf32, #tpu.memory_space<vmem>>, vector<16xf32>,
        %get3A_300 = arith.index_cast %scan3A_296 : i32 to index
        %get3A_301 = arith.constant 16 : index
        %get3A_302 = tpu.vector_load %arg8[%get3A_300, %get3A_301] {strides = array<i32>} : memref<640x32xf32, #tpu.memory_space<vmem>>, vector<16xf32>,
        %add3A_303 = arith.constant 128 : i32
        %add3A_304 = arith.addi %add3A_303, %scan3A_296 : i32
        %get3A_305 = arith.index_cast %add3A_304 : i32 to index
        %get3A_306 = arith.constant 0 : index
        %get3A_307 = tpu.vector_load %arg8[%get3A_305, %get3A_306] {strides = array<i32>} : memref<640x32xf32, #tpu.memory_space<vmem>>, vector<16xf32>,
        %add3A_308 = arith.addf %get3A_299, %get3A_307 : vector<16xf32>
        %get3A_309 = arith.index_cast %add3A_304 : i32 to index
        %get3A_310 = arith.constant 16 : index
        %get3A_311 = tpu.vector_load %arg8[%get3A_309, %get3A_310] {strides = array<i32>} : memref<640x32xf32, #tpu.memory_space<vmem>>, vector<16xf32>,
        %add3A_312 = arith.addf %get3A_302, %get3A_311 : vector<16xf32>
        %add3A_313 = arith.constant 256 : i32
        %add3A_314 = arith.addi %add3A_313, %scan3A_296 : i32
        %get3A_315 = arith.index_cast %add3A_314 : i32 to index
        %get3A_316 = arith.constant 0 : index
        %get3A_317 = tpu.vector_load %arg8[%get3A_315, %get3A_316] {strides = array<i32>} : memref<640x32xf32, #tpu.memory_space<vmem>>, vector<16xf32>,
        %add3A_318 = arith.addf %add3A_308, %get3A_317 : vector<16xf32>
        %get3A_319 = arith.index_cast %add3A_314 : i32 to index
        %get3A_320 = arith.constant 16 : index
        %get3A_321 = tpu.vector_load %arg8[%get3A_319, %get3A_320] {strides = array<i32>} : memref<640x32xf32, #tpu.memory_space<vmem>>, vector<16xf32>,
        %add3A_322 = arith.addf %add3A_312, %get3A_321 : vector<16xf32>
        %add3A_323 = arith.constant 384 : i32
        %add3A_324 = arith.addi %add3A_323, %scan3A_296 : i32
        %get3A_325 = arith.index_cast %add3A_324 : i32 to index
        %get3A_326 = arith.constant 0 : index
        %get3A_327 = tpu.vector_load %arg8[%get3A_325, %get3A_326] {strides = array<i32>} : memref<640x32xf32, #tpu.memory_space<vmem>>, vector<16xf32>,
        %add3A_328 = arith.addf %add3A_318, %get3A_327 : vector<16xf32>
        %get3A_329 = arith.index_cast %add3A_324 : i32 to index
        %get3A_330 = arith.constant 16 : index
        %get3A_331 = tpu.vector_load %arg8[%get3A_329, %get3A_330] {strides = array<i32>} : memref<640x32xf32, #tpu.memory_space<vmem>>, vector<16xf32>,
        %add3A_332 = arith.addf %add3A_322, %get3A_331 : vector<16xf32>
        %add3A_333 = arith.constant 512 : i32
        %add3A_334 = arith.addi %add3A_333, %scan3A_296 : i32
        %get3A_335 = arith.index_cast %add3A_334 : i32 to index
        %get3A_336 = arith.constant 0 : index
        %get3A_337 = tpu.vector_load %arg8[%get3A_335, %get3A_336] {strides = array<i32>} : memref<640x32xf32, #tpu.memory_space<vmem>>, vector<16xf32>,
        %add3A_338 = arith.addf %add3A_328, %get3A_337 : vector<16xf32>
        %get3A_339 = arith.index_cast %add3A_334 : i32 to index
        %get3A_340 = arith.constant 16 : index
        %get3A_341 = tpu.vector_load %arg8[%get3A_339, %get3A_340] {strides = array<i32>} : memref<640x32xf32, #tpu.memory_space<vmem>>, vector<16xf32>,
        %add3A_342 = arith.addf %add3A_332, %get3A_341 : vector<16xf32>
        %swap3A_343 = arith.index_cast %scan3A_296 : i32 to index
        %swap3A_344 = arith.constant 0 : index
        %swap3A_345 = tpu.vector_load %arg11[%swap3A_343, %swap3A_344] {strides = array<i32>} : memref<128x32xf32, #tpu.memory_space<vmem>>, vector<16xf32>,
        tpu.vector_store %arg11[%swap3A_343, %swap3A_344], %add3A_338 {add = true, strides = array<i32>} : memref<128x32xf32, #tpu.memory_space<vmem>>, vector<16xf32>,
        %swap3A_346 = arith.index_cast %scan3A_296 : i32 to index
        %swap3A_347 = arith.constant 16 : index
        %swap3A_348 = tpu.vector_load %arg11[%swap3A_346, %swap3A_347] {strides = array<i32>} : memref<128x32xf32, #tpu.memory_space<vmem>>, vector<16xf32>,
        tpu.vector_store %arg11[%swap3A_346, %swap3A_347], %add3A_342 {add = true, strides = array<i32>} : memref<128x32xf32, #tpu.memory_space<vmem>>, vector<16xf32>,
        %scan3A_349 = arith.constant 4 : i32
        %scan3A_350 = arith.addi %scan3A_135, %scan3A_349 : i32
        %get3A_351 = arith.index_cast %scan3A_350 : i32 to index
        %get3A_352 = arith.constant 0 : index
        %get3A_353 = tpu.vector_load %arg8[%get3A_351, %get3A_352] {strides = array<i32>} : memref<640x32xf32, #tpu.memory_space<vmem>>, vector<16xf32>,
        %get3A_354 = arith.index_cast %scan3A_350 : i32 to index
        %get3A_355 = arith.constant 16 : index
        %get3A_356 = tpu.vector_load %arg8[%get3A_354, %get3A_355] {strides = array<i32>} : memref<640x32xf32, #tpu.memory_space<vmem>>, vector<16xf32>,
        %add3A_357 = arith.constant 128 : i32
        %add3A_358 = arith.addi %add3A_357, %scan3A_350 : i32
        %get3A_359 = arith.index_cast %add3A_358 : i32 to index
        %get3A_360 = arith.constant 0 : index
        %get3A_361 = tpu.vector_load %arg8[%get3A_359, %get3A_360] {strides = array<i32>} : memref<640x32xf32, #tpu.memory_space<vmem>>, vector<16xf32>,
        %add3A_362 = arith.addf %get3A_353, %get3A_361 : vector<16xf32>
        %get3A_363 = arith.index_cast %add3A_358 : i32 to index
        %get3A_364 = arith.constant 16 : index
        %get3A_365 = tpu.vector_load %arg8[%get3A_363, %get3A_364] {strides = array<i32>} : memref<640x32xf32, #tpu.memory_space<vmem>>, vector<16xf32>,
        %add3A_366 = arith.addf %get3A_356, %get3A_365 : vector<16xf32>
        %add3A_367 = arith.constant 256 : i32
        %add3A_368 = arith.addi %add3A_367, %scan3A_350 : i32
        %get3A_369 = arith.index_cast %add3A_368 : i32 to index
        %get3A_370 = arith.constant 0 : index
        %get3A_371 = tpu.vector_load %arg8[%get3A_369, %get3A_370] {strides = array<i32>} : memref<640x32xf32, #tpu.memory_space<vmem>>, vector<16xf32>,
        %add3A_372 = arith.addf %add3A_362, %get3A_371 : vector<16xf32>
        %get3A_373 = arith.index_cast %add3A_368 : i32 to index
        %get3A_374 = arith.constant 16 : index
        %get3A_375 = tpu.vector_load %arg8[%get3A_373, %get3A_374] {strides = array<i32>} : memref<640x32xf32, #tpu.memory_space<vmem>>, vector<16xf32>,
        %add3A_376 = arith.addf %add3A_366, %get3A_375 : vector<16xf32>
        %add3A_377 = arith.constant 384 : i32
        %add3A_378 = arith.addi %add3A_377, %scan3A_350 : i32
        %get3A_379 = arith.index_cast %add3A_378 : i32 to index
        %get3A_380 = arith.constant 0 : index
        %get3A_381 = tpu.vector_load %arg8[%get3A_379, %get3A_380] {strides = array<i32>} : memref<640x32xf32, #tpu.memory_space<vmem>>, vector<16xf32>,
        %add3A_382 = arith.addf %add3A_372, %get3A_381 : vector<16xf32>
        %get3A_383 = arith.index_cast %add3A_378 : i32 to index
        %get3A_384 = arith.constant 16 : index
        %get3A_385 = tpu.vector_load %arg8[%get3A_383, %get3A_384] {strides = array<i32>} : memref<640x32xf32, #tpu.memory_space<vmem>>, vector<16xf32>,
        %add3A_386 = arith.addf %add3A_376, %get3A_385 : vector<16xf32>
        %add3A_387 = arith.constant 512 : i32
        %add3A_388 = arith.addi %add3A_387, %scan3A_350 : i32
        %get3A_389 = arith.index_cast %add3A_388 : i32 to index
        %get3A_390 = arith.constant 0 : index
        %get3A_391 = tpu.vector_load %arg8[%get3A_389, %get3A_390] {strides = array<i32>} : memref<640x32xf32, #tpu.memory_space<vmem>>, vector<16xf32>,
        %add3A_392 = arith.addf %add3A_382, %get3A_391 : vector<16xf32>
        %get3A_393 = arith.index_cast %add3A_388 : i32 to index
        %get3A_394 = arith.constant 16 : index
        %get3A_395 = tpu.vector_load %arg8[%get3A_393, %get3A_394] {strides = array<i32>} : memref<640x32xf32, #tpu.memory_space<vmem>>, vector<16xf32>,
        %add3A_396 = arith.addf %add3A_386, %get3A_395 : vector<16xf32>
        %swap3A_397 = arith.index_cast %scan3A_350 : i32 to index
        %swap3A_398 = arith.constant 0 : index
        %swap3A_399 = tpu.vector_load %arg11[%swap3A_397, %swap3A_398] {strides = array<i32>} : memref<128x32xf32, #tpu.memory_space<vmem>>, vector<16xf32>,
        tpu.vector_store %arg11[%swap3A_397, %swap3A_398], %add3A_392 {add = true, strides = array<i32>} : memref<128x32xf32, #tpu.memory_space<vmem>>, vector<16xf32>,
        %swap3A_400 = arith.index_cast %scan3A_350 : i32 to index
        %swap3A_401 = arith.constant 16 : index
        %swap3A_402 = tpu.vector_load %arg11[%swap3A_400, %swap3A_401] {strides = array<i32>} : memref<128x32xf32, #tpu.memory_space<vmem>>, vector<16xf32>,
        tpu.vector_store %arg11[%swap3A_400, %swap3A_401], %add3A_396 {add = true, strides = array<i32>} : memref<128x32xf32, #tpu.memory_space<vmem>>, vector<16xf32>,
        %scan3A_403 = arith.constant 5 : i32
        %scan3A_404 = arith.addi %scan3A_135, %scan3A_403 : i32
        %get3A_405 = arith.index_cast %scan3A_404 : i32 to index
        %get3A_406 = arith.constant 0 : index
        %get3A_407 = tpu.vector_load %arg8[%get3A_405, %get3A_406] {strides = array<i32>} : memref<640x32xf32, #tpu.memory_space<vmem>>, vector<16xf32>,
        %get3A_408 = arith.index_cast %scan3A_404 : i32 to index
        %get3A_409 = arith.constant 16 : index
        %get3A_410 = tpu.vector_load %arg8[%get3A_408, %get3A_409] {strides = array<i32>} : memref<640x32xf32, #tpu.memory_space<vmem>>, vector<16xf32>,
        %add3A_411 = arith.constant 128 : i32
        %add3A_412 = arith.addi %add3A_411, %scan3A_404 : i32
        %get3A_413 = arith.index_cast %add3A_412 : i32 to index
        %get3A_414 = arith.constant 0 : index
        %get3A_415 = tpu.vector_load %arg8[%get3A_413, %get3A_414] {strides = array<i32>} : memref<640x32xf32, #tpu.memory_space<vmem>>, vector<16xf32>,
        %add3A_416 = arith.addf %get3A_407, %get3A_415 : vector<16xf32>
        %get3A_417 = arith.index_cast %add3A_412 : i32 to index
        %get3A_418 = arith.constant 16 : index
        %get3A_419 = tpu.vector_load %arg8[%get3A_417, %get3A_418] {strides = array<i32>} : memref<640x32xf32, #tpu.memory_space<vmem>>, vector<16xf32>,
        %add3A_420 = arith.addf %get3A_410, %get3A_419 : vector<16xf32>
        %add3A_421 = arith.constant 256 : i32
        %add3A_422 = arith.addi %add3A_421, %scan3A_404 : i32
        %get3A_423 = arith.index_cast %add3A_422 : i32 to index
        %get3A_424 = arith.constant 0 : index
        %get3A_425 = tpu.vector_load %arg8[%get3A_423, %get3A_424] {strides = array<i32>} : memref<640x32xf32, #tpu.memory_space<vmem>>, vector<16xf32>,
        %add3A_426 = arith.addf %add3A_416, %get3A_425 : vector<16xf32>
        %get3A_427 = arith.index_cast %add3A_422 : i32 to index
        %get3A_428 = arith.constant 16 : index
        %get3A_429 = tpu.vector_load %arg8[%get3A_427, %get3A_428] {strides = array<i32>} : memref<640x32xf32, #tpu.memory_space<vmem>>, vector<16xf32>,
        %add3A_430 = arith.addf %add3A_420, %get3A_429 : vector<16xf32>
        %add3A_431 = arith.constant 384 : i32
        %add3A_432 = arith.addi %add3A_431, %scan3A_404 : i32
        %get3A_433 = arith.index_cast %add3A_432 : i32 to index
        %get3A_434 = arith.constant 0 : index
        %get3A_435 = tpu.vector_load %arg8[%get3A_433, %get3A_434] {strides = array<i32>} : memref<640x32xf32, #tpu.memory_space<vmem>>, vector<16xf32>,
        %add3A_436 = arith.addf %add3A_426, %get3A_435 : vector<16xf32>
        %get3A_437 = arith.index_cast %add3A_432 : i32 to index
        %get3A_438 = arith.constant 16 : index
        %get3A_439 = tpu.vector_load %arg8[%get3A_437, %get3A_438] {strides = array<i32>} : memref<640x32xf32, #tpu.memory_space<vmem>>, vector<16xf32>,
        %add3A_440 = arith.addf %add3A_430, %get3A_439 : vector<16xf32>
        %add3A_441 = arith.constant 512 : i32
        %add3A_442 = arith.addi %add3A_441, %scan3A_404 : i32
        %get3A_443 = arith.index_cast %add3A_442 : i32 to index
        %get3A_444 = arith.constant 0 : index
        %get3A_445 = tpu.vector_load %arg8[%get3A_443, %get3A_444] {strides = array<i32>} : memref<640x32xf32, #tpu.memory_space<vmem>>, vector<16xf32>,
        %add3A_446 = arith.addf %add3A_436, %get3A_445 : vector<16xf32>
        %get3A_447 = arith.index_cast %add3A_442 : i32 to index
        %get3A_448 = arith.constant 16 : index
        %get3A_449 = tpu.vector_load %arg8[%get3A_447, %get3A_448] {strides = array<i32>} : memref<640x32xf32, #tpu.memory_space<vmem>>, vector<16xf32>,
        %add3A_450 = arith.addf %add3A_440, %get3A_449 : vector<16xf32>
        %swap3A_451 = arith.index_cast %scan3A_404 : i32 to index
        %swap3A_452 = arith.constant 0 : index
        %swap3A_453 = tpu.vector_load %arg11[%swap3A_451, %swap3A_452] {strides = array<i32>} : memref<128x32xf32, #tpu.memory_space<vmem>>, vector<16xf32>,
        tpu.vector_store %arg11[%swap3A_451, %swap3A_452], %add3A_446 {add = true, strides = array<i32>} : memref<128x32xf32, #tpu.memory_space<vmem>>, vector<16xf32>,
        %swap3A_454 = arith.index_cast %scan3A_404 : i32 to index
        %swap3A_455 = arith.constant 16 : index
        %swap3A_456 = tpu.vector_load %arg11[%swap3A_454, %swap3A_455] {strides = array<i32>} : memref<128x32xf32, #tpu.memory_space<vmem>>, vector<16xf32>,
        tpu.vector_store %arg11[%swap3A_454, %swap3A_455], %add3A_450 {add = true, strides = array<i32>} : memref<128x32xf32, #tpu.memory_space<vmem>>, vector<16xf32>,
        %scan3A_457 = arith.constant 6 : i32
        %scan3A_458 = arith.addi %scan3A_135, %scan3A_457 : i32
        %get3A_459 = arith.index_cast %scan3A_458 : i32 to index
        %get3A_460 = arith.constant 0 : index
        %get3A_461 = tpu.vector_load %arg8[%get3A_459, %get3A_460] {strides = array<i32>} : memref<640x32xf32, #tpu.memory_space<vmem>>, vector<16xf32>,
        %get3A_462 = arith.index_cast %scan3A_458 : i32 to index
        %get3A_463 = arith.constant 16 : index
        %get3A_464 = tpu.vector_load %arg8[%get3A_462, %get3A_463] {strides = array<i32>} : memref<640x32xf32, #tpu.memory_space<vmem>>, vector<16xf32>,
        %add3A_465 = arith.constant 128 : i32
        %add3A_466 = arith.addi %add3A_465, %scan3A_458 : i32
        %get3A_467 = arith.index_cast %add3A_466 : i32 to index
        %get3A_468 = arith.constant 0 : index
        %get3A_469 = tpu.vector_load %arg8[%get3A_467, %get3A_468] {strides = array<i32>} : memref<640x32xf32, #tpu.memory_space<vmem>>, vector<16xf32>,
        %add3A_470 = arith.addf %get3A_461, %get3A_469 : vector<16xf32>
        %get3A_471 = arith.index_cast %add3A_466 : i32 to index
        %get3A_472 = arith.constant 16 : index
        %get3A_473 = tpu.vector_load %arg8[%get3A_471, %get3A_472] {strides = array<i32>} : memref<640x32xf32, #tpu.memory_space<vmem>>, vector<16xf32>,
        %add3A_474 = arith.addf %get3A_464, %get3A_473 : vector<16xf32>
        %add3A_475 = arith.constant 256 : i32
        %add3A_476 = arith.addi %add3A_475, %scan3A_458 : i32
        %get3A_477 = arith.index_cast %add3A_476 : i32 to index
        %get3A_478 = arith.constant 0 : index
        %get3A_479 = tpu.vector_load %arg8[%get3A_477, %get3A_478] {strides = array<i32>} : memref<640x32xf32, #tpu.memory_space<vmem>>, vector<16xf32>,
        %add3A_480 = arith.addf %add3A_470, %get3A_479 : vector<16xf32>
        %get3A_481 = arith.index_cast %add3A_476 : i32 to index
        %get3A_482 = arith.constant 16 : index
        %get3A_483 = tpu.vector_load %arg8[%get3A_481, %get3A_482] {strides = array<i32>} : memref<640x32xf32, #tpu.memory_space<vmem>>, vector<16xf32>,
        %add3A_484 = arith.addf %add3A_474, %get3A_483 : vector<16xf32>
        %add3A_485 = arith.constant 384 : i32
        %add3A_486 = arith.addi %add3A_485, %scan3A_458 : i32
        %get3A_487 = arith.index_cast %add3A_486 : i32 to index
        %get3A_488 = arith.constant 0 : index
        %get3A_489 = tpu.vector_load %arg8[%get3A_487, %get3A_488] {strides = array<i32>} : memref<640x32xf32, #tpu.memory_space<vmem>>, vector<16xf32>,
        %add3A_490 = arith.addf %add3A_480, %get3A_489 : vector<16xf32>
        %get3A_491 = arith.index_cast %add3A_486 : i32 to index
        %get3A_492 = arith.constant 16 : index
        %get3A_493 = tpu.vector_load %arg8[%get3A_491, %get3A_492] {strides = array<i32>} : memref<640x32xf32, #tpu.memory_space<vmem>>, vector<16xf32>,
        %add3A_494 = arith.addf %add3A_484, %get3A_493 : vector<16xf32>
        %add3A_495 = arith.constant 512 : i32
        %add3A_496 = arith.addi %add3A_495, %scan3A_458 : i32
        %get3A_497 = arith.index_cast %add3A_496 : i32 to index
        %get3A_498 = arith.constant 0 : index
        %get3A_499 = tpu.vector_load %arg8[%get3A_497, %get3A_498] {strides = array<i32>} : memref<640x32xf32, #tpu.memory_space<vmem>>, vector<16xf32>,
        %add3A_500 = arith.addf %add3A_490, %get3A_499 : vector<16xf32>
        %get3A_501 = arith.index_cast %add3A_496 : i32 to index
        %get3A_502 = arith.constant 16 : index
        %get3A_503 = tpu.vector_load %arg8[%get3A_501, %get3A_502] {strides = array<i32>} : memref<640x32xf32, #tpu.memory_space<vmem>>, vector<16xf32>,
        %add3A_504 = arith.addf %add3A_494, %get3A_503 : vector<16xf32>
        %swap3A_505 = arith.index_cast %scan3A_458 : i32 to index
        %swap3A_506 = arith.constant 0 : index
        %swap3A_507 = tpu.vector_load %arg11[%swap3A_505, %swap3A_506] {strides = array<i32>} : memref<128x32xf32, #tpu.memory_space<vmem>>, vector<16xf32>,
        tpu.vector_store %arg11[%swap3A_505, %swap3A_506], %add3A_500 {add = true, strides = array<i32>} : memref<128x32xf32, #tpu.memory_space<vmem>>, vector<16xf32>,
        %swap3A_508 = arith.index_cast %scan3A_458 : i32 to index
        %swap3A_509 = arith.constant 16 : index
        %swap3A_510 = tpu.vector_load %arg11[%swap3A_508, %swap3A_509] {strides = array<i32>} : memref<128x32xf32, #tpu.memory_space<vmem>>, vector<16xf32>,
        tpu.vector_store %arg11[%swap3A_508, %swap3A_509], %add3A_504 {add = true, strides = array<i32>} : memref<128x32xf32, #tpu.memory_space<vmem>>, vector<16xf32>,
        %scan3A_511 = arith.constant 7 : i32
        %scan3A_512 = arith.addi %scan3A_135, %scan3A_511 : i32
        %get3A_513 = arith.index_cast %scan3A_512 : i32 to index
        %get3A_514 = arith.constant 0 : index
        %get3A_515 = tpu.vector_load %arg8[%get3A_513, %get3A_514] {strides = array<i32>} : memref<640x32xf32, #tpu.memory_space<vmem>>, vector<16xf32>,
        %get3A_516 = arith.index_cast %scan3A_512 : i32 to index
        %get3A_517 = arith.constant 16 : index
        %get3A_518 = tpu.vector_load %arg8[%get3A_516, %get3A_517] {strides = array<i32>} : memref<640x32xf32, #tpu.memory_space<vmem>>, vector<16xf32>,
        %add3A_519 = arith.constant 128 : i32
        %add3A_520 = arith.addi %add3A_519, %scan3A_512 : i32
        %get3A_521 = arith.index_cast %add3A_520 : i32 to index
        %get3A_522 = arith.constant 0 : index
        %get3A_523 = tpu.vector_load %arg8[%get3A_521, %get3A_522] {strides = array<i32>} : memref<640x32xf32, #tpu.memory_space<vmem>>, vector<16xf32>,
        %add3A_524 = arith.addf %get3A_515, %get3A_523 : vector<16xf32>
        %get3A_525 = arith.index_cast %add3A_520 : i32 to index
        %get3A_526 = arith.constant 16 : index
        %get3A_527 = tpu.vector_load %arg8[%get3A_525, %get3A_526] {strides = array<i32>} : memref<640x32xf32, #tpu.memory_space<vmem>>, vector<16xf32>,
        %add3A_528 = arith.addf %get3A_518, %get3A_527 : vector<16xf32>
        %add3A_529 = arith.constant 256 : i32
        %add3A_530 = arith.addi %add3A_529, %scan3A_512 : i32
        %get3A_531 = arith.index_cast %add3A_530 : i32 to index
        %get3A_532 = arith.constant 0 : index
        %get3A_533 = tpu.vector_load %arg8[%get3A_531, %get3A_532] {strides = array<i32>} : memref<640x32xf32, #tpu.memory_space<vmem>>, vector<16xf32>,
        %add3A_534 = arith.addf %add3A_524, %get3A_533 : vector<16xf32>
        %get3A_535 = arith.index_cast %add3A_530 : i32 to index
        %get3A_536 = arith.constant 16 : index
        %get3A_537 = tpu.vector_load %arg8[%get3A_535, %get3A_536] {strides = array<i32>} : memref<640x32xf32, #tpu.memory_space<vmem>>, vector<16xf32>,
        %add3A_538 = arith.addf %add3A_528, %get3A_537 : vector<16xf32>
        %add3A_539 = arith.constant 384 : i32
        %add3A_540 = arith.addi %add3A_539, %scan3A_512 : i32
        %get3A_541 = arith.index_cast %add3A_540 : i32 to index
        %get3A_542 = arith.constant 0 : index
        %get3A_543 = tpu.vector_load %arg8[%get3A_541, %get3A_542] {strides = array<i32>} : memref<640x32xf32, #tpu.memory_space<vmem>>, vector<16xf32>,
        %add3A_544 = arith.addf %add3A_534, %get3A_543 : vector<16xf32>
        %get3A_545 = arith.index_cast %add3A_540 : i32 to index
        %get3A_546 = arith.constant 16 : index
        %get3A_547 = tpu.vector_load %arg8[%get3A_545, %get3A_546] {strides = array<i32>} : memref<640x32xf32, #tpu.memory_space<vmem>>, vector<16xf32>,
        %add3A_548 = arith.addf %add3A_538, %get3A_547 : vector<16xf32>
        %add3A_549 = arith.constant 512 : i32
        %add3A_550 = arith.addi %add3A_549, %scan3A_512 : i32
        %get3A_551 = arith.index_cast %add3A_550 : i32 to index
        %get3A_552 = arith.constant 0 : index
        %get3A_553 = tpu.vector_load %arg8[%get3A_551, %get3A_552] {strides = array<i32>} : memref<640x32xf32, #tpu.memory_space<vmem>>, vector<16xf32>,
        %add3A_554 = arith.addf %add3A_544, %get3A_553 : vector<16xf32>
        %get3A_555 = arith.index_cast %add3A_550 : i32 to index
        %get3A_556 = arith.constant 16 : index
        %get3A_557 = tpu.vector_load %arg8[%get3A_555, %get3A_556] {strides = array<i32>} : memref<640x32xf32, #tpu.memory_space<vmem>>, vector<16xf32>,
        %add3A_558 = arith.addf %add3A_548, %get3A_557 : vector<16xf32>
        %swap3A_559 = arith.index_cast %scan3A_512 : i32 to index
        %swap3A_560 = arith.constant 0 : index
        %swap3A_561 = tpu.vector_load %arg11[%swap3A_559, %swap3A_560] {strides = array<i32>} : memref<128x32xf32, #tpu.memory_space<vmem>>, vector<16xf32>,
        tpu.vector_store %arg11[%swap3A_559, %swap3A_560], %add3A_554 {add = true, strides = array<i32>} : memref<128x32xf32, #tpu.memory_space<vmem>>, vector<16xf32>,
        %swap3A_562 = arith.index_cast %scan3A_512 : i32 to index
        %swap3A_563 = arith.constant 16 : index
        %swap3A_564 = tpu.vector_load %arg11[%swap3A_562, %swap3A_563] {strides = array<i32>} : memref<128x32xf32, #tpu.memory_space<vmem>>, vector<16xf32>,
        tpu.vector_store %arg11[%swap3A_562, %swap3A_563], %add3A_558 {add = true, strides = array<i32>} : memref<128x32xf32, #tpu.memory_space<vmem>>, vector<16xf32>,
      }
      %scan3A_81 = arith.constant 128 : i32
      %add3A_82 = arith.constant 4 : i32
      %add3A_83 = arith.addi %add3A_67, %add3A_82 : i32
      %lt3A_84 = arith.constant 40 : i32
      %lt3A_85 = arith.cmpi slt, %add3A_83, %lt3A_84 : i32
      %convert_element_type3A_86 = arith.extui %lt3A_85 : i1 to i32
      %cond3A_87 = arith.constant 0 : i32
      %cond3A_88 = arith.cmpi ne, %convert_element_type3A_86, %cond3A_87 : i32
      scf.if %cond3A_88 {
        %mul3A_135 = arith.constant 5 : i32
        %mul3A_136 = arith.muli %add3A_83, %mul3A_135 : i32
        %mul3A_137 = arith.constant 128 : i32
        %mul3A_138 = arith.muli %mul3A_136, %mul3A_137 : i32
        %dma_start3A_139 = tpu.memref_slice %arg6[%mul3A_138] : memref<25600xi32, #tpu.memory_space<vmem>> -> memref<640xi32, #tpu.memory_space<vmem>>
        %dma_start3A_140 = arith.constant 0 : i32
        %dma_start3A_141 = arith.constant 0 : i32
        %dma_start3A_142 = tpu.memref_slice %arg3[%dma_start3A_140, %dma_start3A_141] : memref<100000x32xf32, #tpu.memory_space<hbm>> -> memref<100000x32xf32, #tpu.memory_space<hbm>>
        tpu.enqueue_indirect_dma source(%dma_start3A_142 : memref<100000x32xf32, #tpu.memory_space<hbm>>) target(%arg8 : memref<640x32xf32, #tpu.memory_space<vmem>>) offsets(%dma_start3A_139 : memref<640xi32, #tpu.memory_space<vmem>>) semaphore(%arg14 : memref<!tpu.dma_semaphore, #tpu.memory_space<semaphore_mem>>)
      } else {
      }
      %add3A_89 = arith.constant 2 : i32
      %add3A_90 = arith.addi %mul3A_46, %add3A_89 : i32
      %mul3A_91 = arith.constant 5 : i32
      %mul3A_92 = arith.muli %add3A_90, %mul3A_91 : i32
      %mul3A_93 = arith.constant 128 : i32
      %mul3A_94 = arith.muli %mul3A_92, %mul3A_93 : i32
      %dma_wait3A_95 = tpu.memref_slice %arg6[%mul3A_94] : memref<25600xi32, #tpu.memory_space<vmem>> -> memref<640xi32, #tpu.memory_space<vmem>>
      %dma_wait3A_96 = arith.constant 0 : i32
      %dma_wait3A_97 = arith.constant 0 : i32
      %dma_wait3A_98 = tpu.memref_slice %arg3[%dma_wait3A_96, %dma_wait3A_97] : memref<100000x32xf32, #tpu.memory_space<hbm>> -> memref<100000x32xf32, #tpu.memory_space<hbm>>
      tpu.wait_indirect_dma semaphore(%arg15 : memref<!tpu.dma_semaphore, #tpu.memory_space<semaphore_mem>>) src(%dma_wait3A_98 : memref<100000x32xf32, #tpu.memory_space<hbm>>) dst(%arg9 : memref<640x32xf32, #tpu.memory_space<vmem>>)
      %scan3A_99 = arith.constant 0 : i32
      %scan3A_100 = arith.constant 0 : i32
      %scan3A_101 = arith.constant 128 : i32
      %scan3A_102 = arith.addi %scan3A_100, %scan3A_101 : i32
      %scan3A_103 = arith.constant 8 : i32
      scf.for %scan3A_135 = %scan3A_100 to %scan3A_102 step %scan3A_103  : i32 {
        %get3A_136 = arith.index_cast %scan3A_135 : i32 to index
        %get3A_137 = arith.constant 0 : index
        %get3A_138 = tpu.vector_load %arg9[%get3A_136, %get3A_137] {strides = array<i32>} : memref<640x32xf32, #tpu.memory_space<vmem>>, vector<16xf32>,
        %get3A_139 = arith.index_cast %scan3A_135 : i32 to index
        %get3A_140 = arith.constant 16 : index
        %get3A_141 = tpu.vector_load %arg9[%get3A_139, %get3A_140] {strides = array<i32>} : memref<640x32xf32, #tpu.memory_space<vmem>>, vector<16xf32>,
        %add3A_142 = arith.constant 128 : i32
        %add3A_143 = arith.addi %add3A_142, %scan3A_135 : i32
        %get3A_144 = arith.index_cast %add3A_143 : i32 to index
        %get3A_145 = arith.constant 0 : index
        %get3A_146 = tpu.vector_load %arg9[%get3A_144, %get3A_145] {strides = array<i32>} : memref<640x32xf32, #tpu.memory_space<vmem>>, vector<16xf32>,
        %add3A_147 = arith.addf %get3A_138, %get3A_146 : vector<16xf32>
        %get3A_148 = arith.index_cast %add3A_143 : i32 to index
        %get3A_149 = arith.constant 16 : index
        %get3A_150 = tpu.vector_load %arg9[%get3A_148, %get3A_149] {strides = array<i32>} : memref<640x32xf32, #tpu.memory_space<vmem>>, vector<16xf32>,
        %add3A_151 = arith.addf %get3A_141, %get3A_150 : vector<16xf32>
        %add3A_152 = arith.constant 256 : i32
        %add3A_153 = arith.addi %add3A_152, %scan3A_135 : i32
        %get3A_154 = arith.index_cast %add3A_153 : i32 to index
        %get3A_155 = arith.constant 0 : index
        %get3A_156 = tpu.vector_load %arg9[%get3A_154, %get3A_155] {strides = array<i32>} : memref<640x32xf32, #tpu.memory_space<vmem>>, vector<16xf32>,
        %add3A_157 = arith.addf %add3A_147, %get3A_156 : vector<16xf32>
        %get3A_158 = arith.index_cast %add3A_153 : i32 to index
        %get3A_159 = arith.constant 16 : index
        %get3A_160 = tpu.vector_load %arg9[%get3A_158, %get3A_159] {strides = array<i32>} : memref<640x32xf32, #tpu.memory_space<vmem>>, vector<16xf32>,
        %add3A_161 = arith.addf %add3A_151, %get3A_160 : vector<16xf32>
        %add3A_162 = arith.constant 384 : i32
        %add3A_163 = arith.addi %add3A_162, %scan3A_135 : i32
        %get3A_164 = arith.index_cast %add3A_163 : i32 to index
        %get3A_165 = arith.constant 0 : index
        %get3A_166 = tpu.vector_load %arg9[%get3A_164, %get3A_165] {strides = array<i32>} : memref<640x32xf32, #tpu.memory_space<vmem>>, vector<16xf32>,
        %add3A_167 = arith.addf %add3A_157, %get3A_166 : vector<16xf32>
        %get3A_168 = arith.index_cast %add3A_163 : i32 to index
        %get3A_169 = arith.constant 16 : index
        %get3A_170 = tpu.vector_load %arg9[%get3A_168, %get3A_169] {strides = array<i32>} : memref<640x32xf32, #tpu.memory_space<vmem>>, vector<16xf32>,
        %add3A_171 = arith.addf %add3A_161, %get3A_170 : vector<16xf32>
        %add3A_172 = arith.constant 512 : i32
        %add3A_173 = arith.addi %add3A_172, %scan3A_135 : i32
        %get3A_174 = arith.index_cast %add3A_173 : i32 to index
        %get3A_175 = arith.constant 0 : index
        %get3A_176 = tpu.vector_load %arg9[%get3A_174, %get3A_175] {strides = array<i32>} : memref<640x32xf32, #tpu.memory_space<vmem>>, vector<16xf32>,
        %add3A_177 = arith.addf %add3A_167, %get3A_176 : vector<16xf32>
        %get3A_178 = arith.index_cast %add3A_173 : i32 to index
        %get3A_179 = arith.constant 16 : index
        %get3A_180 = tpu.vector_load %arg9[%get3A_178, %get3A_179] {strides = array<i32>} : memref<640x32xf32, #tpu.memory_space<vmem>>, vector<16xf32>,
        %add3A_181 = arith.addf %add3A_171, %get3A_180 : vector<16xf32>
        %swap3A = arith.index_cast %scan3A_135 : i32 to index
        %swap3A_182 = arith.constant 0 : index
        %swap3A_183 = tpu.vector_load %arg11[%swap3A, %swap3A_182] {strides = array<i32>} : memref<128x32xf32, #tpu.memory_space<vmem>>, vector<16xf32>,
        tpu.vector_store %arg11[%swap3A, %swap3A_182], %add3A_177 {add = true, strides = array<i32>} : memref<128x32xf32, #tpu.memory_space<vmem>>, vector<16xf32>,
        %swap3A_184 = arith.index_cast %scan3A_135 : i32 to index
        %swap3A_185 = arith.constant 16 : index
        %swap3A_186 = tpu.vector_load %arg11[%swap3A_184, %swap3A_185] {strides = array<i32>} : memref<128x32xf32, #tpu.memory_space<vmem>>, vector<16xf32>,
        tpu.vector_store %arg11[%swap3A_184, %swap3A_185], %add3A_181 {add = true, strides = array<i32>} : memref<128x32xf32, #tpu.memory_space<vmem>>, vector<16xf32>,
        %scan3A_187 = arith.constant 1 : i32
        %scan3A_188 = arith.addi %scan3A_135, %scan3A_187 : i32
        %get3A_189 = arith.index_cast %scan3A_188 : i32 to index
        %get3A_190 = arith.constant 0 : index
        %get3A_191 = tpu.vector_load %arg9[%get3A_189, %get3A_190] {strides = array<i32>} : memref<640x32xf32, #tpu.memory_space<vmem>>, vector<16xf32>,
        %get3A_192 = arith.index_cast %scan3A_188 : i32 to index
        %get3A_193 = arith.constant 16 : index
        %get3A_194 = tpu.vector_load %arg9[%get3A_192, %get3A_193] {strides = array<i32>} : memref<640x32xf32, #tpu.memory_space<vmem>>, vector<16xf32>,
        %add3A_195 = arith.constant 128 : i32
        %add3A_196 = arith.addi %add3A_195, %scan3A_188 : i32
        %get3A_197 = arith.index_cast %add3A_196 : i32 to index
        %get3A_198 = arith.constant 0 : index
        %get3A_199 = tpu.vector_load %arg9[%get3A_197, %get3A_198] {strides = array<i32>} : memref<640x32xf32, #tpu.memory_space<vmem>>, vector<16xf32>,
        %add3A_200 = arith.addf %get3A_191, %get3A_199 : vector<16xf32>
        %get3A_201 = arith.index_cast %add3A_196 : i32 to index
        %get3A_202 = arith.constant 16 : index
        %get3A_203 = tpu.vector_load %arg9[%get3A_201, %get3A_202] {strides = array<i32>} : memref<640x32xf32, #tpu.memory_space<vmem>>, vector<16xf32>,
        %add3A_204 = arith.addf %get3A_194, %get3A_203 : vector<16xf32>
        %add3A_205 = arith.constant 256 : i32
        %add3A_206 = arith.addi %add3A_205, %scan3A_188 : i32
        %get3A_207 = arith.index_cast %add3A_206 : i32 to index
        %get3A_208 = arith.constant 0 : index
        %get3A_209 = tpu.vector_load %arg9[%get3A_207, %get3A_208] {strides = array<i32>} : memref<640x32xf32, #tpu.memory_space<vmem>>, vector<16xf32>,
        %add3A_210 = arith.addf %add3A_200, %get3A_209 : vector<16xf32>
        %get3A_211 = arith.index_cast %add3A_206 : i32 to index
        %get3A_212 = arith.constant 16 : index
        %get3A_213 = tpu.vector_load %arg9[%get3A_211, %get3A_212] {strides = array<i32>} : memref<640x32xf32, #tpu.memory_space<vmem>>, vector<16xf32>,
        %add3A_214 = arith.addf %add3A_204, %get3A_213 : vector<16xf32>
        %add3A_215 = arith.constant 384 : i32
        %add3A_216 = arith.addi %add3A_215, %scan3A_188 : i32
        %get3A_217 = arith.index_cast %add3A_216 : i32 to index
        %get3A_218 = arith.constant 0 : index
        %get3A_219 = tpu.vector_load %arg9[%get3A_217, %get3A_218] {strides = array<i32>} : memref<640x32xf32, #tpu.memory_space<vmem>>, vector<16xf32>,
        %add3A_220 = arith.addf %add3A_210, %get3A_219 : vector<16xf32>
        %get3A_221 = arith.index_cast %add3A_216 : i32 to index
        %get3A_222 = arith.constant 16 : index
        %get3A_223 = tpu.vector_load %arg9[%get3A_221, %get3A_222] {strides = array<i32>} : memref<640x32xf32, #tpu.memory_space<vmem>>, vector<16xf32>,
        %add3A_224 = arith.addf %add3A_214, %get3A_223 : vector<16xf32>
        %add3A_225 = arith.constant 512 : i32
        %add3A_226 = arith.addi %add3A_225, %scan3A_188 : i32
        %get3A_227 = arith.index_cast %add3A_226 : i32 to index
        %get3A_228 = arith.constant 0 : index
        %get3A_229 = tpu.vector_load %arg9[%get3A_227, %get3A_228] {strides = array<i32>} : memref<640x32xf32, #tpu.memory_space<vmem>>, vector<16xf32>,
        %add3A_230 = arith.addf %add3A_220, %get3A_229 : vector<16xf32>
        %get3A_231 = arith.index_cast %add3A_226 : i32 to index
        %get3A_232 = arith.constant 16 : index
        %get3A_233 = tpu.vector_load %arg9[%get3A_231, %get3A_232] {strides = array<i32>} : memref<640x32xf32, #tpu.memory_space<vmem>>, vector<16xf32>,
        %add3A_234 = arith.addf %add3A_224, %get3A_233 : vector<16xf32>
        %swap3A_235 = arith.index_cast %scan3A_188 : i32 to index
        %swap3A_236 = arith.constant 0 : index
        %swap3A_237 = tpu.vector_load %arg11[%swap3A_235, %swap3A_236] {strides = array<i32>} : memref<128x32xf32, #tpu.memory_space<vmem>>, vector<16xf32>,
        tpu.vector_store %arg11[%swap3A_235, %swap3A_236], %add3A_230 {add = true, strides = array<i32>} : memref<128x32xf32, #tpu.memory_space<vmem>>, vector<16xf32>,
        %swap3A_238 = arith.index_cast %scan3A_188 : i32 to index
        %swap3A_239 = arith.constant 16 : index
        %swap3A_240 = tpu.vector_load %arg11[%swap3A_238, %swap3A_239] {strides = array<i32>} : memref<128x32xf32, #tpu.memory_space<vmem>>, vector<16xf32>,
        tpu.vector_store %arg11[%swap3A_238, %swap3A_239], %add3A_234 {add = true, strides = array<i32>} : memref<128x32xf32, #tpu.memory_space<vmem>>, vector<16xf32>,
        %scan3A_241 = arith.constant 2 : i32
        %scan3A_242 = arith.addi %scan3A_135, %scan3A_241 : i32
        %get3A_243 = arith.index_cast %scan3A_242 : i32 to index
        %get3A_244 = arith.constant 0 : index
        %get3A_245 = tpu.vector_load %arg9[%get3A_243, %get3A_244] {strides = array<i32>} : memref<640x32xf32, #tpu.memory_space<vmem>>, vector<16xf32>,
        %get3A_246 = arith.index_cast %scan3A_242 : i32 to index
        %get3A_247 = arith.constant 16 : index
        %get3A_248 = tpu.vector_load %arg9[%get3A_246, %get3A_247] {strides = array<i32>} : memref<640x32xf32, #tpu.memory_space<vmem>>, vector<16xf32>,
        %add3A_249 = arith.constant 128 : i32
        %add3A_250 = arith.addi %add3A_249, %scan3A_242 : i32
        %get3A_251 = arith.index_cast %add3A_250 : i32 to index
        %get3A_252 = arith.constant 0 : index
        %get3A_253 = tpu.vector_load %arg9[%get3A_251, %get3A_252] {strides = array<i32>} : memref<640x32xf32, #tpu.memory_space<vmem>>, vector<16xf32>,
        %add3A_254 = arith.addf %get3A_245, %get3A_253 : vector<16xf32>
        %get3A_255 = arith.index_cast %add3A_250 : i32 to index
        %get3A_256 = arith.constant 16 : index
        %get3A_257 = tpu.vector_load %arg9[%get3A_255, %get3A_256] {strides = array<i32>} : memref<640x32xf32, #tpu.memory_space<vmem>>, vector<16xf32>,
        %add3A_258 = arith.addf %get3A_248, %get3A_257 : vector<16xf32>
        %add3A_259 = arith.constant 256 : i32
        %add3A_260 = arith.addi %add3A_259, %scan3A_242 : i32
        %get3A_261 = arith.index_cast %add3A_260 : i32 to index
        %get3A_262 = arith.constant 0 : index
        %get3A_263 = tpu.vector_load %arg9[%get3A_261, %get3A_262] {strides = array<i32>} : memref<640x32xf32, #tpu.memory_space<vmem>>, vector<16xf32>,
        %add3A_264 = arith.addf %add3A_254, %get3A_263 : vector<16xf32>
        %get3A_265 = arith.index_cast %add3A_260 : i32 to index
        %get3A_266 = arith.constant 16 : index
        %get3A_267 = tpu.vector_load %arg9[%get3A_265, %get3A_266] {strides = array<i32>} : memref<640x32xf32, #tpu.memory_space<vmem>>, vector<16xf32>,
        %add3A_268 = arith.addf %add3A_258, %get3A_267 : vector<16xf32>
        %add3A_269 = arith.constant 384 : i32
        %add3A_270 = arith.addi %add3A_269, %scan3A_242 : i32
        %get3A_271 = arith.index_cast %add3A_270 : i32 to index
        %get3A_272 = arith.constant 0 : index
        %get3A_273 = tpu.vector_load %arg9[%get3A_271, %get3A_272] {strides = array<i32>} : memref<640x32xf32, #tpu.memory_space<vmem>>, vector<16xf32>,
        %add3A_274 = arith.addf %add3A_264, %get3A_273 : vector<16xf32>
        %get3A_275 = arith.index_cast %add3A_270 : i32 to index
        %get3A_276 = arith.constant 16 : index
        %get3A_277 = tpu.vector_load %arg9[%get3A_275, %get3A_276] {strides = array<i32>} : memref<640x32xf32, #tpu.memory_space<vmem>>, vector<16xf32>,
        %add3A_278 = arith.addf %add3A_268, %get3A_277 : vector<16xf32>
        %add3A_279 = arith.constant 512 : i32
        %add3A_280 = arith.addi %add3A_279, %scan3A_242 : i32
        %get3A_281 = arith.index_cast %add3A_280 : i32 to index
        %get3A_282 = arith.constant 0 : index
        %get3A_283 = tpu.vector_load %arg9[%get3A_281, %get3A_282] {strides = array<i32>} : memref<640x32xf32, #tpu.memory_space<vmem>>, vector<16xf32>,
        %add3A_284 = arith.addf %add3A_274, %get3A_283 : vector<16xf32>
        %get3A_285 = arith.index_cast %add3A_280 : i32 to index
        %get3A_286 = arith.constant 16 : index
        %get3A_287 = tpu.vector_load %arg9[%get3A_285, %get3A_286] {strides = array<i32>} : memref<640x32xf32, #tpu.memory_space<vmem>>, vector<16xf32>,
        %add3A_288 = arith.addf %add3A_278, %get3A_287 : vector<16xf32>
        %swap3A_289 = arith.index_cast %scan3A_242 : i32 to index
        %swap3A_290 = arith.constant 0 : index
        %swap3A_291 = tpu.vector_load %arg11[%swap3A_289, %swap3A_290] {strides = array<i32>} : memref<128x32xf32, #tpu.memory_space<vmem>>, vector<16xf32>,
        tpu.vector_store %arg11[%swap3A_289, %swap3A_290], %add3A_284 {add = true, strides = array<i32>} : memref<128x32xf32, #tpu.memory_space<vmem>>, vector<16xf32>,
        %swap3A_292 = arith.index_cast %scan3A_242 : i32 to index
        %swap3A_293 = arith.constant 16 : index
        %swap3A_294 = tpu.vector_load %arg11[%swap3A_292, %swap3A_293] {strides = array<i32>} : memref<128x32xf32, #tpu.memory_space<vmem>>, vector<16xf32>,
        tpu.vector_store %arg11[%swap3A_292, %swap3A_293], %add3A_288 {add = true, strides = array<i32>} : memref<128x32xf32, #tpu.memory_space<vmem>>, vector<16xf32>,
        %scan3A_295 = arith.constant 3 : i32
        %scan3A_296 = arith.addi %scan3A_135, %scan3A_295 : i32
        %get3A_297 = arith.index_cast %scan3A_296 : i32 to index
        %get3A_298 = arith.constant 0 : index
        %get3A_299 = tpu.vector_load %arg9[%get3A_297, %get3A_298] {strides = array<i32>} : memref<640x32xf32, #tpu.memory_space<vmem>>, vector<16xf32>,
        %get3A_300 = arith.index_cast %scan3A_296 : i32 to index
        %get3A_301 = arith.constant 16 : index
        %get3A_302 = tpu.vector_load %arg9[%get3A_300, %get3A_301] {strides = array<i32>} : memref<640x32xf32, #tpu.memory_space<vmem>>, vector<16xf32>,
        %add3A_303 = arith.constant 128 : i32
        %add3A_304 = arith.addi %add3A_303, %scan3A_296 : i32
        %get3A_305 = arith.index_cast %add3A_304 : i32 to index
        %get3A_306 = arith.constant 0 : index
        %get3A_307 = tpu.vector_load %arg9[%get3A_305, %get3A_306] {strides = array<i32>} : memref<640x32xf32, #tpu.memory_space<vmem>>, vector<16xf32>,
        %add3A_308 = arith.addf %get3A_299, %get3A_307 : vector<16xf32>
        %get3A_309 = arith.index_cast %add3A_304 : i32 to index
        %get3A_310 = arith.constant 16 : index
        %get3A_311 = tpu.vector_load %arg9[%get3A_309, %get3A_310] {strides = array<i32>} : memref<640x32xf32, #tpu.memory_space<vmem>>, vector<16xf32>,
        %add3A_312 = arith.addf %get3A_302, %get3A_311 : vector<16xf32>
        %add3A_313 = arith.constant 256 : i32
        %add3A_314 = arith.addi %add3A_313, %scan3A_296 : i32
        %get3A_315 = arith.index_cast %add3A_314 : i32 to index
        %get3A_316 = arith.constant 0 : index
        %get3A_317 = tpu.vector_load %arg9[%get3A_315, %get3A_316] {strides = array<i32>} : memref<640x32xf32, #tpu.memory_space<vmem>>, vector<16xf32>,
        %add3A_318 = arith.addf %add3A_308, %get3A_317 : vector<16xf32>
        %get3A_319 = arith.index_cast %add3A_314 : i32 to index
        %get3A_320 = arith.constant 16 : index
        %get3A_321 = tpu.vector_load %arg9[%get3A_319, %get3A_320] {strides = array<i32>} : memref<640x32xf32, #tpu.memory_space<vmem>>, vector<16xf32>,
        %add3A_322 = arith.addf %add3A_312, %get3A_321 : vector<16xf32>
        %add3A_323 = arith.constant 384 : i32
        %add3A_324 = arith.addi %add3A_323, %scan3A_296 : i32
        %get3A_325 = arith.index_cast %add3A_324 : i32 to index
        %get3A_326 = arith.constant 0 : index
        %get3A_327 = tpu.vector_load %arg9[%get3A_325, %get3A_326] {strides = array<i32>} : memref<640x32xf32, #tpu.memory_space<vmem>>, vector<16xf32>,
        %add3A_328 = arith.addf %add3A_318, %get3A_327 : vector<16xf32>
        %get3A_329 = arith.index_cast %add3A_324 : i32 to index
        %get3A_330 = arith.constant 16 : index
        %get3A_331 = tpu.vector_load %arg9[%get3A_329, %get3A_330] {strides = array<i32>} : memref<640x32xf32, #tpu.memory_space<vmem>>, vector<16xf32>,
        %add3A_332 = arith.addf %add3A_322, %get3A_331 : vector<16xf32>
        %add3A_333 = arith.constant 512 : i32
        %add3A_334 = arith.addi %add3A_333, %scan3A_296 : i32
        %get3A_335 = arith.index_cast %add3A_334 : i32 to index
        %get3A_336 = arith.constant 0 : index
        %get3A_337 = tpu.vector_load %arg9[%get3A_335, %get3A_336] {strides = array<i32>} : memref<640x32xf32, #tpu.memory_space<vmem>>, vector<16xf32>,
        %add3A_338 = arith.addf %add3A_328, %get3A_337 : vector<16xf32>
        %get3A_339 = arith.index_cast %add3A_334 : i32 to index
        %get3A_340 = arith.constant 16 : index
        %get3A_341 = tpu.vector_load %arg9[%get3A_339, %get3A_340] {strides = array<i32>} : memref<640x32xf32, #tpu.memory_space<vmem>>, vector<16xf32>,
        %add3A_342 = arith.addf %add3A_332, %get3A_341 : vector<16xf32>
        %swap3A_343 = arith.index_cast %scan3A_296 : i32 to index
        %swap3A_344 = arith.constant 0 : index
        %swap3A_345 = tpu.vector_load %arg11[%swap3A_343, %swap3A_344] {strides = array<i32>} : memref<128x32xf32, #tpu.memory_space<vmem>>, vector<16xf32>,
        tpu.vector_store %arg11[%swap3A_343, %swap3A_344], %add3A_338 {add = true, strides = array<i32>} : memref<128x32xf32, #tpu.memory_space<vmem>>, vector<16xf32>,
        %swap3A_346 = arith.index_cast %scan3A_296 : i32 to index
        %swap3A_347 = arith.constant 16 : index
        %swap3A_348 = tpu.vector_load %arg11[%swap3A_346, %swap3A_347] {strides = array<i32>} : memref<128x32xf32, #tpu.memory_space<vmem>>, vector<16xf32>,
        tpu.vector_store %arg11[%swap3A_346, %swap3A_347], %add3A_342 {add = true, strides = array<i32>} : memref<128x32xf32, #tpu.memory_space<vmem>>, vector<16xf32>,
        %scan3A_349 = arith.constant 4 : i32
        %scan3A_350 = arith.addi %scan3A_135, %scan3A_349 : i32
        %get3A_351 = arith.index_cast %scan3A_350 : i32 to index
        %get3A_352 = arith.constant 0 : index
        %get3A_353 = tpu.vector_load %arg9[%get3A_351, %get3A_352] {strides = array<i32>} : memref<640x32xf32, #tpu.memory_space<vmem>>, vector<16xf32>,
        %get3A_354 = arith.index_cast %scan3A_350 : i32 to index
        %get3A_355 = arith.constant 16 : index
        %get3A_356 = tpu.vector_load %arg9[%get3A_354, %get3A_355] {strides = array<i32>} : memref<640x32xf32, #tpu.memory_space<vmem>>, vector<16xf32>,
        %add3A_357 = arith.constant 128 : i32
        %add3A_358 = arith.addi %add3A_357, %scan3A_350 : i32
        %get3A_359 = arith.index_cast %add3A_358 : i32 to index
        %get3A_360 = arith.constant 0 : index
        %get3A_361 = tpu.vector_load %arg9[%get3A_359, %get3A_360] {strides = array<i32>} : memref<640x32xf32, #tpu.memory_space<vmem>>, vector<16xf32>,
        %add3A_362 = arith.addf %get3A_353, %get3A_361 : vector<16xf32>
        %get3A_363 = arith.index_cast %add3A_358 : i32 to index
        %get3A_364 = arith.constant 16 : index
        %get3A_365 = tpu.vector_load %arg9[%get3A_363, %get3A_364] {strides = array<i32>} : memref<640x32xf32, #tpu.memory_space<vmem>>, vector<16xf32>,
        %add3A_366 = arith.addf %get3A_356, %get3A_365 : vector<16xf32>
        %add3A_367 = arith.constant 256 : i32
        %add3A_368 = arith.addi %add3A_367, %scan3A_350 : i32
        %get3A_369 = arith.index_cast %add3A_368 : i32 to index
        %get3A_370 = arith.constant 0 : index
        %get3A_371 = tpu.vector_load %arg9[%get3A_369, %get3A_370] {strides = array<i32>} : memref<640x32xf32, #tpu.memory_space<vmem>>, vector<16xf32>,
        %add3A_372 = arith.addf %add3A_362, %get3A_371 : vector<16xf32>
        %get3A_373 = arith.index_cast %add3A_368 : i32 to index
        %get3A_374 = arith.constant 16 : index
        %get3A_375 = tpu.vector_load %arg9[%get3A_373, %get3A_374] {strides = array<i32>} : memref<640x32xf32, #tpu.memory_space<vmem>>, vector<16xf32>,
        %add3A_376 = arith.addf %add3A_366, %get3A_375 : vector<16xf32>
        %add3A_377 = arith.constant 384 : i32
        %add3A_378 = arith.addi %add3A_377, %scan3A_350 : i32
        %get3A_379 = arith.index_cast %add3A_378 : i32 to index
        %get3A_380 = arith.constant 0 : index
        %get3A_381 = tpu.vector_load %arg9[%get3A_379, %get3A_380] {strides = array<i32>} : memref<640x32xf32, #tpu.memory_space<vmem>>, vector<16xf32>,
        %add3A_382 = arith.addf %add3A_372, %get3A_381 : vector<16xf32>
        %get3A_383 = arith.index_cast %add3A_378 : i32 to index
        %get3A_384 = arith.constant 16 : index
        %get3A_385 = tpu.vector_load %arg9[%get3A_383, %get3A_384] {strides = array<i32>} : memref<640x32xf32, #tpu.memory_space<vmem>>, vector<16xf32>,
        %add3A_386 = arith.addf %add3A_376, %get3A_385 : vector<16xf32>
        %add3A_387 = arith.constant 512 : i32
        %add3A_388 = arith.addi %add3A_387, %scan3A_350 : i32
        %get3A_389 = arith.index_cast %add3A_388 : i32 to index
        %get3A_390 = arith.constant 0 : index
        %get3A_391 = tpu.vector_load %arg9[%get3A_389, %get3A_390] {strides = array<i32>} : memref<640x32xf32, #tpu.memory_space<vmem>>, vector<16xf32>,
        %add3A_392 = arith.addf %add3A_382, %get3A_391 : vector<16xf32>
        %get3A_393 = arith.index_cast %add3A_388 : i32 to index
        %get3A_394 = arith.constant 16 : index
        %get3A_395 = tpu.vector_load %arg9[%get3A_393, %get3A_394] {strides = array<i32>} : memref<640x32xf32, #tpu.memory_space<vmem>>, vector<16xf32>,
        %add3A_396 = arith.addf %add3A_386, %get3A_395 : vector<16xf32>
        %swap3A_397 = arith.index_cast %scan3A_350 : i32 to index
        %swap3A_398 = arith.constant 0 : index
        %swap3A_399 = tpu.vector_load %arg11[%swap3A_397, %swap3A_398] {strides = array<i32>} : memref<128x32xf32, #tpu.memory_space<vmem>>, vector<16xf32>,
        tpu.vector_store %arg11[%swap3A_397, %swap3A_398], %add3A_392 {add = true, strides = array<i32>} : memref<128x32xf32, #tpu.memory_space<vmem>>, vector<16xf32>,
        %swap3A_400 = arith.index_cast %scan3A_350 : i32 to index
        %swap3A_401 = arith.constant 16 : index
        %swap3A_402 = tpu.vector_load %arg11[%swap3A_400, %swap3A_401] {strides = array<i32>} : memref<128x32xf32, #tpu.memory_space<vmem>>, vector<16xf32>,
        tpu.vector_store %arg11[%swap3A_400, %swap3A_401], %add3A_396 {add = true, strides = array<i32>} : memref<128x32xf32, #tpu.memory_space<vmem>>, vector<16xf32>,
        %scan3A_403 = arith.constant 5 : i32
        %scan3A_404 = arith.addi %scan3A_135, %scan3A_403 : i32
        %get3A_405 = arith.index_cast %scan3A_404 : i32 to index
        %get3A_406 = arith.constant 0 : index
        %get3A_407 = tpu.vector_load %arg9[%get3A_405, %get3A_406] {strides = array<i32>} : memref<640x32xf32, #tpu.memory_space<vmem>>, vector<16xf32>,
        %get3A_408 = arith.index_cast %scan3A_404 : i32 to index
        %get3A_409 = arith.constant 16 : index
        %get3A_410 = tpu.vector_load %arg9[%get3A_408, %get3A_409] {strides = array<i32>} : memref<640x32xf32, #tpu.memory_space<vmem>>, vector<16xf32>,
        %add3A_411 = arith.constant 128 : i32
        %add3A_412 = arith.addi %add3A_411, %scan3A_404 : i32
        %get3A_413 = arith.index_cast %add3A_412 : i32 to index
        %get3A_414 = arith.constant 0 : index
        %get3A_415 = tpu.vector_load %arg9[%get3A_413, %get3A_414] {strides = array<i32>} : memref<640x32xf32, #tpu.memory_space<vmem>>, vector<16xf32>,
        %add3A_416 = arith.addf %get3A_407, %get3A_415 : vector<16xf32>
        %get3A_417 = arith.index_cast %add3A_412 : i32 to index
        %get3A_418 = arith.constant 16 : index
        %get3A_419 = tpu.vector_load %arg9[%get3A_417, %get3A_418] {strides = array<i32>} : memref<640x32xf32, #tpu.memory_space<vmem>>, vector<16xf32>,
        %add3A_420 = arith.addf %get3A_410, %get3A_419 : vector<16xf32>
        %add3A_421 = arith.constant 256 : i32
        %add3A_422 = arith.addi %add3A_421, %scan3A_404 : i32
        %get3A_423 = arith.index_cast %add3A_422 : i32 to index
        %get3A_424 = arith.constant 0 : index
        %get3A_425 = tpu.vector_load %arg9[%get3A_423, %get3A_424] {strides = array<i32>} : memref<640x32xf32, #tpu.memory_space<vmem>>, vector<16xf32>,
        %add3A_426 = arith.addf %add3A_416, %get3A_425 : vector<16xf32>
        %get3A_427 = arith.index_cast %add3A_422 : i32 to index
        %get3A_428 = arith.constant 16 : index
        %get3A_429 = tpu.vector_load %arg9[%get3A_427, %get3A_428] {strides = array<i32>} : memref<640x32xf32, #tpu.memory_space<vmem>>, vector<16xf32>,
        %add3A_430 = arith.addf %add3A_420, %get3A_429 : vector<16xf32>
        %add3A_431 = arith.constant 384 : i32
        %add3A_432 = arith.addi %add3A_431, %scan3A_404 : i32
        %get3A_433 = arith.index_cast %add3A_432 : i32 to index
        %get3A_434 = arith.constant 0 : index
        %get3A_435 = tpu.vector_load %arg9[%get3A_433, %get3A_434] {strides = array<i32>} : memref<640x32xf32, #tpu.memory_space<vmem>>, vector<16xf32>,
        %add3A_436 = arith.addf %add3A_426, %get3A_435 : vector<16xf32>
        %get3A_437 = arith.index_cast %add3A_432 : i32 to index
        %get3A_438 = arith.constant 16 : index
        %get3A_439 = tpu.vector_load %arg9[%get3A_437, %get3A_438] {strides = array<i32>} : memref<640x32xf32, #tpu.memory_space<vmem>>, vector<16xf32>,
        %add3A_440 = arith.addf %add3A_430, %get3A_439 : vector<16xf32>
        %add3A_441 = arith.constant 512 : i32
        %add3A_442 = arith.addi %add3A_441, %scan3A_404 : i32
        %get3A_443 = arith.index_cast %add3A_442 : i32 to index
        %get3A_444 = arith.constant 0 : index
        %get3A_445 = tpu.vector_load %arg9[%get3A_443, %get3A_444] {strides = array<i32>} : memref<640x32xf32, #tpu.memory_space<vmem>>, vector<16xf32>,
        %add3A_446 = arith.addf %add3A_436, %get3A_445 : vector<16xf32>
        %get3A_447 = arith.index_cast %add3A_442 : i32 to index
        %get3A_448 = arith.constant 16 : index
        %get3A_449 = tpu.vector_load %arg9[%get3A_447, %get3A_448] {strides = array<i32>} : memref<640x32xf32, #tpu.memory_space<vmem>>, vector<16xf32>,
        %add3A_450 = arith.addf %add3A_440, %get3A_449 : vector<16xf32>
        %swap3A_451 = arith.index_cast %scan3A_404 : i32 to index
        %swap3A_452 = arith.constant 0 : index
        %swap3A_453 = tpu.vector_load %arg11[%swap3A_451, %swap3A_452] {strides = array<i32>} : memref<128x32xf32, #tpu.memory_space<vmem>>, vector<16xf32>,
        tpu.vector_store %arg11[%swap3A_451, %swap3A_452], %add3A_446 {add = true, strides = array<i32>} : memref<128x32xf32, #tpu.memory_space<vmem>>, vector<16xf32>,
        %swap3A_454 = arith.index_cast %scan3A_404 : i32 to index
        %swap3A_455 = arith.constant 16 : index
        %swap3A_456 = tpu.vector_load %arg11[%swap3A_454, %swap3A_455] {strides = array<i32>} : memref<128x32xf32, #tpu.memory_space<vmem>>, vector<16xf32>,
        tpu.vector_store %arg11[%swap3A_454, %swap3A_455], %add3A_450 {add = true, strides = array<i32>} : memref<128x32xf32, #tpu.memory_space<vmem>>, vector<16xf32>,
        %scan3A_457 = arith.constant 6 : i32
        %scan3A_458 = arith.addi %scan3A_135, %scan3A_457 : i32
        %get3A_459 = arith.index_cast %scan3A_458 : i32 to index
        %get3A_460 = arith.constant 0 : index
        %get3A_461 = tpu.vector_load %arg9[%get3A_459, %get3A_460] {strides = array<i32>} : memref<640x32xf32, #tpu.memory_space<vmem>>, vector<16xf32>,
        %get3A_462 = arith.index_cast %scan3A_458 : i32 to index
        %get3A_463 = arith.constant 16 : index
        %get3A_464 = tpu.vector_load %arg9[%get3A_462, %get3A_463] {strides = array<i32>} : memref<640x32xf32, #tpu.memory_space<vmem>>, vector<16xf32>,
        %add3A_465 = arith.constant 128 : i32
        %add3A_466 = arith.addi %add3A_465, %scan3A_458 : i32
        %get3A_467 = arith.index_cast %add3A_466 : i32 to index
        %get3A_468 = arith.constant 0 : index
        %get3A_469 = tpu.vector_load %arg9[%get3A_467, %get3A_468] {strides = array<i32>} : memref<640x32xf32, #tpu.memory_space<vmem>>, vector<16xf32>,
        %add3A_470 = arith.addf %get3A_461, %get3A_469 : vector<16xf32>
        %get3A_471 = arith.index_cast %add3A_466 : i32 to index
        %get3A_472 = arith.constant 16 : index
        %get3A_473 = tpu.vector_load %arg9[%get3A_471, %get3A_472] {strides = array<i32>} : memref<640x32xf32, #tpu.memory_space<vmem>>, vector<16xf32>,
        %add3A_474 = arith.addf %get3A_464, %get3A_473 : vector<16xf32>
        %add3A_475 = arith.constant 256 : i32
        %add3A_476 = arith.addi %add3A_475, %scan3A_458 : i32
        %get3A_477 = arith.index_cast %add3A_476 : i32 to index
        %get3A_478 = arith.constant 0 : index
        %get3A_479 = tpu.vector_load %arg9[%get3A_477, %get3A_478] {strides = array<i32>} : memref<640x32xf32, #tpu.memory_space<vmem>>, vector<16xf32>,
        %add3A_480 = arith.addf %add3A_470, %get3A_479 : vector<16xf32>
        %get3A_481 = arith.index_cast %add3A_476 : i32 to index
        %get3A_482 = arith.constant 16 : index
        %get3A_483 = tpu.vector_load %arg9[%get3A_481, %get3A_482] {strides = array<i32>} : memref<640x32xf32, #tpu.memory_space<vmem>>, vector<16xf32>,
        %add3A_484 = arith.addf %add3A_474, %get3A_483 : vector<16xf32>
        %add3A_485 = arith.constant 384 : i32
        %add3A_486 = arith.addi %add3A_485, %scan3A_458 : i32
        %get3A_487 = arith.index_cast %add3A_486 : i32 to index
        %get3A_488 = arith.constant 0 : index
        %get3A_489 = tpu.vector_load %arg9[%get3A_487, %get3A_488] {strides = array<i32>} : memref<640x32xf32, #tpu.memory_space<vmem>>, vector<16xf32>,
        %add3A_490 = arith.addf %add3A_480, %get3A_489 : vector<16xf32>
        %get3A_491 = arith.index_cast %add3A_486 : i32 to index
        %get3A_492 = arith.constant 16 : index
        %get3A_493 = tpu.vector_load %arg9[%get3A_491, %get3A_492] {strides = array<i32>} : memref<640x32xf32, #tpu.memory_space<vmem>>, vector<16xf32>,
        %add3A_494 = arith.addf %add3A_484, %get3A_493 : vector<16xf32>
        %add3A_495 = arith.constant 512 : i32
        %add3A_496 = arith.addi %add3A_495, %scan3A_458 : i32
        %get3A_497 = arith.index_cast %add3A_496 : i32 to index
        %get3A_498 = arith.constant 0 : index
        %get3A_499 = tpu.vector_load %arg9[%get3A_497, %get3A_498] {strides = array<i32>} : memref<640x32xf32, #tpu.memory_space<vmem>>, vector<16xf32>,
        %add3A_500 = arith.addf %add3A_490, %get3A_499 : vector<16xf32>
        %get3A_501 = arith.index_cast %add3A_496 : i32 to index
        %get3A_502 = arith.constant 16 : index
        %get3A_503 = tpu.vector_load %arg9[%get3A_501, %get3A_502] {strides = array<i32>} : memref<640x32xf32, #tpu.memory_space<vmem>>, vector<16xf32>,
        %add3A_504 = arith.addf %add3A_494, %get3A_503 : vector<16xf32>
        %swap3A_505 = arith.index_cast %scan3A_458 : i32 to index
        %swap3A_506 = arith.constant 0 : index
        %swap3A_507 = tpu.vector_load %arg11[%swap3A_505, %swap3A_506] {strides = array<i32>} : memref<128x32xf32, #tpu.memory_space<vmem>>, vector<16xf32>,
        tpu.vector_store %arg11[%swap3A_505, %swap3A_506], %add3A_500 {add = true, strides = array<i32>} : memref<128x32xf32, #tpu.memory_space<vmem>>, vector<16xf32>,
        %swap3A_508 = arith.index_cast %scan3A_458 : i32 to index
        %swap3A_509 = arith.constant 16 : index
        %swap3A_510 = tpu.vector_load %arg11[%swap3A_508, %swap3A_509] {strides = array<i32>} : memref<128x32xf32, #tpu.memory_space<vmem>>, vector<16xf32>,
        tpu.vector_store %arg11[%swap3A_508, %swap3A_509], %add3A_504 {add = true, strides = array<i32>} : memref<128x32xf32, #tpu.memory_space<vmem>>, vector<16xf32>,
        %scan3A_511 = arith.constant 7 : i32
        %scan3A_512 = arith.addi %scan3A_135, %scan3A_511 : i32
        %get3A_513 = arith.index_cast %scan3A_512 : i32 to index
        %get3A_514 = arith.constant 0 : index
        %get3A_515 = tpu.vector_load %arg9[%get3A_513, %get3A_514] {strides = array<i32>} : memref<640x32xf32, #tpu.memory_space<vmem>>, vector<16xf32>,
        %get3A_516 = arith.index_cast %scan3A_512 : i32 to index
        %get3A_517 = arith.constant 16 : index
        %get3A_518 = tpu.vector_load %arg9[%get3A_516, %get3A_517] {strides = array<i32>} : memref<640x32xf32, #tpu.memory_space<vmem>>, vector<16xf32>,
        %add3A_519 = arith.constant 128 : i32
        %add3A_520 = arith.addi %add3A_519, %scan3A_512 : i32
        %get3A_521 = arith.index_cast %add3A_520 : i32 to index
        %get3A_522 = arith.constant 0 : index
        %get3A_523 = tpu.vector_load %arg9[%get3A_521, %get3A_522] {strides = array<i32>} : memref<640x32xf32, #tpu.memory_space<vmem>>, vector<16xf32>,
        %add3A_524 = arith.addf %get3A_515, %get3A_523 : vector<16xf32>
        %get3A_525 = arith.index_cast %add3A_520 : i32 to index
        %get3A_526 = arith.constant 16 : index
        %get3A_527 = tpu.vector_load %arg9[%get3A_525, %get3A_526] {strides = array<i32>} : memref<640x32xf32, #tpu.memory_space<vmem>>, vector<16xf32>,
        %add3A_528 = arith.addf %get3A_518, %get3A_527 : vector<16xf32>
        %add3A_529 = arith.constant 256 : i32
        %add3A_530 = arith.addi %add3A_529, %scan3A_512 : i32
        %get3A_531 = arith.index_cast %add3A_530 : i32 to index
        %get3A_532 = arith.constant 0 : index
        %get3A_533 = tpu.vector_load %arg9[%get3A_531, %get3A_532] {strides = array<i32>} : memref<640x32xf32, #tpu.memory_space<vmem>>, vector<16xf32>,
        %add3A_534 = arith.addf %add3A_524, %get3A_533 : vector<16xf32>
        %get3A_535 = arith.index_cast %add3A_530 : i32 to index
        %get3A_536 = arith.constant 16 : index
        %get3A_537 = tpu.vector_load %arg9[%get3A_535, %get3A_536] {strides = array<i32>} : memref<640x32xf32, #tpu.memory_space<vmem>>, vector<16xf32>,
        %add3A_538 = arith.addf %add3A_528, %get3A_537 : vector<16xf32>
        %add3A_539 = arith.constant 384 : i32
        %add3A_540 = arith.addi %add3A_539, %scan3A_512 : i32
        %get3A_541 = arith.index_cast %add3A_540 : i32 to index
        %get3A_542 = arith.constant 0 : index
        %get3A_543 = tpu.vector_load %arg9[%get3A_541, %get3A_542] {strides = array<i32>} : memref<640x32xf32, #tpu.memory_space<vmem>>, vector<16xf32>,
        %add3A_544 = arith.addf %add3A_534, %get3A_543 : vector<16xf32>
        %get3A_545 = arith.index_cast %add3A_540 : i32 to index
        %get3A_546 = arith.constant 16 : index
        %get3A_547 = tpu.vector_load %arg9[%get3A_545, %get3A_546] {strides = array<i32>} : memref<640x32xf32, #tpu.memory_space<vmem>>, vector<16xf32>,
        %add3A_548 = arith.addf %add3A_538, %get3A_547 : vector<16xf32>
        %add3A_549 = arith.constant 512 : i32
        %add3A_550 = arith.addi %add3A_549, %scan3A_512 : i32
        %get3A_551 = arith.index_cast %add3A_550 : i32 to index
        %get3A_552 = arith.constant 0 : index
        %get3A_553 = tpu.vector_load %arg9[%get3A_551, %get3A_552] {strides = array<i32>} : memref<640x32xf32, #tpu.memory_space<vmem>>, vector<16xf32>,
        %add3A_554 = arith.addf %add3A_544, %get3A_553 : vector<16xf32>
        %get3A_555 = arith.index_cast %add3A_550 : i32 to index
        %get3A_556 = arith.constant 16 : index
        %get3A_557 = tpu.vector_load %arg9[%get3A_555, %get3A_556] {strides = array<i32>} : memref<640x32xf32, #tpu.memory_space<vmem>>, vector<16xf32>,
        %add3A_558 = arith.addf %add3A_548, %get3A_557 : vector<16xf32>
        %swap3A_559 = arith.index_cast %scan3A_512 : i32 to index
        %swap3A_560 = arith.constant 0 : index
        %swap3A_561 = tpu.vector_load %arg11[%swap3A_559, %swap3A_560] {strides = array<i32>} : memref<128x32xf32, #tpu.memory_space<vmem>>, vector<16xf32>,
        tpu.vector_store %arg11[%swap3A_559, %swap3A_560], %add3A_554 {add = true, strides = array<i32>} : memref<128x32xf32, #tpu.memory_space<vmem>>, vector<16xf32>,
        %swap3A_562 = arith.index_cast %scan3A_512 : i32 to index
        %swap3A_563 = arith.constant 16 : index
        %swap3A_564 = tpu.vector_load %arg11[%swap3A_562, %swap3A_563] {strides = array<i32>} : memref<128x32xf32, #tpu.memory_space<vmem>>, vector<16xf32>,
        tpu.vector_store %arg11[%swap3A_562, %swap3A_563], %add3A_558 {add = true, strides = array<i32>} : memref<128x32xf32, #tpu.memory_space<vmem>>, vector<16xf32>,
      }
      %scan3A_104 = arith.constant 128 : i32
      %add3A_105 = arith.constant 4 : i32
      %add3A_106 = arith.addi %add3A_90, %add3A_105 : i32
      %lt3A_107 = arith.constant 40 : i32
      %lt3A_108 = arith.cmpi slt, %add3A_106, %lt3A_107 : i32
      %convert_element_type3A_109 = arith.extui %lt3A_108 : i1 to i32
      %cond3A_110 = arith.constant 0 : i32
      %cond3A_111 = arith.cmpi ne, %convert_element_type3A_109, %cond3A_110 : i32
      scf.if %cond3A_111 {
        %mul3A_135 = arith.constant 5 : i32
        %mul3A_136 = arith.muli %add3A_106, %mul3A_135 : i32
        %mul3A_137 = arith.constant 128 : i32
        %mul3A_138 = arith.muli %mul3A_136, %mul3A_137 : i32
        %dma_start3A_139 = tpu.memref_slice %arg6[%mul3A_138] : memref<25600xi32, #tpu.memory_space<vmem>> -> memref<640xi32, #tpu.memory_space<vmem>>
        %dma_start3A_140 = arith.constant 0 : i32
        %dma_start3A_141 = arith.constant 0 : i32
        %dma_start3A_142 = tpu.memref_slice %arg3[%dma_start3A_140, %dma_start3A_141] : memref<100000x32xf32, #tpu.memory_space<hbm>> -> memref<100000x32xf32, #tpu.memory_space<hbm>>
        tpu.enqueue_indirect_dma source(%dma_start3A_142 : memref<100000x32xf32, #tpu.memory_space<hbm>>) target(%arg9 : memref<640x32xf32, #tpu.memory_space<vmem>>) offsets(%dma_start3A_139 : memref<640xi32, #tpu.memory_space<vmem>>) semaphore(%arg15 : memref<!tpu.dma_semaphore, #tpu.memory_space<semaphore_mem>>)
      } else {
      }
      %add3A_112 = arith.constant 3 : i32
      %add3A_113 = arith.addi %mul3A_46, %add3A_112 : i32
      %mul3A_114 = arith.constant 5 : i32
      %mul3A_115 = arith.muli %add3A_113, %mul3A_114 : i32
      %mul3A_116 = arith.constant 128 : i32
      %mul3A_117 = arith.muli %mul3A_115, %mul3A_116 : i32
      %dma_wait3A_118 = tpu.memref_slice %arg6[%mul3A_117] : memref<25600xi32, #tpu.memory_space<vmem>> -> memref<640xi32, #tpu.memory_space<vmem>>
      %dma_wait3A_119 = arith.constant 0 : i32
      %dma_wait3A_120 = arith.constant 0 : i32
      %dma_wait3A_121 = tpu.memref_slice %arg3[%dma_wait3A_119, %dma_wait3A_120] : memref<100000x32xf32, #tpu.memory_space<hbm>> -> memref<100000x32xf32, #tpu.memory_space<hbm>>
      tpu.wait_indirect_dma semaphore(%arg16 : memref<!tpu.dma_semaphore, #tpu.memory_space<semaphore_mem>>) src(%dma_wait3A_121 : memref<100000x32xf32, #tpu.memory_space<hbm>>) dst(%arg10 : memref<640x32xf32, #tpu.memory_space<vmem>>)
      %scan3A_122 = arith.constant 0 : i32
      %scan3A_123 = arith.constant 0 : i32
      %scan3A_124 = arith.constant 128 : i32
      %scan3A_125 = arith.addi %scan3A_123, %scan3A_124 : i32
      %scan3A_126 = arith.constant 8 : i32
      scf.for %scan3A_135 = %scan3A_123 to %scan3A_125 step %scan3A_126  : i32 {
        %get3A_136 = arith.index_cast %scan3A_135 : i32 to index
        %get3A_137 = arith.constant 0 : index
        %get3A_138 = tpu.vector_load %arg10[%get3A_136, %get3A_137] {strides = array<i32>} : memref<640x32xf32, #tpu.memory_space<vmem>>, vector<16xf32>,
        %get3A_139 = arith.index_cast %scan3A_135 : i32 to index
        %get3A_140 = arith.constant 16 : index
        %get3A_141 = tpu.vector_load %arg10[%get3A_139, %get3A_140] {strides = array<i32>} : memref<640x32xf32, #tpu.memory_space<vmem>>, vector<16xf32>,
        %add3A_142 = arith.constant 128 : i32
        %add3A_143 = arith.addi %add3A_142, %scan3A_135 : i32
        %get3A_144 = arith.index_cast %add3A_143 : i32 to index
        %get3A_145 = arith.constant 0 : index
        %get3A_146 = tpu.vector_load %arg10[%get3A_144, %get3A_145] {strides = array<i32>} : memref<640x32xf32, #tpu.memory_space<vmem>>, vector<16xf32>,
        %add3A_147 = arith.addf %get3A_138, %get3A_146 : vector<16xf32>
        %get3A_148 = arith.index_cast %add3A_143 : i32 to index
        %get3A_149 = arith.constant 16 : index
        %get3A_150 = tpu.vector_load %arg10[%get3A_148, %get3A_149] {strides = array<i32>} : memref<640x32xf32, #tpu.memory_space<vmem>>, vector<16xf32>,
        %add3A_151 = arith.addf %get3A_141, %get3A_150 : vector<16xf32>
        %add3A_152 = arith.constant 256 : i32
        %add3A_153 = arith.addi %add3A_152, %scan3A_135 : i32
        %get3A_154 = arith.index_cast %add3A_153 : i32 to index
        %get3A_155 = arith.constant 0 : index
        %get3A_156 = tpu.vector_load %arg10[%get3A_154, %get3A_155] {strides = array<i32>} : memref<640x32xf32, #tpu.memory_space<vmem>>, vector<16xf32>,
        %add3A_157 = arith.addf %add3A_147, %get3A_156 : vector<16xf32>
        %get3A_158 = arith.index_cast %add3A_153 : i32 to index
        %get3A_159 = arith.constant 16 : index
        %get3A_160 = tpu.vector_load %arg10[%get3A_158, %get3A_159] {strides = array<i32>} : memref<640x32xf32, #tpu.memory_space<vmem>>, vector<16xf32>,
        %add3A_161 = arith.addf %add3A_151, %get3A_160 : vector<16xf32>
        %add3A_162 = arith.constant 384 : i32
        %add3A_163 = arith.addi %add3A_162, %scan3A_135 : i32
        %get3A_164 = arith.index_cast %add3A_163 : i32 to index
        %get3A_165 = arith.constant 0 : index
        %get3A_166 = tpu.vector_load %arg10[%get3A_164, %get3A_165] {strides = array<i32>} : memref<640x32xf32, #tpu.memory_space<vmem>>, vector<16xf32>,
        %add3A_167 = arith.addf %add3A_157, %get3A_166 : vector<16xf32>
        %get3A_168 = arith.index_cast %add3A_163 : i32 to index
        %get3A_169 = arith.constant 16 : index
        %get3A_170 = tpu.vector_load %arg10[%get3A_168, %get3A_169] {strides = array<i32>} : memref<640x32xf32, #tpu.memory_space<vmem>>, vector<16xf32>,
        %add3A_171 = arith.addf %add3A_161, %get3A_170 : vector<16xf32>
        %add3A_172 = arith.constant 512 : i32
        %add3A_173 = arith.addi %add3A_172, %scan3A_135 : i32
        %get3A_174 = arith.index_cast %add3A_173 : i32 to index
        %get3A_175 = arith.constant 0 : index
        %get3A_176 = tpu.vector_load %arg10[%get3A_174, %get3A_175] {strides = array<i32>} : memref<640x32xf32, #tpu.memory_space<vmem>>, vector<16xf32>,
        %add3A_177 = arith.addf %add3A_167, %get3A_176 : vector<16xf32>
        %get3A_178 = arith.index_cast %add3A_173 : i32 to index
        %get3A_179 = arith.constant 16 : index
        %get3A_180 = tpu.vector_load %arg10[%get3A_178, %get3A_179] {strides = array<i32>} : memref<640x32xf32, #tpu.memory_space<vmem>>, vector<16xf32>,
        %add3A_181 = arith.addf %add3A_171, %get3A_180 : vector<16xf32>
        %swap3A = arith.index_cast %scan3A_135 : i32 to index
        %swap3A_182 = arith.constant 0 : index
        %swap3A_183 = tpu.vector_load %arg11[%swap3A, %swap3A_182] {strides = array<i32>} : memref<128x32xf32, #tpu.memory_space<vmem>>, vector<16xf32>,
        tpu.vector_store %arg11[%swap3A, %swap3A_182], %add3A_177 {add = true, strides = array<i32>} : memref<128x32xf32, #tpu.memory_space<vmem>>, vector<16xf32>,
        %swap3A_184 = arith.index_cast %scan3A_135 : i32 to index
        %swap3A_185 = arith.constant 16 : index
        %swap3A_186 = tpu.vector_load %arg11[%swap3A_184, %swap3A_185] {strides = array<i32>} : memref<128x32xf32, #tpu.memory_space<vmem>>, vector<16xf32>,
        tpu.vector_store %arg11[%swap3A_184, %swap3A_185], %add3A_181 {add = true, strides = array<i32>} : memref<128x32xf32, #tpu.memory_space<vmem>>, vector<16xf32>,
        %scan3A_187 = arith.constant 1 : i32
        %scan3A_188 = arith.addi %scan3A_135, %scan3A_187 : i32
        %get3A_189 = arith.index_cast %scan3A_188 : i32 to index
        %get3A_190 = arith.constant 0 : index
        %get3A_191 = tpu.vector_load %arg10[%get3A_189, %get3A_190] {strides = array<i32>} : memref<640x32xf32, #tpu.memory_space<vmem>>, vector<16xf32>,
        %get3A_192 = arith.index_cast %scan3A_188 : i32 to index
        %get3A_193 = arith.constant 16 : index
        %get3A_194 = tpu.vector_load %arg10[%get3A_192, %get3A_193] {strides = array<i32>} : memref<640x32xf32, #tpu.memory_space<vmem>>, vector<16xf32>,
        %add3A_195 = arith.constant 128 : i32
        %add3A_196 = arith.addi %add3A_195, %scan3A_188 : i32
        %get3A_197 = arith.index_cast %add3A_196 : i32 to index
        %get3A_198 = arith.constant 0 : index
        %get3A_199 = tpu.vector_load %arg10[%get3A_197, %get3A_198] {strides = array<i32>} : memref<640x32xf32, #tpu.memory_space<vmem>>, vector<16xf32>,
        %add3A_200 = arith.addf %get3A_191, %get3A_199 : vector<16xf32>
        %get3A_201 = arith.index_cast %add3A_196 : i32 to index
        %get3A_202 = arith.constant 16 : index
        %get3A_203 = tpu.vector_load %arg10[%get3A_201, %get3A_202] {strides = array<i32>} : memref<640x32xf32, #tpu.memory_space<vmem>>, vector<16xf32>,
        %add3A_204 = arith.addf %get3A_194, %get3A_203 : vector<16xf32>
        %add3A_205 = arith.constant 256 : i32
        %add3A_206 = arith.addi %add3A_205, %scan3A_188 : i32
        %get3A_207 = arith.index_cast %add3A_206 : i32 to index
        %get3A_208 = arith.constant 0 : index
        %get3A_209 = tpu.vector_load %arg10[%get3A_207, %get3A_208] {strides = array<i32>} : memref<640x32xf32, #tpu.memory_space<vmem>>, vector<16xf32>,
        %add3A_210 = arith.addf %add3A_200, %get3A_209 : vector<16xf32>
        %get3A_211 = arith.index_cast %add3A_206 : i32 to index
        %get3A_212 = arith.constant 16 : index
        %get3A_213 = tpu.vector_load %arg10[%get3A_211, %get3A_212] {strides = array<i32>} : memref<640x32xf32, #tpu.memory_space<vmem>>, vector<16xf32>,
        %add3A_214 = arith.addf %add3A_204, %get3A_213 : vector<16xf32>
        %add3A_215 = arith.constant 384 : i32
        %add3A_216 = arith.addi %add3A_215, %scan3A_188 : i32
        %get3A_217 = arith.index_cast %add3A_216 : i32 to index
        %get3A_218 = arith.constant 0 : index
        %get3A_219 = tpu.vector_load %arg10[%get3A_217, %get3A_218] {strides = array<i32>} : memref<640x32xf32, #tpu.memory_space<vmem>>, vector<16xf32>,
        %add3A_220 = arith.addf %add3A_210, %get3A_219 : vector<16xf32>
        %get3A_221 = arith.index_cast %add3A_216 : i32 to index
        %get3A_222 = arith.constant 16 : index
        %get3A_223 = tpu.vector_load %arg10[%get3A_221, %get3A_222] {strides = array<i32>} : memref<640x32xf32, #tpu.memory_space<vmem>>, vector<16xf32>,
        %add3A_224 = arith.addf %add3A_214, %get3A_223 : vector<16xf32>
        %add3A_225 = arith.constant 512 : i32
        %add3A_226 = arith.addi %add3A_225, %scan3A_188 : i32
        %get3A_227 = arith.index_cast %add3A_226 : i32 to index
        %get3A_228 = arith.constant 0 : index
        %get3A_229 = tpu.vector_load %arg10[%get3A_227, %get3A_228] {strides = array<i32>} : memref<640x32xf32, #tpu.memory_space<vmem>>, vector<16xf32>,
        %add3A_230 = arith.addf %add3A_220, %get3A_229 : vector<16xf32>
        %get3A_231 = arith.index_cast %add3A_226 : i32 to index
        %get3A_232 = arith.constant 16 : index
        %get3A_233 = tpu.vector_load %arg10[%get3A_231, %get3A_232] {strides = array<i32>} : memref<640x32xf32, #tpu.memory_space<vmem>>, vector<16xf32>,
        %add3A_234 = arith.addf %add3A_224, %get3A_233 : vector<16xf32>
        %swap3A_235 = arith.index_cast %scan3A_188 : i32 to index
        %swap3A_236 = arith.constant 0 : index
        %swap3A_237 = tpu.vector_load %arg11[%swap3A_235, %swap3A_236] {strides = array<i32>} : memref<128x32xf32, #tpu.memory_space<vmem>>, vector<16xf32>,
        tpu.vector_store %arg11[%swap3A_235, %swap3A_236], %add3A_230 {add = true, strides = array<i32>} : memref<128x32xf32, #tpu.memory_space<vmem>>, vector<16xf32>,
        %swap3A_238 = arith.index_cast %scan3A_188 : i32 to index
        %swap3A_239 = arith.constant 16 : index
        %swap3A_240 = tpu.vector_load %arg11[%swap3A_238, %swap3A_239] {strides = array<i32>} : memref<128x32xf32, #tpu.memory_space<vmem>>, vector<16xf32>,
        tpu.vector_store %arg11[%swap3A_238, %swap3A_239], %add3A_234 {add = true, strides = array<i32>} : memref<128x32xf32, #tpu.memory_space<vmem>>, vector<16xf32>,
        %scan3A_241 = arith.constant 2 : i32
        %scan3A_242 = arith.addi %scan3A_135, %scan3A_241 : i32
        %get3A_243 = arith.index_cast %scan3A_242 : i32 to index
        %get3A_244 = arith.constant 0 : index
        %get3A_245 = tpu.vector_load %arg10[%get3A_243, %get3A_244] {strides = array<i32>} : memref<640x32xf32, #tpu.memory_space<vmem>>, vector<16xf32>,
        %get3A_246 = arith.index_cast %scan3A_242 : i32 to index
        %get3A_247 = arith.constant 16 : index
        %get3A_248 = tpu.vector_load %arg10[%get3A_246, %get3A_247] {strides = array<i32>} : memref<640x32xf32, #tpu.memory_space<vmem>>, vector<16xf32>,
        %add3A_249 = arith.constant 128 : i32
        %add3A_250 = arith.addi %add3A_249, %scan3A_242 : i32
        %get3A_251 = arith.index_cast %add3A_250 : i32 to index
        %get3A_252 = arith.constant 0 : index
        %get3A_253 = tpu.vector_load %arg10[%get3A_251, %get3A_252] {strides = array<i32>} : memref<640x32xf32, #tpu.memory_space<vmem>>, vector<16xf32>,
        %add3A_254 = arith.addf %get3A_245, %get3A_253 : vector<16xf32>
        %get3A_255 = arith.index_cast %add3A_250 : i32 to index
        %get3A_256 = arith.constant 16 : index
        %get3A_257 = tpu.vector_load %arg10[%get3A_255, %get3A_256] {strides = array<i32>} : memref<640x32xf32, #tpu.memory_space<vmem>>, vector<16xf32>,
        %add3A_258 = arith.addf %get3A_248, %get3A_257 : vector<16xf32>
        %add3A_259 = arith.constant 256 : i32
        %add3A_260 = arith.addi %add3A_259, %scan3A_242 : i32
        %get3A_261 = arith.index_cast %add3A_260 : i32 to index
        %get3A_262 = arith.constant 0 : index
        %get3A_263 = tpu.vector_load %arg10[%get3A_261, %get3A_262] {strides = array<i32>} : memref<640x32xf32, #tpu.memory_space<vmem>>, vector<16xf32>,
        %add3A_264 = arith.addf %add3A_254, %get3A_263 : vector<16xf32>
        %get3A_265 = arith.index_cast %add3A_260 : i32 to index
        %get3A_266 = arith.constant 16 : index
        %get3A_267 = tpu.vector_load %arg10[%get3A_265, %get3A_266] {strides = array<i32>} : memref<640x32xf32, #tpu.memory_space<vmem>>, vector<16xf32>,
        %add3A_268 = arith.addf %add3A_258, %get3A_267 : vector<16xf32>
        %add3A_269 = arith.constant 384 : i32
        %add3A_270 = arith.addi %add3A_269, %scan3A_242 : i32
        %get3A_271 = arith.index_cast %add3A_270 : i32 to index
        %get3A_272 = arith.constant 0 : index
        %get3A_273 = tpu.vector_load %arg10[%get3A_271, %get3A_272] {strides = array<i32>} : memref<640x32xf32, #tpu.memory_space<vmem>>, vector<16xf32>,
        %add3A_274 = arith.addf %add3A_264, %get3A_273 : vector<16xf32>
        %get3A_275 = arith.index_cast %add3A_270 : i32 to index
        %get3A_276 = arith.constant 16 : index
        %get3A_277 = tpu.vector_load %arg10[%get3A_275, %get3A_276] {strides = array<i32>} : memref<640x32xf32, #tpu.memory_space<vmem>>, vector<16xf32>,
        %add3A_278 = arith.addf %add3A_268, %get3A_277 : vector<16xf32>
        %add3A_279 = arith.constant 512 : i32
        %add3A_280 = arith.addi %add3A_279, %scan3A_242 : i32
        %get3A_281 = arith.index_cast %add3A_280 : i32 to index
        %get3A_282 = arith.constant 0 : index
        %get3A_283 = tpu.vector_load %arg10[%get3A_281, %get3A_282] {strides = array<i32>} : memref<640x32xf32, #tpu.memory_space<vmem>>, vector<16xf32>,
        %add3A_284 = arith.addf %add3A_274, %get3A_283 : vector<16xf32>
        %get3A_285 = arith.index_cast %add3A_280 : i32 to index
        %get3A_286 = arith.constant 16 : index
        %get3A_287 = tpu.vector_load %arg10[%get3A_285, %get3A_286] {strides = array<i32>} : memref<640x32xf32, #tpu.memory_space<vmem>>, vector<16xf32>,
        %add3A_288 = arith.addf %add3A_278, %get3A_287 : vector<16xf32>
        %swap3A_289 = arith.index_cast %scan3A_242 : i32 to index
        %swap3A_290 = arith.constant 0 : index
        %swap3A_291 = tpu.vector_load %arg11[%swap3A_289, %swap3A_290] {strides = array<i32>} : memref<128x32xf32, #tpu.memory_space<vmem>>, vector<16xf32>,
        tpu.vector_store %arg11[%swap3A_289, %swap3A_290], %add3A_284 {add = true, strides = array<i32>} : memref<128x32xf32, #tpu.memory_space<vmem>>, vector<16xf32>,
        %swap3A_292 = arith.index_cast %scan3A_242 : i32 to index
        %swap3A_293 = arith.constant 16 : index
        %swap3A_294 = tpu.vector_load %arg11[%swap3A_292, %swap3A_293] {strides = array<i32>} : memref<128x32xf32, #tpu.memory_space<vmem>>, vector<16xf32>,
        tpu.vector_store %arg11[%swap3A_292, %swap3A_293], %add3A_288 {add = true, strides = array<i32>} : memref<128x32xf32, #tpu.memory_space<vmem>>, vector<16xf32>,
        %scan3A_295 = arith.constant 3 : i32
        %scan3A_296 = arith.addi %scan3A_135, %scan3A_295 : i32
        %get3A_297 = arith.index_cast %scan3A_296 : i32 to index
        %get3A_298 = arith.constant 0 : index
        %get3A_299 = tpu.vector_load %arg10[%get3A_297, %get3A_298] {strides = array<i32>} : memref<640x32xf32, #tpu.memory_space<vmem>>, vector<16xf32>,
        %get3A_300 = arith.index_cast %scan3A_296 : i32 to index
        %get3A_301 = arith.constant 16 : index
        %get3A_302 = tpu.vector_load %arg10[%get3A_300, %get3A_301] {strides = array<i32>} : memref<640x32xf32, #tpu.memory_space<vmem>>, vector<16xf32>,
        %add3A_303 = arith.constant 128 : i32
        %add3A_304 = arith.addi %add3A_303, %scan3A_296 : i32
        %get3A_305 = arith.index_cast %add3A_304 : i32 to index
        %get3A_306 = arith.constant 0 : index
        %get3A_307 = tpu.vector_load %arg10[%get3A_305, %get3A_306] {strides = array<i32>} : memref<640x32xf32, #tpu.memory_space<vmem>>, vector<16xf32>,
        %add3A_308 = arith.addf %get3A_299, %get3A_307 : vector<16xf32>
        %get3A_309 = arith.index_cast %add3A_304 : i32 to index
        %get3A_310 = arith.constant 16 : index
        %get3A_311 = tpu.vector_load %arg10[%get3A_309, %get3A_310] {strides = array<i32>} : memref<640x32xf32, #tpu.memory_space<vmem>>, vector<16xf32>,
        %add3A_312 = arith.addf %get3A_302, %get3A_311 : vector<16xf32>
        %add3A_313 = arith.constant 256 : i32
        %add3A_314 = arith.addi %add3A_313, %scan3A_296 : i32
        %get3A_315 = arith.index_cast %add3A_314 : i32 to index
        %get3A_316 = arith.constant 0 : index
        %get3A_317 = tpu.vector_load %arg10[%get3A_315, %get3A_316] {strides = array<i32>} : memref<640x32xf32, #tpu.memory_space<vmem>>, vector<16xf32>,
        %add3A_318 = arith.addf %add3A_308, %get3A_317 : vector<16xf32>
        %get3A_319 = arith.index_cast %add3A_314 : i32 to index
        %get3A_320 = arith.constant 16 : index
        %get3A_321 = tpu.vector_load %arg10[%get3A_319, %get3A_320] {strides = array<i32>} : memref<640x32xf32, #tpu.memory_space<vmem>>, vector<16xf32>,
        %add3A_322 = arith.addf %add3A_312, %get3A_321 : vector<16xf32>
        %add3A_323 = arith.constant 384 : i32
        %add3A_324 = arith.addi %add3A_323, %scan3A_296 : i32
        %get3A_325 = arith.index_cast %add3A_324 : i32 to index
        %get3A_326 = arith.constant 0 : index
        %get3A_327 = tpu.vector_load %arg10[%get3A_325, %get3A_326] {strides = array<i32>} : memref<640x32xf32, #tpu.memory_space<vmem>>, vector<16xf32>,
        %add3A_328 = arith.addf %add3A_318, %get3A_327 : vector<16xf32>
        %get3A_329 = arith.index_cast %add3A_324 : i32 to index
        %get3A_330 = arith.constant 16 : index
        %get3A_331 = tpu.vector_load %arg10[%get3A_329, %get3A_330] {strides = array<i32>} : memref<640x32xf32, #tpu.memory_space<vmem>>, vector<16xf32>,
        %add3A_332 = arith.addf %add3A_322, %get3A_331 : vector<16xf32>
        %add3A_333 = arith.constant 512 : i32
        %add3A_334 = arith.addi %add3A_333, %scan3A_296 : i32
        %get3A_335 = arith.index_cast %add3A_334 : i32 to index
        %get3A_336 = arith.constant 0 : index
        %get3A_337 = tpu.vector_load %arg10[%get3A_335, %get3A_336] {strides = array<i32>} : memref<640x32xf32, #tpu.memory_space<vmem>>, vector<16xf32>,
        %add3A_338 = arith.addf %add3A_328, %get3A_337 : vector<16xf32>
        %get3A_339 = arith.index_cast %add3A_334 : i32 to index
        %get3A_340 = arith.constant 16 : index
        %get3A_341 = tpu.vector_load %arg10[%get3A_339, %get3A_340] {strides = array<i32>} : memref<640x32xf32, #tpu.memory_space<vmem>>, vector<16xf32>,
        %add3A_342 = arith.addf %add3A_332, %get3A_341 : vector<16xf32>
        %swap3A_343 = arith.index_cast %scan3A_296 : i32 to index
        %swap3A_344 = arith.constant 0 : index
        %swap3A_345 = tpu.vector_load %arg11[%swap3A_343, %swap3A_344] {strides = array<i32>} : memref<128x32xf32, #tpu.memory_space<vmem>>, vector<16xf32>,
        tpu.vector_store %arg11[%swap3A_343, %swap3A_344], %add3A_338 {add = true, strides = array<i32>} : memref<128x32xf32, #tpu.memory_space<vmem>>, vector<16xf32>,
        %swap3A_346 = arith.index_cast %scan3A_296 : i32 to index
        %swap3A_347 = arith.constant 16 : index
        %swap3A_348 = tpu.vector_load %arg11[%swap3A_346, %swap3A_347] {strides = array<i32>} : memref<128x32xf32, #tpu.memory_space<vmem>>, vector<16xf32>,
        tpu.vector_store %arg11[%swap3A_346, %swap3A_347], %add3A_342 {add = true, strides = array<i32>} : memref<128x32xf32, #tpu.memory_space<vmem>>, vector<16xf32>,
        %scan3A_349 = arith.constant 4 : i32
        %scan3A_350 = arith.addi %scan3A_135, %scan3A_349 : i32
        %get3A_351 = arith.index_cast %scan3A_350 : i32 to index
        %get3A_352 = arith.constant 0 : index
        %get3A_353 = tpu.vector_load %arg10[%get3A_351, %get3A_352] {strides = array<i32>} : memref<640x32xf32, #tpu.memory_space<vmem>>, vector<16xf32>,
        %get3A_354 = arith.index_cast %scan3A_350 : i32 to index
        %get3A_355 = arith.constant 16 : index
        %get3A_356 = tpu.vector_load %arg10[%get3A_354, %get3A_355] {strides = array<i32>} : memref<640x32xf32, #tpu.memory_space<vmem>>, vector<16xf32>,
        %add3A_357 = arith.constant 128 : i32
        %add3A_358 = arith.addi %add3A_357, %scan3A_350 : i32
        %get3A_359 = arith.index_cast %add3A_358 : i32 to index
        %get3A_360 = arith.constant 0 : index
        %get3A_361 = tpu.vector_load %arg10[%get3A_359, %get3A_360] {strides = array<i32>} : memref<640x32xf32, #tpu.memory_space<vmem>>, vector<16xf32>,
        %add3A_362 = arith.addf %get3A_353, %get3A_361 : vector<16xf32>
        %get3A_363 = arith.index_cast %add3A_358 : i32 to index
        %get3A_364 = arith.constant 16 : index
        %get3A_365 = tpu.vector_load %arg10[%get3A_363, %get3A_364] {strides = array<i32>} : memref<640x32xf32, #tpu.memory_space<vmem>>, vector<16xf32>,
        %add3A_366 = arith.addf %get3A_356, %get3A_365 : vector<16xf32>
        %add3A_367 = arith.constant 256 : i32
        %add3A_368 = arith.addi %add3A_367, %scan3A_350 : i32
        %get3A_369 = arith.index_cast %add3A_368 : i32 to index
        %get3A_370 = arith.constant 0 : index
        %get3A_371 = tpu.vector_load %arg10[%get3A_369, %get3A_370] {strides = array<i32>} : memref<640x32xf32, #tpu.memory_space<vmem>>, vector<16xf32>,
        %add3A_372 = arith.addf %add3A_362, %get3A_371 : vector<16xf32>
        %get3A_373 = arith.index_cast %add3A_368 : i32 to index
        %get3A_374 = arith.constant 16 : index
        %get3A_375 = tpu.vector_load %arg10[%get3A_373, %get3A_374] {strides = array<i32>} : memref<640x32xf32, #tpu.memory_space<vmem>>, vector<16xf32>,
        %add3A_376 = arith.addf %add3A_366, %get3A_375 : vector<16xf32>
        %add3A_377 = arith.constant 384 : i32
        %add3A_378 = arith.addi %add3A_377, %scan3A_350 : i32
        %get3A_379 = arith.index_cast %add3A_378 : i32 to index
        %get3A_380 = arith.constant 0 : index
        %get3A_381 = tpu.vector_load %arg10[%get3A_379, %get3A_380] {strides = array<i32>} : memref<640x32xf32, #tpu.memory_space<vmem>>, vector<16xf32>,
        %add3A_382 = arith.addf %add3A_372, %get3A_381 : vector<16xf32>
        %get3A_383 = arith.index_cast %add3A_378 : i32 to index
        %get3A_384 = arith.constant 16 : index
        %get3A_385 = tpu.vector_load %arg10[%get3A_383, %get3A_384] {strides = array<i32>} : memref<640x32xf32, #tpu.memory_space<vmem>>, vector<16xf32>,
        %add3A_386 = arith.addf %add3A_376, %get3A_385 : vector<16xf32>
        %add3A_387 = arith.constant 512 : i32
        %add3A_388 = arith.addi %add3A_387, %scan3A_350 : i32
        %get3A_389 = arith.index_cast %add3A_388 : i32 to index
        %get3A_390 = arith.constant 0 : index
        %get3A_391 = tpu.vector_load %arg10[%get3A_389, %get3A_390] {strides = array<i32>} : memref<640x32xf32, #tpu.memory_space<vmem>>, vector<16xf32>,
        %add3A_392 = arith.addf %add3A_382, %get3A_391 : vector<16xf32>
        %get3A_393 = arith.index_cast %add3A_388 : i32 to index
        %get3A_394 = arith.constant 16 : index
        %get3A_395 = tpu.vector_load %arg10[%get3A_393, %get3A_394] {strides = array<i32>} : memref<640x32xf32, #tpu.memory_space<vmem>>, vector<16xf32>,
        %add3A_396 = arith.addf %add3A_386, %get3A_395 : vector<16xf32>
        %swap3A_397 = arith.index_cast %scan3A_350 : i32 to index
        %swap3A_398 = arith.constant 0 : index
        %swap3A_399 = tpu.vector_load %arg11[%swap3A_397, %swap3A_398] {strides = array<i32>} : memref<128x32xf32, #tpu.memory_space<vmem>>, vector<16xf32>,
        tpu.vector_store %arg11[%swap3A_397, %swap3A_398], %add3A_392 {add = true, strides = array<i32>} : memref<128x32xf32, #tpu.memory_space<vmem>>, vector<16xf32>,
        %swap3A_400 = arith.index_cast %scan3A_350 : i32 to index
        %swap3A_401 = arith.constant 16 : index
        %swap3A_402 = tpu.vector_load %arg11[%swap3A_400, %swap3A_401] {strides = array<i32>} : memref<128x32xf32, #tpu.memory_space<vmem>>, vector<16xf32>,
        tpu.vector_store %arg11[%swap3A_400, %swap3A_401], %add3A_396 {add = true, strides = array<i32>} : memref<128x32xf32, #tpu.memory_space<vmem>>, vector<16xf32>,
        %scan3A_403 = arith.constant 5 : i32
        %scan3A_404 = arith.addi %scan3A_135, %scan3A_403 : i32
        %get3A_405 = arith.index_cast %scan3A_404 : i32 to index
        %get3A_406 = arith.constant 0 : index
        %get3A_407 = tpu.vector_load %arg10[%get3A_405, %get3A_406] {strides = array<i32>} : memref<640x32xf32, #tpu.memory_space<vmem>>, vector<16xf32>,
        %get3A_408 = arith.index_cast %scan3A_404 : i32 to index
        %get3A_409 = arith.constant 16 : index
        %get3A_410 = tpu.vector_load %arg10[%get3A_408, %get3A_409] {strides = array<i32>} : memref<640x32xf32, #tpu.memory_space<vmem>>, vector<16xf32>,
        %add3A_411 = arith.constant 128 : i32
        %add3A_412 = arith.addi %add3A_411, %scan3A_404 : i32
        %get3A_413 = arith.index_cast %add3A_412 : i32 to index
        %get3A_414 = arith.constant 0 : index
        %get3A_415 = tpu.vector_load %arg10[%get3A_413, %get3A_414] {strides = array<i32>} : memref<640x32xf32, #tpu.memory_space<vmem>>, vector<16xf32>,
        %add3A_416 = arith.addf %get3A_407, %get3A_415 : vector<16xf32>
        %get3A_417 = arith.index_cast %add3A_412 : i32 to index
        %get3A_418 = arith.constant 16 : index
        %get3A_419 = tpu.vector_load %arg10[%get3A_417, %get3A_418] {strides = array<i32>} : memref<640x32xf32, #tpu.memory_space<vmem>>, vector<16xf32>,
        %add3A_420 = arith.addf %get3A_410, %get3A_419 : vector<16xf32>
        %add3A_421 = arith.constant 256 : i32
        %add3A_422 = arith.addi %add3A_421, %scan3A_404 : i32
        %get3A_423 = arith.index_cast %add3A_422 : i32 to index
        %get3A_424 = arith.constant 0 : index
        %get3A_425 = tpu.vector_load %arg10[%get3A_423, %get3A_424] {strides = array<i32>} : memref<640x32xf32, #tpu.memory_space<vmem>>, vector<16xf32>,
        %add3A_426 = arith.addf %add3A_416, %get3A_425 : vector<16xf32>
        %get3A_427 = arith.index_cast %add3A_422 : i32 to index
        %get3A_428 = arith.constant 16 : index
        %get3A_429 = tpu.vector_load %arg10[%get3A_427, %get3A_428] {strides = array<i32>} : memref<640x32xf32, #tpu.memory_space<vmem>>, vector<16xf32>,
        %add3A_430 = arith.addf %add3A_420, %get3A_429 : vector<16xf32>
        %add3A_431 = arith.constant 384 : i32
        %add3A_432 = arith.addi %add3A_431, %scan3A_404 : i32
        %get3A_433 = arith.index_cast %add3A_432 : i32 to index
        %get3A_434 = arith.constant 0 : index
        %get3A_435 = tpu.vector_load %arg10[%get3A_433, %get3A_434] {strides = array<i32>} : memref<640x32xf32, #tpu.memory_space<vmem>>, vector<16xf32>,
        %add3A_436 = arith.addf %add3A_426, %get3A_435 : vector<16xf32>
        %get3A_437 = arith.index_cast %add3A_432 : i32 to index
        %get3A_438 = arith.constant 16 : index
        %get3A_439 = tpu.vector_load %arg10[%get3A_437, %get3A_438] {strides = array<i32>} : memref<640x32xf32, #tpu.memory_space<vmem>>, vector<16xf32>,
        %add3A_440 = arith.addf %add3A_430, %get3A_439 : vector<16xf32>
        %add3A_441 = arith.constant 512 : i32
        %add3A_442 = arith.addi %add3A_441, %scan3A_404 : i32
        %get3A_443 = arith.index_cast %add3A_442 : i32 to index
        %get3A_444 = arith.constant 0 : index
        %get3A_445 = tpu.vector_load %arg10[%get3A_443, %get3A_444] {strides = array<i32>} : memref<640x32xf32, #tpu.memory_space<vmem>>, vector<16xf32>,
        %add3A_446 = arith.addf %add3A_436, %get3A_445 : vector<16xf32>
        %get3A_447 = arith.index_cast %add3A_442 : i32 to index
        %get3A_448 = arith.constant 16 : index
        %get3A_449 = tpu.vector_load %arg10[%get3A_447, %get3A_448] {strides = array<i32>} : memref<640x32xf32, #tpu.memory_space<vmem>>, vector<16xf32>,
        %add3A_450 = arith.addf %add3A_440, %get3A_449 : vector<16xf32>
        %swap3A_451 = arith.index_cast %scan3A_404 : i32 to index
        %swap3A_452 = arith.constant 0 : index
        %swap3A_453 = tpu.vector_load %arg11[%swap3A_451, %swap3A_452] {strides = array<i32>} : memref<128x32xf32, #tpu.memory_space<vmem>>, vector<16xf32>,
        tpu.vector_store %arg11[%swap3A_451, %swap3A_452], %add3A_446 {add = true, strides = array<i32>} : memref<128x32xf32, #tpu.memory_space<vmem>>, vector<16xf32>,
        %swap3A_454 = arith.index_cast %scan3A_404 : i32 to index
        %swap3A_455 = arith.constant 16 : index
        %swap3A_456 = tpu.vector_load %arg11[%swap3A_454, %swap3A_455] {strides = array<i32>} : memref<128x32xf32, #tpu.memory_space<vmem>>, vector<16xf32>,
        tpu.vector_store %arg11[%swap3A_454, %swap3A_455], %add3A_450 {add = true, strides = array<i32>} : memref<128x32xf32, #tpu.memory_space<vmem>>, vector<16xf32>,
        %scan3A_457 = arith.constant 6 : i32
        %scan3A_458 = arith.addi %scan3A_135, %scan3A_457 : i32
        %get3A_459 = arith.index_cast %scan3A_458 : i32 to index
        %get3A_460 = arith.constant 0 : index
        %get3A_461 = tpu.vector_load %arg10[%get3A_459, %get3A_460] {strides = array<i32>} : memref<640x32xf32, #tpu.memory_space<vmem>>, vector<16xf32>,
        %get3A_462 = arith.index_cast %scan3A_458 : i32 to index
        %get3A_463 = arith.constant 16 : index
        %get3A_464 = tpu.vector_load %arg10[%get3A_462, %get3A_463] {strides = array<i32>} : memref<640x32xf32, #tpu.memory_space<vmem>>, vector<16xf32>,
        %add3A_465 = arith.constant 128 : i32
        %add3A_466 = arith.addi %add3A_465, %scan3A_458 : i32
        %get3A_467 = arith.index_cast %add3A_466 : i32 to index
        %get3A_468 = arith.constant 0 : index
        %get3A_469 = tpu.vector_load %arg10[%get3A_467, %get3A_468] {strides = array<i32>} : memref<640x32xf32, #tpu.memory_space<vmem>>, vector<16xf32>,
        %add3A_470 = arith.addf %get3A_461, %get3A_469 : vector<16xf32>
        %get3A_471 = arith.index_cast %add3A_466 : i32 to index
        %get3A_472 = arith.constant 16 : index
        %get3A_473 = tpu.vector_load %arg10[%get3A_471, %get3A_472] {strides = array<i32>} : memref<640x32xf32, #tpu.memory_space<vmem>>, vector<16xf32>,
        %add3A_474 = arith.addf %get3A_464, %get3A_473 : vector<16xf32>
        %add3A_475 = arith.constant 256 : i32
        %add3A_476 = arith.addi %add3A_475, %scan3A_458 : i32
        %get3A_477 = arith.index_cast %add3A_476 : i32 to index
        %get3A_478 = arith.constant 0 : index
        %get3A_479 = tpu.vector_load %arg10[%get3A_477, %get3A_478] {strides = array<i32>} : memref<640x32xf32, #tpu.memory_space<vmem>>, vector<16xf32>,
        %add3A_480 = arith.addf %add3A_470, %get3A_479 : vector<16xf32>
        %get3A_481 = arith.index_cast %add3A_476 : i32 to index
        %get3A_482 = arith.constant 16 : index
        %get3A_483 = tpu.vector_load %arg10[%get3A_481, %get3A_482] {strides = array<i32>} : memref<640x32xf32, #tpu.memory_space<vmem>>, vector<16xf32>,
        %add3A_484 = arith.addf %add3A_474, %get3A_483 : vector<16xf32>
        %add3A_485 = arith.constant 384 : i32
        %add3A_486 = arith.addi %add3A_485, %scan3A_458 : i32
        %get3A_487 = arith.index_cast %add3A_486 : i32 to index
        %get3A_488 = arith.constant 0 : index
        %get3A_489 = tpu.vector_load %arg10[%get3A_487, %get3A_488] {strides = array<i32>} : memref<640x32xf32, #tpu.memory_space<vmem>>, vector<16xf32>,
        %add3A_490 = arith.addf %add3A_480, %get3A_489 : vector<16xf32>
        %get3A_491 = arith.index_cast %add3A_486 : i32 to index
        %get3A_492 = arith.constant 16 : index
        %get3A_493 = tpu.vector_load %arg10[%get3A_491, %get3A_492] {strides = array<i32>} : memref<640x32xf32, #tpu.memory_space<vmem>>, vector<16xf32>,
        %add3A_494 = arith.addf %add3A_484, %get3A_493 : vector<16xf32>
        %add3A_495 = arith.constant 512 : i32
        %add3A_496 = arith.addi %add3A_495, %scan3A_458 : i32
        %get3A_497 = arith.index_cast %add3A_496 : i32 to index
        %get3A_498 = arith.constant 0 : index
        %get3A_499 = tpu.vector_load %arg10[%get3A_497, %get3A_498] {strides = array<i32>} : memref<640x32xf32, #tpu.memory_space<vmem>>, vector<16xf32>,
        %add3A_500 = arith.addf %add3A_490, %get3A_499 : vector<16xf32>
        %get3A_501 = arith.index_cast %add3A_496 : i32 to index
        %get3A_502 = arith.constant 16 : index
        %get3A_503 = tpu.vector_load %arg10[%get3A_501, %get3A_502] {strides = array<i32>} : memref<640x32xf32, #tpu.memory_space<vmem>>, vector<16xf32>,
        %add3A_504 = arith.addf %add3A_494, %get3A_503 : vector<16xf32>
        %swap3A_505 = arith.index_cast %scan3A_458 : i32 to index
        %swap3A_506 = arith.constant 0 : index
        %swap3A_507 = tpu.vector_load %arg11[%swap3A_505, %swap3A_506] {strides = array<i32>} : memref<128x32xf32, #tpu.memory_space<vmem>>, vector<16xf32>,
        tpu.vector_store %arg11[%swap3A_505, %swap3A_506], %add3A_500 {add = true, strides = array<i32>} : memref<128x32xf32, #tpu.memory_space<vmem>>, vector<16xf32>,
        %swap3A_508 = arith.index_cast %scan3A_458 : i32 to index
        %swap3A_509 = arith.constant 16 : index
        %swap3A_510 = tpu.vector_load %arg11[%swap3A_508, %swap3A_509] {strides = array<i32>} : memref<128x32xf32, #tpu.memory_space<vmem>>, vector<16xf32>,
        tpu.vector_store %arg11[%swap3A_508, %swap3A_509], %add3A_504 {add = true, strides = array<i32>} : memref<128x32xf32, #tpu.memory_space<vmem>>, vector<16xf32>,
        %scan3A_511 = arith.constant 7 : i32
        %scan3A_512 = arith.addi %scan3A_135, %scan3A_511 : i32
        %get3A_513 = arith.index_cast %scan3A_512 : i32 to index
        %get3A_514 = arith.constant 0 : index
        %get3A_515 = tpu.vector_load %arg10[%get3A_513, %get3A_514] {strides = array<i32>} : memref<640x32xf32, #tpu.memory_space<vmem>>, vector<16xf32>,
        %get3A_516 = arith.index_cast %scan3A_512 : i32 to index
        %get3A_517 = arith.constant 16 : index
        %get3A_518 = tpu.vector_load %arg10[%get3A_516, %get3A_517] {strides = array<i32>} : memref<640x32xf32, #tpu.memory_space<vmem>>, vector<16xf32>,
        %add3A_519 = arith.constant 128 : i32
        %add3A_520 = arith.addi %add3A_519, %scan3A_512 : i32
        %get3A_521 = arith.index_cast %add3A_520 : i32 to index
        %get3A_522 = arith.constant 0 : index
        %get3A_523 = tpu.vector_load %arg10[%get3A_521, %get3A_522] {strides = array<i32>} : memref<640x32xf32, #tpu.memory_space<vmem>>, vector<16xf32>,
        %add3A_524 = arith.addf %get3A_515, %get3A_523 : vector<16xf32>
        %get3A_525 = arith.index_cast %add3A_520 : i32 to index
        %get3A_526 = arith.constant 16 : index
        %get3A_527 = tpu.vector_load %arg10[%get3A_525, %get3A_526] {strides = array<i32>} : memref<640x32xf32, #tpu.memory_space<vmem>>, vector<16xf32>,
        %add3A_528 = arith.addf %get3A_518, %get3A_527 : vector<16xf32>
        %add3A_529 = arith.constant 256 : i32
        %add3A_530 = arith.addi %add3A_529, %scan3A_512 : i32
        %get3A_531 = arith.index_cast %add3A_530 : i32 to index
        %get3A_532 = arith.constant 0 : index
        %get3A_533 = tpu.vector_load %arg10[%get3A_531, %get3A_532] {strides = array<i32>} : memref<640x32xf32, #tpu.memory_space<vmem>>, vector<16xf32>,
        %add3A_534 = arith.addf %add3A_524, %get3A_533 : vector<16xf32>
        %get3A_535 = arith.index_cast %add3A_530 : i32 to index
        %get3A_536 = arith.constant 16 : index
        %get3A_537 = tpu.vector_load %arg10[%get3A_535, %get3A_536] {strides = array<i32>} : memref<640x32xf32, #tpu.memory_space<vmem>>, vector<16xf32>,
        %add3A_538 = arith.addf %add3A_528, %get3A_537 : vector<16xf32>
        %add3A_539 = arith.constant 384 : i32
        %add3A_540 = arith.addi %add3A_539, %scan3A_512 : i32
        %get3A_541 = arith.index_cast %add3A_540 : i32 to index
        %get3A_542 = arith.constant 0 : index
        %get3A_543 = tpu.vector_load %arg10[%get3A_541, %get3A_542] {strides = array<i32>} : memref<640x32xf32, #tpu.memory_space<vmem>>, vector<16xf32>,
        %add3A_544 = arith.addf %add3A_534, %get3A_543 : vector<16xf32>
        %get3A_545 = arith.index_cast %add3A_540 : i32 to index
        %get3A_546 = arith.constant 16 : index
        %get3A_547 = tpu.vector_load %arg10[%get3A_545, %get3A_546] {strides = array<i32>} : memref<640x32xf32, #tpu.memory_space<vmem>>, vector<16xf32>,
        %add3A_548 = arith.addf %add3A_538, %get3A_547 : vector<16xf32>
        %add3A_549 = arith.constant 512 : i32
        %add3A_550 = arith.addi %add3A_549, %scan3A_512 : i32
        %get3A_551 = arith.index_cast %add3A_550 : i32 to index
        %get3A_552 = arith.constant 0 : index
        %get3A_553 = tpu.vector_load %arg10[%get3A_551, %get3A_552] {strides = array<i32>} : memref<640x32xf32, #tpu.memory_space<vmem>>, vector<16xf32>,
        %add3A_554 = arith.addf %add3A_544, %get3A_553 : vector<16xf32>
        %get3A_555 = arith.index_cast %add3A_550 : i32 to index
        %get3A_556 = arith.constant 16 : index
        %get3A_557 = tpu.vector_load %arg10[%get3A_555, %get3A_556] {strides = array<i32>} : memref<640x32xf32, #tpu.memory_space<vmem>>, vector<16xf32>,
        %add3A_558 = arith.addf %add3A_548, %get3A_557 : vector<16xf32>
        %swap3A_559 = arith.index_cast %scan3A_512 : i32 to index
        %swap3A_560 = arith.constant 0 : index
        %swap3A_561 = tpu.vector_load %arg11[%swap3A_559, %swap3A_560] {strides = array<i32>} : memref<128x32xf32, #tpu.memory_space<vmem>>, vector<16xf32>,
        tpu.vector_store %arg11[%swap3A_559, %swap3A_560], %add3A_554 {add = true, strides = array<i32>} : memref<128x32xf32, #tpu.memory_space<vmem>>, vector<16xf32>,
        %swap3A_562 = arith.index_cast %scan3A_512 : i32 to index
        %swap3A_563 = arith.constant 16 : index
        %swap3A_564 = tpu.vector_load %arg11[%swap3A_562, %swap3A_563] {strides = array<i32>} : memref<128x32xf32, #tpu.memory_space<vmem>>, vector<16xf32>,
        tpu.vector_store %arg11[%swap3A_562, %swap3A_563], %add3A_558 {add = true, strides = array<i32>} : memref<128x32xf32, #tpu.memory_space<vmem>>, vector<16xf32>,
      }
      %scan3A_127 = arith.constant 128 : i32
      %add3A_128 = arith.constant 4 : i32
      %add3A_129 = arith.addi %add3A_113, %add3A_128 : i32
      %lt3A_130 = arith.constant 40 : i32
      %lt3A_131 = arith.cmpi slt, %add3A_129, %lt3A_130 : i32
      %convert_element_type3A_132 = arith.extui %lt3A_131 : i1 to i32
      %cond3A_133 = arith.constant 0 : i32
      %cond3A_134 = arith.cmpi ne, %convert_element_type3A_132, %cond3A_133 : i32
      scf.if %cond3A_134 {
        %mul3A_135 = arith.constant 5 : i32
        %mul3A_136 = arith.muli %add3A_129, %mul3A_135 : i32
        %mul3A_137 = arith.constant 128 : i32
        %mul3A_138 = arith.muli %mul3A_136, %mul3A_137 : i32
        %dma_start3A_139 = tpu.memref_slice %arg6[%mul3A_138] : memref<25600xi32, #tpu.memory_space<vmem>> -> memref<640xi32, #tpu.memory_space<vmem>>
        %dma_start3A_140 = arith.constant 0 : i32
        %dma_start3A_141 = arith.constant 0 : i32
        %dma_start3A_142 = tpu.memref_slice %arg3[%dma_start3A_140, %dma_start3A_141] : memref<100000x32xf32, #tpu.memory_space<hbm>> -> memref<100000x32xf32, #tpu.memory_space<hbm>>
        tpu.enqueue_indirect_dma source(%dma_start3A_142 : memref<100000x32xf32, #tpu.memory_space<hbm>>) target(%arg10 : memref<640x32xf32, #tpu.memory_space<vmem>>) offsets(%dma_start3A_139 : memref<640xi32, #tpu.memory_space<vmem>>) semaphore(%arg16 : memref<!tpu.dma_semaphore, #tpu.memory_space<semaphore_mem>>)
      } else {
      }
    }
    %scan3A_31 = arith.constant 10 : i32
    %get3A = arith.constant 0 : index
    %get3A_32 = tpu.vector_load %arg12[%get3A] {strides = array<i32>} : memref<32xf32, #tpu.memory_space<vmem>>, vector<16xf32>,
    %get3A_33 = arith.constant 16 : index
    %get3A_34 = tpu.vector_load %arg12[%get3A_33] {strides = array<i32>} : memref<32xf32, #tpu.memory_space<vmem>>, vector<16xf32>,
    %scan3A_35 = arith.constant 0 : i32
    %scan3A_36 = arith.constant 5.000000e-03 : f32
    %scan3A_37 = arith.constant 0 : i32
    %scan3A_38 = arith.constant 128 : i32
    %scan3A_39 = arith.addi %scan3A_37, %scan3A_38 : i32
    %scan3A_40 = arith.constant 4 : i32
    scf.for %scan3A_44 = %scan3A_37 to %scan3A_39 step %scan3A_40  : i32 {
      %get3A_45 = arith.index_cast %scan3A_44 : i32 to index
      %get3A_46 = arith.constant 0 : index
      %get3A_47 = tpu.vector_load %arg11[%get3A_45, %get3A_46] {strides = array<i32>} : memref<128x32xf32, #tpu.memory_space<vmem>>, vector<16xf32>,
      %mul3A_48 = vector.broadcast %scan3A_36 : f32 to vector<16xf32>
      %mul3A_49 = arith.mulf %get3A_47, %mul3A_48 : vector<16xf32>
      %add3A_50 = arith.addf %mul3A_49, %get3A_32 : vector<16xf32>
      %get3A_51 = arith.index_cast %scan3A_44 : i32 to index
      %get3A_52 = arith.constant 16 : index
      %get3A_53 = tpu.vector_load %arg11[%get3A_51, %get3A_52] {strides = array<i32>} : memref<128x32xf32, #tpu.memory_space<vmem>>, vector<16xf32>,
      %mul3A_54 = vector.broadcast %scan3A_36 : f32 to vector<16xf32>
      %mul3A_55 = arith.mulf %get3A_53, %mul3A_54 : vector<16xf32>
      %add3A_56 = arith.addf %mul3A_55, %get3A_34 : vector<16xf32>
      %neg3A = arith.constant 0.000000e+00 : f32
      %neg3A_57 = vector.broadcast %neg3A : f32 to vector<16xf32>
      %neg3A_58 = arith.subf %neg3A_57, %add3A_50 : vector<16xf32>
      %exp3A = math.exp %neg3A_58 : vector<16xf32>
      %add3A_59 = arith.constant 1.000000e+00 : f32
      %add3A_60 = vector.broadcast %add3A_59 : f32 to vector<16xf32>
      %add3A_61 = arith.addf %add3A_60, %exp3A : vector<16xf32>
      %div3A = arith.constant 1.000000e+00 : f32
      %div3A_62 = vector.broadcast %div3A : f32 to vector<16xf32>
      %div3A_63 = arith.divf %div3A_62, %add3A_61 : vector<16xf32>
      %swap3A = arith.index_cast %scan3A_44 : i32 to index
      %swap3A_64 = arith.constant 0 : index
      %swap3A_65 = tpu.vector_load %arg11[%swap3A, %swap3A_64] {strides = array<i32>} : memref<128x32xf32, #tpu.memory_space<vmem>>, vector<16xf32>,
      tpu.vector_store %arg11[%swap3A, %swap3A_64], %div3A_63 {strides = array<i32>} : memref<128x32xf32, #tpu.memory_space<vmem>>, vector<16xf32>,
      %neg3A_66 = arith.constant 0.000000e+00 : f32
      %neg3A_67 = vector.broadcast %neg3A_66 : f32 to vector<16xf32>
      %neg3A_68 = arith.subf %neg3A_67, %add3A_56 : vector<16xf32>
      %exp3A_69 = math.exp %neg3A_68 : vector<16xf32>
      %add3A_70 = arith.constant 1.000000e+00 : f32
      %add3A_71 = vector.broadcast %add3A_70 : f32 to vector<16xf32>
      %add3A_72 = arith.addf %add3A_71, %exp3A_69 : vector<16xf32>
      %div3A_73 = arith.constant 1.000000e+00 : f32
      %div3A_74 = vector.broadcast %div3A_73 : f32 to vector<16xf32>
      %div3A_75 = arith.divf %div3A_74, %add3A_72 : vector<16xf32>
      %swap3A_76 = arith.index_cast %scan3A_44 : i32 to index
      %swap3A_77 = arith.constant 16 : index
      %swap3A_78 = tpu.vector_load %arg11[%swap3A_76, %swap3A_77] {strides = array<i32>} : memref<128x32xf32, #tpu.memory_space<vmem>>, vector<16xf32>,
      tpu.vector_store %arg11[%swap3A_76, %swap3A_77], %div3A_75 {strides = array<i32>} : memref<128x32xf32, #tpu.memory_space<vmem>>, vector<16xf32>,
      %scan3A_79 = arith.constant 1 : i32
      %scan3A_80 = arith.addi %scan3A_44, %scan3A_79 : i32
      %get3A_81 = arith.index_cast %scan3A_80 : i32 to index
      %get3A_82 = arith.constant 0 : index
      %get3A_83 = tpu.vector_load %arg11[%get3A_81, %get3A_82] {strides = array<i32>} : memref<128x32xf32, #tpu.memory_space<vmem>>, vector<16xf32>,
      %mul3A_84 = vector.broadcast %scan3A_36 : f32 to vector<16xf32>
      %mul3A_85 = arith.mulf %get3A_83, %mul3A_84 : vector<16xf32>
      %add3A_86 = arith.addf %mul3A_85, %get3A_32 : vector<16xf32>
      %get3A_87 = arith.index_cast %scan3A_80 : i32 to index
      %get3A_88 = arith.constant 16 : index
      %get3A_89 = tpu.vector_load %arg11[%get3A_87, %get3A_88] {strides = array<i32>} : memref<128x32xf32, #tpu.memory_space<vmem>>, vector<16xf32>,
      %mul3A_90 = vector.broadcast %scan3A_36 : f32 to vector<16xf32>
      %mul3A_91 = arith.mulf %get3A_89, %mul3A_90 : vector<16xf32>
      %add3A_92 = arith.addf %mul3A_91, %get3A_34 : vector<16xf32>
      %neg3A_93 = arith.constant 0.000000e+00 : f32
      %neg3A_94 = vector.broadcast %neg3A_93 : f32 to vector<16xf32>
      %neg3A_95 = arith.subf %neg3A_94, %add3A_86 : vector<16xf32>
      %exp3A_96 = math.exp %neg3A_95 : vector<16xf32>
      %add3A_97 = arith.constant 1.000000e+00 : f32
      %add3A_98 = vector.broadcast %add3A_97 : f32 to vector<16xf32>
      %add3A_99 = arith.addf %add3A_98, %exp3A_96 : vector<16xf32>
      %div3A_100 = arith.constant 1.000000e+00 : f32
      %div3A_101 = vector.broadcast %div3A_100 : f32 to vector<16xf32>
      %div3A_102 = arith.divf %div3A_101, %add3A_99 : vector<16xf32>
      %swap3A_103 = arith.index_cast %scan3A_80 : i32 to index
      %swap3A_104 = arith.constant 0 : index
      %swap3A_105 = tpu.vector_load %arg11[%swap3A_103, %swap3A_104] {strides = array<i32>} : memref<128x32xf32, #tpu.memory_space<vmem>>, vector<16xf32>,
      tpu.vector_store %arg11[%swap3A_103, %swap3A_104], %div3A_102 {strides = array<i32>} : memref<128x32xf32, #tpu.memory_space<vmem>>, vector<16xf32>,
      %neg3A_106 = arith.constant 0.000000e+00 : f32
      %neg3A_107 = vector.broadcast %neg3A_106 : f32 to vector<16xf32>
      %neg3A_108 = arith.subf %neg3A_107, %add3A_92 : vector<16xf32>
      %exp3A_109 = math.exp %neg3A_108 : vector<16xf32>
      %add3A_110 = arith.constant 1.000000e+00 : f32
      %add3A_111 = vector.broadcast %add3A_110 : f32 to vector<16xf32>
      %add3A_112 = arith.addf %add3A_111, %exp3A_109 : vector<16xf32>
      %div3A_113 = arith.constant 1.000000e+00 : f32
      %div3A_114 = vector.broadcast %div3A_113 : f32 to vector<16xf32>
      %div3A_115 = arith.divf %div3A_114, %add3A_112 : vector<16xf32>
      %swap3A_116 = arith.index_cast %scan3A_80 : i32 to index
      %swap3A_117 = arith.constant 16 : index
      %swap3A_118 = tpu.vector_load %arg11[%swap3A_116, %swap3A_117] {strides = array<i32>} : memref<128x32xf32, #tpu.memory_space<vmem>>, vector<16xf32>,
      tpu.vector_store %arg11[%swap3A_116, %swap3A_117], %div3A_115 {strides = array<i32>} : memref<128x32xf32, #tpu.memory_space<vmem>>, vector<16xf32>,
      %scan3A_119 = arith.constant 2 : i32
      %scan3A_120 = arith.addi %scan3A_44, %scan3A_119 : i32
      %get3A_121 = arith.index_cast %scan3A_120 : i32 to index
      %get3A_122 = arith.constant 0 : index
      %get3A_123 = tpu.vector_load %arg11[%get3A_121, %get3A_122] {strides = array<i32>} : memref<128x32xf32, #tpu.memory_space<vmem>>, vector<16xf32>,
      %mul3A_124 = vector.broadcast %scan3A_36 : f32 to vector<16xf32>
      %mul3A_125 = arith.mulf %get3A_123, %mul3A_124 : vector<16xf32>
      %add3A_126 = arith.addf %mul3A_125, %get3A_32 : vector<16xf32>
      %get3A_127 = arith.index_cast %scan3A_120 : i32 to index
      %get3A_128 = arith.constant 16 : index
      %get3A_129 = tpu.vector_load %arg11[%get3A_127, %get3A_128] {strides = array<i32>} : memref<128x32xf32, #tpu.memory_space<vmem>>, vector<16xf32>,
      %mul3A_130 = vector.broadcast %scan3A_36 : f32 to vector<16xf32>
      %mul3A_131 = arith.mulf %get3A_129, %mul3A_130 : vector<16xf32>
      %add3A_132 = arith.addf %mul3A_131, %get3A_34 : vector<16xf32>
      %neg3A_133 = arith.constant 0.000000e+00 : f32
      %neg3A_134 = vector.broadcast %neg3A_133 : f32 to vector<16xf32>
      %neg3A_135 = arith.subf %neg3A_134, %add3A_126 : vector<16xf32>
      %exp3A_136 = math.exp %neg3A_135 : vector<16xf32>
      %add3A_137 = arith.constant 1.000000e+00 : f32
      %add3A_138 = vector.broadcast %add3A_137 : f32 to vector<16xf32>
      %add3A_139 = arith.addf %add3A_138, %exp3A_136 : vector<16xf32>
      %div3A_140 = arith.constant 1.000000e+00 : f32
      %div3A_141 = vector.broadcast %div3A_140 : f32 to vector<16xf32>
      %div3A_142 = arith.divf %div3A_141, %add3A_139 : vector<16xf32>
      %swap3A_143 = arith.index_cast %scan3A_120 : i32 to index
      %swap3A_144 = arith.constant 0 : index
      %swap3A_145 = tpu.vector_load %arg11[%swap3A_143, %swap3A_144] {strides = array<i32>} : memref<128x32xf32, #tpu.memory_space<vmem>>, vector<16xf32>,
      tpu.vector_store %arg11[%swap3A_143, %swap3A_144], %div3A_142 {strides = array<i32>} : memref<128x32xf32, #tpu.memory_space<vmem>>, vector<16xf32>,
      %neg3A_146 = arith.constant 0.000000e+00 : f32
      %neg3A_147 = vector.broadcast %neg3A_146 : f32 to vector<16xf32>
      %neg3A_148 = arith.subf %neg3A_147, %add3A_132 : vector<16xf32>
      %exp3A_149 = math.exp %neg3A_148 : vector<16xf32>
      %add3A_150 = arith.constant 1.000000e+00 : f32
      %add3A_151 = vector.broadcast %add3A_150 : f32 to vector<16xf32>
      %add3A_152 = arith.addf %add3A_151, %exp3A_149 : vector<16xf32>
      %div3A_153 = arith.constant 1.000000e+00 : f32
      %div3A_154 = vector.broadcast %div3A_153 : f32 to vector<16xf32>
      %div3A_155 = arith.divf %div3A_154, %add3A_152 : vector<16xf32>
      %swap3A_156 = arith.index_cast %scan3A_120 : i32 to index
      %swap3A_157 = arith.constant 16 : index
      %swap3A_158 = tpu.vector_load %arg11[%swap3A_156, %swap3A_157] {strides = array<i32>} : memref<128x32xf32, #tpu.memory_space<vmem>>, vector<16xf32>,
      tpu.vector_store %arg11[%swap3A_156, %swap3A_157], %div3A_155 {strides = array<i32>} : memref<128x32xf32, #tpu.memory_space<vmem>>, vector<16xf32>,
      %scan3A_159 = arith.constant 3 : i32
      %scan3A_160 = arith.addi %scan3A_44, %scan3A_159 : i32
      %get3A_161 = arith.index_cast %scan3A_160 : i32 to index
      %get3A_162 = arith.constant 0 : index
      %get3A_163 = tpu.vector_load %arg11[%get3A_161, %get3A_162] {strides = array<i32>} : memref<128x32xf32, #tpu.memory_space<vmem>>, vector<16xf32>,
      %mul3A_164 = vector.broadcast %scan3A_36 : f32 to vector<16xf32>
      %mul3A_165 = arith.mulf %get3A_163, %mul3A_164 : vector<16xf32>
      %add3A_166 = arith.addf %mul3A_165, %get3A_32 : vector<16xf32>
      %get3A_167 = arith.index_cast %scan3A_160 : i32 to index
      %get3A_168 = arith.constant 16 : index
      %get3A_169 = tpu.vector_load %arg11[%get3A_167, %get3A_168] {strides = array<i32>} : memref<128x32xf32, #tpu.memory_space<vmem>>, vector<16xf32>,
      %mul3A_170 = vector.broadcast %scan3A_36 : f32 to vector<16xf32>
      %mul3A_171 = arith.mulf %get3A_169, %mul3A_170 : vector<16xf32>
      %add3A_172 = arith.addf %mul3A_171, %get3A_34 : vector<16xf32>
      %neg3A_173 = arith.constant 0.000000e+00 : f32
      %neg3A_174 = vector.broadcast %neg3A_173 : f32 to vector<16xf32>
      %neg3A_175 = arith.subf %neg3A_174, %add3A_166 : vector<16xf32>
      %exp3A_176 = math.exp %neg3A_175 : vector<16xf32>
      %add3A_177 = arith.constant 1.000000e+00 : f32
      %add3A_178 = vector.broadcast %add3A_177 : f32 to vector<16xf32>
      %add3A_179 = arith.addf %add3A_178, %exp3A_176 : vector<16xf32>
      %div3A_180 = arith.constant 1.000000e+00 : f32
      %div3A_181 = vector.broadcast %div3A_180 : f32 to vector<16xf32>
      %div3A_182 = arith.divf %div3A_181, %add3A_179 : vector<16xf32>
      %swap3A_183 = arith.index_cast %scan3A_160 : i32 to index
      %swap3A_184 = arith.constant 0 : index
      %swap3A_185 = tpu.vector_load %arg11[%swap3A_183, %swap3A_184] {strides = array<i32>} : memref<128x32xf32, #tpu.memory_space<vmem>>, vector<16xf32>,
      tpu.vector_store %arg11[%swap3A_183, %swap3A_184], %div3A_182 {strides = array<i32>} : memref<128x32xf32, #tpu.memory_space<vmem>>, vector<16xf32>,
      %neg3A_186 = arith.constant 0.000000e+00 : f32
      %neg3A_187 = vector.broadcast %neg3A_186 : f32 to vector<16xf32>
      %neg3A_188 = arith.subf %neg3A_187, %add3A_172 : vector<16xf32>
      %exp3A_189 = math.exp %neg3A_188 : vector<16xf32>
      %add3A_190 = arith.constant 1.000000e+00 : f32
      %add3A_191 = vector.broadcast %add3A_190 : f32 to vector<16xf32>
      %add3A_192 = arith.addf %add3A_191, %exp3A_189 : vector<16xf32>
      %div3A_193 = arith.constant 1.000000e+00 : f32
      %div3A_194 = vector.broadcast %div3A_193 : f32 to vector<16xf32>
      %div3A_195 = arith.divf %div3A_194, %add3A_192 : vector<16xf32>
      %swap3A_196 = arith.index_cast %scan3A_160 : i32 to index
      %swap3A_197 = arith.constant 16 : index
      %swap3A_198 = tpu.vector_load %arg11[%swap3A_196, %swap3A_197] {strides = array<i32>} : memref<128x32xf32, #tpu.memory_space<vmem>>, vector<16xf32>,
      tpu.vector_store %arg11[%swap3A_196, %swap3A_197], %div3A_195 {strides = array<i32>} : memref<128x32xf32, #tpu.memory_space<vmem>>, vector<16xf32>,
    }
    %scan3A_41 = arith.constant 128 : i32
    %mul3A_42 = arith.constant 128 : i32
    %mul3A_43 = arith.muli %add3A, %mul3A_42 : i32
    "tpu.region"() ({
      %run_scoped3A = tpu.sem_alloc : memref<!tpu.dma_semaphore, #tpu.memory_space<semaphore_mem>>
      %dma_start3A_44 = arith.constant 0 : i32
      %dma_start3A_45 = tpu.memref_slice %arg5[%mul3A_43, %dma_start3A_44] : memref<4096x32xf32, #tpu.memory_space<hbm>> -> memref<128x32xf32, #tpu.memory_space<hbm>>
      %dma_start3A_46 = arith.constant 0 : i32
      %dma_start3A_47 = tpu.memref_slice %arg5[%mul3A_43, %dma_start3A_46] : memref<4096x32xf32, #tpu.memory_space<hbm>> -> memref<128x32xf32, #tpu.memory_space<hbm>>
      tpu.enqueue_dma source(%arg11 : memref<128x32xf32, #tpu.memory_space<vmem>>) target(%dma_start3A_47 : memref<128x32xf32, #tpu.memory_space<hbm>>) target_semaphore(%run_scoped3A : memref<!tpu.dma_semaphore, #tpu.memory_space<semaphore_mem>>)
      %dma_wait3A = arith.constant 0 : i32
      %dma_wait3A_48 = tpu.memref_slice %arg5[%mul3A_43, %dma_wait3A] : memref<4096x32xf32, #tpu.memory_space<hbm>> -> memref<128x32xf32, #tpu.memory_space<hbm>>
      %dma_wait3A_49 = arith.constant 0 : i32
      %dma_wait3A_50 = tpu.memref_slice %arg5[%mul3A_43, %dma_wait3A_49] : memref<4096x32xf32, #tpu.memory_space<hbm>> -> memref<128x32xf32, #tpu.memory_space<hbm>>
      tpu.wait_dma2 semaphore(%run_scoped3A : memref<!tpu.dma_semaphore, #tpu.memory_space<semaphore_mem>>) src(%arg11 : memref<128x32xf32, #tpu.memory_space<vmem>>) dst(%dma_wait3A_50 : memref<128x32xf32, #tpu.memory_space<hbm>>)
      tpu.yield
    }) : () -> ()
    return
  }
}

module attributes {stable_mosaic.version = 14 : i64} {
  func.func @_project_body(%arg0: i32, %arg1: memref<5000x128xf32, #tpu.memory_space<vmem>>, %arg2: memref<5000x128xf32, #tpu.memory_space<vmem>>, %arg3: memref<5000x128xf32, #tpu.memory_space<vmem>>, %arg4: memref<5000x128xf32, #tpu.memory_space<vmem>>, %arg5: memref<32x128xf32, #tpu.memory_space<vmem>>, %arg6: memref<5000x128xf32, #tpu.memory_space<vmem>>) attributes {dimension_semantics = [#tpu.dimension_semantics<arbitrary>], iteration_bounds = array<i64: 5>, scalar_prefetch = 0 : i64, scratch_operands = 0 : i64, tpu.core_type = #tpu.core_type<tc>, window_params = [{transform_indices = @transform_0, window_bounds = array<i64: 5000, 128>}, {transform_indices = @transform_1, window_bounds = array<i64: 5000, 128>}, {transform_indices = @transform_2, window_bounds = array<i64: 5000, 128>}, {transform_indices = @transform_3, window_bounds = array<i64: 5000, 128>}, {pipeline_mode = #tpu.pipeline_mode<synchronous>, transform_indices = @transform_4, window_bounds = array<i64: 32, 128>}, {transform_indices = @transform_5, window_bounds = array<i64: 5000, 128>}]} {
    %get3A = arith.constant 0 : index
    %get3A_0 = arith.constant 0 : index
    %get3A_1 = vector.load %arg1[%get3A, %get3A_0] : memref<5000x128xf32, #tpu.memory_space<vmem>>, vector<5000x128xf32>
    %get3A_2 = arith.constant 0 : index
    %get3A_3 = arith.constant 0 : index
    %get3A_4 = vector.load %arg5[%get3A_2, %get3A_3] : memref<32x128xf32, #tpu.memory_space<vmem>>, vector<32x128xf32>
    %dot_general3A = arith.constant dense<0.000000e+00> : vector<5000x32xf32>
    %dot_general3A_5 = tpu.matmul %get3A_1, %get3A_4, %dot_general3A {dimension_numbers = #tpu.dot_dimension_numbers<[1], [1], [0], [0], [0, 0, 1, 0], [], []>, transpose_lhs_hint = false} : vector<5000x128xf32>, vector<32x128xf32>, vector<5000x32xf32> -> vector<5000x32xf32>
    %swap3A = arith.constant 0 : index
    %swap3A_6 = arith.constant 0 : index
    %swap3A_7 = vector.load %arg6[%swap3A, %swap3A_6] : memref<5000x128xf32, #tpu.memory_space<vmem>>, vector<5000x32xf32>
    tpu.vector_store %arg6[%swap3A, %swap3A_6], %dot_general3A_5 {strides = array<i32>} : memref<5000x128xf32, #tpu.memory_space<vmem>>, vector<5000x32xf32>,
    %get3A_8 = arith.constant 0 : index
    %get3A_9 = arith.constant 0 : index
    %get3A_10 = vector.load %arg2[%get3A_8, %get3A_9] : memref<5000x128xf32, #tpu.memory_space<vmem>>, vector<5000x128xf32>
    %get3A_11 = arith.constant 0 : index
    %get3A_12 = arith.constant 0 : index
    %get3A_13 = vector.load %arg5[%get3A_11, %get3A_12] : memref<32x128xf32, #tpu.memory_space<vmem>>, vector<32x128xf32>
    %dot_general3A_14 = arith.constant dense<0.000000e+00> : vector<5000x32xf32>
    %dot_general3A_15 = tpu.matmul %get3A_10, %get3A_13, %dot_general3A_14 {dimension_numbers = #tpu.dot_dimension_numbers<[1], [1], [0], [0], [0, 0, 1, 0], [], []>, transpose_lhs_hint = false} : vector<5000x128xf32>, vector<32x128xf32>, vector<5000x32xf32> -> vector<5000x32xf32>
    %swap3A_16 = arith.constant 0 : index
    %swap3A_17 = arith.constant 32 : index
    %swap3A_18 = vector.load %arg6[%swap3A_16, %swap3A_17] : memref<5000x128xf32, #tpu.memory_space<vmem>>, vector<5000x32xf32>
    tpu.vector_store %arg6[%swap3A_16, %swap3A_17], %dot_general3A_15 {strides = array<i32>} : memref<5000x128xf32, #tpu.memory_space<vmem>>, vector<5000x32xf32>,
    %get3A_19 = arith.constant 0 : index
    %get3A_20 = arith.constant 0 : index
    %get3A_21 = vector.load %arg3[%get3A_19, %get3A_20] : memref<5000x128xf32, #tpu.memory_space<vmem>>, vector<5000x128xf32>
    %get3A_22 = arith.constant 0 : index
    %get3A_23 = arith.constant 0 : index
    %get3A_24 = vector.load %arg5[%get3A_22, %get3A_23] : memref<32x128xf32, #tpu.memory_space<vmem>>, vector<32x128xf32>
    %dot_general3A_25 = arith.constant dense<0.000000e+00> : vector<5000x32xf32>
    %dot_general3A_26 = tpu.matmul %get3A_21, %get3A_24, %dot_general3A_25 {dimension_numbers = #tpu.dot_dimension_numbers<[1], [1], [0], [0], [0, 0, 1, 0], [], []>, transpose_lhs_hint = false} : vector<5000x128xf32>, vector<32x128xf32>, vector<5000x32xf32> -> vector<5000x32xf32>
    %swap3A_27 = arith.constant 0 : index
    %swap3A_28 = arith.constant 64 : index
    %swap3A_29 = vector.load %arg6[%swap3A_27, %swap3A_28] : memref<5000x128xf32, #tpu.memory_space<vmem>>, vector<5000x32xf32>
    tpu.vector_store %arg6[%swap3A_27, %swap3A_28], %dot_general3A_26 {strides = array<i32>} : memref<5000x128xf32, #tpu.memory_space<vmem>>, vector<5000x32xf32>,
    %get3A_30 = arith.constant 0 : index
    %get3A_31 = arith.constant 0 : index
    %get3A_32 = vector.load %arg4[%get3A_30, %get3A_31] : memref<5000x128xf32, #tpu.memory_space<vmem>>, vector<5000x128xf32>
    %get3A_33 = arith.constant 0 : index
    %get3A_34 = arith.constant 0 : index
    %get3A_35 = vector.load %arg5[%get3A_33, %get3A_34] : memref<32x128xf32, #tpu.memory_space<vmem>>, vector<32x128xf32>
    %dot_general3A_36 = arith.constant dense<0.000000e+00> : vector<5000x32xf32>
    %dot_general3A_37 = tpu.matmul %get3A_32, %get3A_35, %dot_general3A_36 {dimension_numbers = #tpu.dot_dimension_numbers<[1], [1], [0], [0], [0, 0, 1, 0], [], []>, transpose_lhs_hint = false} : vector<5000x128xf32>, vector<32x128xf32>, vector<5000x32xf32> -> vector<5000x32xf32>
    %swap3A_38 = arith.constant 0 : index
    %swap3A_39 = arith.constant 96 : index
    %swap3A_40 = vector.load %arg6[%swap3A_38, %swap3A_39] : memref<5000x128xf32, #tpu.memory_space<vmem>>, vector<5000x32xf32>
    tpu.vector_store %arg6[%swap3A_38, %swap3A_39], %dot_general3A_37 {strides = array<i32>} : memref<5000x128xf32, #tpu.memory_space<vmem>>, vector<5000x32xf32>,
    return
  }
  func.func @transform_0(%arg0: i32) -> (i32, i32) {
    %add3A = arith.constant 0 : i32
    %add3A_0 = arith.addi %arg0, %add3A : i32
    %c0_i32 = arith.constant 0 : i32
    %c0_i32_1 = arith.constant 0 : i32
    return %add3A_0, %c0_i32 : i32, i32
  }
  func.func @transform_1(%arg0: i32) -> (i32, i32) {
    %add3A = arith.constant 5 : i32
    %add3A_0 = arith.addi %arg0, %add3A : i32
    %c0_i32 = arith.constant 0 : i32
    %c0_i32_1 = arith.constant 0 : i32
    return %add3A_0, %c0_i32 : i32, i32
  }
  func.func @transform_2(%arg0: i32) -> (i32, i32) {
    %add3A = arith.constant 10 : i32
    %add3A_0 = arith.addi %arg0, %add3A : i32
    %c0_i32 = arith.constant 0 : i32
    %c0_i32_1 = arith.constant 0 : i32
    return %add3A_0, %c0_i32 : i32, i32
  }
  func.func @transform_3(%arg0: i32) -> (i32, i32) {
    %add3A = arith.constant 15 : i32
    %add3A_0 = arith.addi %arg0, %add3A : i32
    %c0_i32 = arith.constant 0 : i32
    %c0_i32_1 = arith.constant 0 : i32
    return %add3A_0, %c0_i32 : i32, i32
  }
  func.func @transform_4(%arg0: i32) -> (i32, i32) {
    %c0_i32 = arith.constant 0 : i32
    %c0_i32_0 = arith.constant 0 : i32
    %c0_i32_1 = arith.constant 0 : i32
    return %c0_i32, %c0_i32_0 : i32, i32
  }
  func.func @transform_5(%arg0: i32) -> (i32, i32) {
    %c0_i32 = arith.constant 0 : i32
    %c0_i32_0 = arith.constant 0 : i32
    return %arg0, %c0_i32 : i32, i32
  }
}

</mosaic_0001>

<sc_bundles>
// kernel: kernel.4.cloned.1.call-start
scs
__scs_entry_jumppad:
0x0: {  	(pc) =	sbr.rel $0x88, $3  }
0x1: {  	(tag) =	ssettag $0x0;
	lr =	simm.s32 $0x1  }
0x2: {  	[smem:$0x3F9D] =	sst lr;
	_ =	strace $0xD0000000  }
0x3: {  	_ = 	snop  }
0x4: {  	_ = 	snop  }
0x5: {  	_ = 	snop  }
0x6: {  	_ = 	snop  }
0x7: {  	_ = 	snop  }
__scs_overlays_trampoline_lowered:
0x8: {  	[smem:$0x3FAC] =	sst s0  }
0x9: {  	[smem:$0x3FAD] =	sst s1  }
0xa: {  	[smem:$0x3FAE] =	sst s2  }
0xb: {  	[smem:$0x3FAF] =	sst s3  }
0xc: {  	[smem:$0x3FB0] =	sst s4  }
0xd: {  	[smem:$0x3FB1] =	sst s5  }
0xe: {  	[smem:$0x3FB2] =	sst s6  }
0xf: {  	[smem:$0x3FB3] =	sst s7  }
0x10: {  	[smem:$0x3FB4] =	sst s8  }
0x11: {  	[smem:$0x3FB5] =	sst s9;
	s0 =	simm.s32 @!p0 $0x0  }
0x12: {  	s1 =	sld [smem:$0x3F9B];
	s0 =	simm.s32 @p0 $0x1  }
0x13: {  	[smem:$0x3FB6] =	sst s0;
	s0 =	simm.s32 @!p1 $0x0  }
0x14: {  	s2 =	sld [smem:$0x3F9A];
	s0 =	simm.s32 @p1 $0x1  }
0x15: {  	[smem:$0x3FB7] =	sst s0;
	s0 =	simm.s32 @!p2 $0x0  }
0x16: {  	s3 =	sld [smem:$0x3FDB];
	s0 =	simm.s32 @p2 $0x1  }
0x17: {  	s4 =	simm.s32 $0x1BF5;
	[smem:$0x3FB9] =	sst s0  }
0x18: {  	s0 =	sld [smem:$0x3F9C];
	_ =	swait.ge [sflag:s4], $0x0  }
0x19: {  	s7 =	sld [smem:$0x3F9D]  }
0x1a: {  	s8 =	sadd.s32 $0xFFFFE003, lr  }
0x1b: {  	s9 =	sadd.s32 $0xFFFFFEF7, lr;
	s5 =	simm.s32 $0xFFFFFFFF;
	p2 =	slt.u32 s8, $0xFFFFF086  }
0x1c: {  	p1 =	slt.u32 s9, $0xF7A;
	s5 =	simm.s32 @!p2 $0x0  }
0x1d: {  	s5 =	simm.s32 @p1 $0x1;
	p0 =	seq.s32 s7, s2  }
0x1e: {  	s7 =	smul.u32 @!p0 $0xF7A, s2;
	p2 =	seq.s32 @!p0 s5, $0x0  }
0x1f: {  	s9 =	smul.u32 $0xF7A, s1;
	s8 =	simm.s32 @!p0 $0x1BF5;
	p2 =	por !p2, p0  }
0x20: {  	[sflag:s8] =	ssyncset.s32 @!p0 $0xFFFFF086;
	s6 =	sadd.s32 @!p0 s3, s7;
	s7 =	simm.s32 @!p0 $0x108  }
0x21: {  	s3 =	sadd.s32 s3, s9;
	s6 =	sadd.s32 @!p0 $0x88, s6;
	s7 =	simm.s32 @p2 $0x1082  }
0x22: {  	[simem:s7], [sflag:s8] =	dma.local @!p0 [hbm:s6], $0xF7A  }
0x23: {  	s9 =	sor.u32 $0xD0000000, s2;
	s6 =	simm.s32 $0x108;
	_ =	swait.ge @!p0 [sflag:s8], $0x0  }
0x24: {  	s3 =	sadd.s32 $0x88, s3;
	s6 =	simm.s32 @!p1 $0x1082;
	[sflag:s4] =	ssyncset.s32 $0xFFFFF086  }
0x25: {  	[simem:s6], [sflag:s4] =	dma.local [hbm:s3], $0xF7A  }
0x26: {  	[smem:$0x3F9D] =	sst s1;
	(tag) =	ssettag s2;
	_ =	strace s9  }
0x27: {  	s1 =	sld [smem:$0x3FAD]  }
0x28: {  	s2 =	sld [smem:$0x3FAE]  }
0x29: {  	s4 =	sld [smem:$0x3FB0]  }
0x2a: {  	p0 =	seq.s32 s5, $0x0;
	s5 =	sld [smem:$0x3FB1]  }
0x2b: {  	s6 =	sld [smem:$0x3FB2]  }
0x2c: {  	s7 =	sld [smem:$0x3FB3]  }
0x2d: {  	s3 =	simm.s32 $0x108;
	s8 =	sld [smem:$0x3FB4]  }
0x2e: {  	s3 =	simm.s32 @!p0 $0x1082;
	s9 =	sld [smem:$0x3FB5]  }
0x2f: {  	lr =	sadd.s32 s0, s3;
	s0 =	sld [smem:$0x3FAC]  }
0x30: {  	s3 =	sld [smem:$0x3FAF]  }
0x31: {  	[smem:$0x3FB8] =	sst s10  }
0x32: {  	s10 =	sld [smem:$0x3FB6];
	_ =	sdelay $0x3  }
0x33: {  	p0 =	seq.s32 s10, $0x1;
	s10 =	sld [smem:$0x3FB8];
	_ =	sdelay $0x3  }
0x34: {  	[smem:$0x3FB8] =	sst s10  }
0x35: {  	s10 =	sld [smem:$0x3FB7];
	_ =	sdelay $0x3  }
0x36: {  	p1 =	seq.s32 s10, $0x1;
	s10 =	sld [smem:$0x3FB8];
	_ =	sdelay $0x3  }
0x37: {  	[smem:$0x3FB8] =	sst s10  }
0x38: {  	s10 =	sld [smem:$0x3FB9]  }
0x39: {  	_ = 	snop;
	(pc) =	sbr.ind lr, $3  }
0x3a: {  	_ = 	snop  }
0x3b: {  	_ = 	snop  }
0x3c: {  	p2 =	seq.s32 s10, $0x1;
	s10 =	sld [smem:$0x3FB8]  }
0x3d: {  	_ =	shalt  }
0x3e: {  	_ =	shalt  }
0x3f: {  	_ =	shalt  }
0x40: {  	_ =	shalt  }
0x41: {  	_ =	shalt  }
0x42: {  	_ =	shalt  }
0x43: {  	_ =	shalt  }
0x44: {  	_ =	shalt  }
0x45: {  	_ =	shalt  }
0x46: {  	_ =	shalt  }
0x47: {  	_ =	shalt  }
0x48: {  	_ =	shalt  }
0x49: {  	_ =	shalt  }
0x4a: {  	_ =	shalt  }
0x4b: {  	_ =	shalt  }
0x4c: {  	_ =	shalt  }
0x4d: {  	_ =	shalt  }
0x4e: {  	_ =	shalt  }
0x4f: {  	_ =	shalt  }
0x50: {  	_ =	shalt  }
0x51: {  	_ =	shalt  }
0x52: {  	_ =	shalt  }
0x53: {  	_ =	shalt  }
0x54: {  	_ =	shalt  }
0x55: {  	_ =	shalt  }
0x56: {  	_ =	shalt  }
0x57: {  	_ =	shalt  }
0x58: {  	_ =	shalt  }
0x59: {  	_ =	shalt  }
0x5a: {  	_ =	shalt  }
0x5b: {  	_ =	shalt  }
0x5c: {  	_ =	shalt  }
0x5d: {  	_ =	shalt  }
0x5e: {  	_ =	shalt  }
0x5f: {  	_ =	shalt  }
0x60: {  	_ =	shalt  }
0x61: {  	_ =	shalt  }
0x62: {  	_ =	shalt  }
0x63: {  	_ =	shalt  }
0x64: {  	_ =	shalt  }
0x65: {  	_ =	shalt  }
0x66: {  	_ =	shalt  }
0x67: {  	_ =	shalt  }
0x68: {  	_ =	shalt  }
0x69: {  	_ =	shalt  }
0x6a: {  	_ =	shalt  }
0x6b: {  	_ =	shalt  }
0x6c: {  	_ =	shalt  }
0x6d: {  	_ =	shalt  }
0x6e: {  	_ =	shalt  }
0x6f: {  	_ =	shalt  }
0x70: {  	_ =	shalt  }
0x71: {  	_ =	shalt  }
0x72: {  	_ =	shalt  }
0x73: {  	_ =	shalt  }
0x74: {  	_ =	shalt  }
0x75: {  	_ =	shalt  }
0x76: {  	_ =	shalt  }
0x77: {  	_ =	shalt  }
0x78: {  	_ =	shalt  }
0x79: {  	_ =	shalt  }
0x7a: {  	_ =	shalt  }
0x7b: {  	_ =	shalt  }
0x7c: {  	_ =	shalt  }
0x7d: {  	_ =	shalt  }
0x7e: {  	_ =	shalt  }
0x7f: {  	_ =	shalt  }
0x80: {  	_ =	shalt  }
0x81: {  	_ =	shalt  }
0x82: {  	_ =	shalt  }
0x83: {  	_ =	shalt  }
0x84: {  	_ =	shalt  }
0x85: {  	_ =	shalt  }
0x86: {  	_ =	shalt  }
0x87: {  	_ =	shalt  }
.Lfunc_end0:
.L_simem_size_0:
called_computation_lowered:
.L_overlay_start_0:
0x88: {  	s2 =	sld [smem:$0x3FD9]  }
0x89: {  	s3 =	sld [smem:$0x3FFE];
	_ =	sdelay $0x1  }
0x8a: {  	s1 =	srdreg.scid  }
0x8b: {  	s0 =	sand.u32 $0x1, s1  }
0x8c: {  	s17 =	sshll.u32 s0, $0xA;
	s2 =	sadd.s32 s3, s2  }
0x8d: {  	s2 =	sadd.s32 s2, s17  }
0x8e: {  	[smem:$0x3FC4] =	sst s2  }
0x8f: {  	_ = 	snop  }
0x90: {  	s2 =	sld [smem:$0x3FC6]  }
0x91: {  	s18 =	sld [smem:$0x3FD0];
	(tm) =	ssettm $0x1  }
0x92: {  	s4 =	sld [smem:$0x3FFB];
	_ =	sdelay $0x3  }
0x93: {  	_ =	strace s4  }
0x94: {  	s4 =	sld [smem:$0x3FFC];
	_ =	sdelay $0x3  }
0x95: {  	_ =	strace s4  }
0x96: {  	s4 =	sld [smem:$0x3FFD];
	_ =	sdelay $0x3  }
0x97: {  	_ =	strace s4  }
0x98: {  	_ =	strace $0x8FFFFFFF  }
0x99: {  	s19 =	sld [smem:$0x3FDB];
	_ =	sdelay $0x1  }
0x9a: {  	s5 =	simm.s32 $_scs_section_size  }
0x9b: {  	s6 =	simm.s32 $_size__tile_overlayer_lowered;
	s7 =	simm.s32 $_tile_overlayer_lowered  }
0x9c: {  	s22 =	simm.s32 $0x1BFF;
	s21 =	sshll.u32 s7, $0x1;
	s4 =	sadd.s32 s5, s19  }
0x9d: {  	s8 =	simm.s32 $0x0;
	s20 =	sshll.u32 s6, $0x1;
	s6 =	sadd.s32 s21, s4  }
0x9e: {  	[timem:s8], [sflag:s22] =	dma.local [hbm:s6], s20  }
0x9f: {  	_ =	swait.ge [sflag:s22], s20  }
0xa0: {  	s5 =	ssub.s32 $0x0, s20;
	[sflag:s22] =	ssyncset.done $0x0  }
0xa1: {  	[sflag:s22] =	ssyncadd.s32 s5;
	_ =	sdelay $0x1  }
0xa2: {  	s23 =	simm.s32 $0x1B8B  }
0xa3: {  	_ =	swait.ge [sflag:s23], $0x1  }
0xa4: {  	[sflag:s23] =	ssyncset.done $0x0  }
0xa5: {  	s25 =	simm.s32 $0x1B8E;
	s24 =	sld [smem:$0x3FFE];
	[sflag:s23] =	ssyncadd.s32 $0xFFFFFFFF  }
0xa6: {  	s26 =	simm.s32 $execute0_lowered;
	[smem:$0x3FD2] =	sst s25  }
0xa7: {  	s6 =	sshll.u32 s26, $0x1;
	_ =	strace $0x80000046;
	[dreg:$0x1] =	wrdreg $0xFFFFFFFF  }
0xa8: {  	s28 =	simm.s32 $_size_execute0_lowered;
	s4 =	sadd.s32 s4, s6;
	[dreg:$0x0] =	wrdreg $0x0  }
0xa9: {  	s6 =	sshll.u32 s28, $0x1;
	[dreg:$0x2] =	wrdreg s4  }
0xaa: {  	[dreg:$0x3] =	wrdreg s6  }
0xab: {  	[dreg:$0x4] =	wrdreg $0xC0  }
0xac: {  	_ =	task [dreg:s8], $0x5FFFF  }
0xad: {  	[dreg:$0x1] =	wrdreg $0xFFFFFFFF  }
0xae: {  	[dreg:$0x0] =	wrdreg $0x60  }
0xaf: {  	[dreg:$0x2] =	wrdreg s24  }
0xb0: {  	[dreg:$0x3] =	wrdreg s2  }
0xb1: {  	[dreg:$0x4] =	wrdreg s18  }
0xb2: {  	[dreg:$0x5] =	wrdreg $0x9  }
0xb3: {  	_ =	task.clear_ibuf [dreg:s8], $0x6FFFF;
	_ =	strace $0x90000046  }
0xb4: {  	s29 =	simm.s32 $0x9;
	_ =	strace $0x80000048  }
0xb5: {  	_ =	swait.ge [sflag:s29], $0x1  }
0xb6: {  	[sflag:s29] =	ssyncadd.s32 $0xFFFFFFFF  }
0xb7: {  	_ =	strace $0x90000048  }
0xb8: {  	_ =	sfence  }
0xb9: {  	s30 =	sld [smem:$0x0];
	_ =	sdelay $0x2  }
0xba: {  	s31 =	sshll.u32 s1, $0xD;
	s1 =	sshrl.u32 s1, $0x2  }
0xbb: {  	s3 =	sand.u32 $0x4000, s31;
	s1 =	sadd.s32 s1, s30  }
0xbc: {  	s0 =	sor.u32 s3, s0;
	s1 =	sshll.u32 s1, $0x11  }
0xbd: {  	s0 =	sor.u32 s1, s0  }
0xbe: {  	s0 =	sadd.s32 $0x8F2B, s0  }
0xbf: {  	[sflag:s0] =	ssyncadd.remote.s32 $0x1  }
0xc0: {  	_ =	sfence.sel $0xFFFF  }
0xc1: {  	[dreg:$0x0] =	wrdreg $0xFFFFFFFF;
	(pc) =	sbr.abs _section_cstart, $3  }
0xc2: {  	[dreg:$0x1] =	wrdreg $0xFFFFFFFF  }
0xc3: {  	_ =	task.clear_ibuf [dreg:s8], $0x2FFFF;
	_ =	strace $0x9FFFFFFF  }
0xc4: {  	(tm) =	ssettm $0x7FFFFFFF  }
0xc5: {  	_ =	shalt  }
tec
execute0_lowered:
.L_overlay_start_1:
0x0: {  	(tag) =	ssettag $0x1  }
0x1: {  	s4 =	rddreg [dreg:$0x0];
	s1 =	srdreg.scid  }
0x2: {  	s0 =	stileid.u32;
	s2 =	rddreg [dreg:$0x1]  }
0x3: {  	s6 =	rddreg [dreg:$0x2];
	s3 =	simm.s32 $0x0;
	s10 =	simm.s32 $0x280  }
0x4: {  	s11 =	simm.s32 $0x6400;
	s12 =	simm.s32 $0xB400;
	s13 =	simm.s32 $0x500  }
0x5: {  	s14 =	simm.s32 $0x10400;
	s15 =	simm.s32 $0x780;
	s16 =	simm.s32 $0x15400  }
0x6: {  	s17 =	simm.s32 $0x1;
	s18 =	simm.s32 $0x2;
	s19 =	simm.s32 $0x3  }
0x7: {  	s20 =	simm.s32 $0x4;
	s21 =	simm.s32 $0x1A400;
	s22 =	simm.s32 $0x0  }
0x8: {  	s5 =	sand.u32 $0x1, s1;
	s31 =	sshll.u32 s0, $0x1;
	s1 =	rddreg [dreg:$0x3]  }
0x9: {  	[smem:$0x7FF] =	sst s3;
	s7 =	sor.u32 s5, s31;
	s5 =	ssub.s32 $0x2, s5  }
0xa: {  	s8 =	smul.u32 $0xC80, s7;
	s9 =	sshrl.u32 s5, $0x1;
	s7 =	sshll.u32 s7, $0x9  }
0xb: {  	_ =	strace $0x80000047;
	s9 =	ssub.s32 s5, s9;
	s6 =	sadd.s32 s6, s7  }
0xc: {  	s8 =	sadd.s32 s8, s4;
	s4 =	sadd.s32 $0x19800, s4;
	s7 =	smax.u32 s9, $0x1  }
0xd: {  	v0 =	vimm.f32 $0.0e+00;
	s9 =	simm.s32 $0x1B400;
	s5 =	sadd.s32 $0x800, s8;
	s8 =	simm.s32 $0x5  }
.LBB2_1:
0xe: {  	[tilespmem:s3], [sflag:$0x5] =	stream.linear.gather [hbm4b:s5+s3], $0x6400, $0x38;
	[tilespmem:$0x1B420] =	vst v63  }
0xf: {  	_ =	swait.ge [sflag:s8], $0x6400  }
0x10: {  	[sflag:s8] =	ssyncset.done $0x0  }
0x11: {  	[sflag:s8] =	ssyncadd.s32 $0xFFFF9C00  }
0x12: {  	[tilespmem:s9], [sflag:$0x5] =	stream.linear.gather [hbm4b:s2+s3], $0x20, $0x38;
	[tilespmem:$0x1B420] =	vst v63  }
0x13: {  	_ =	swait.ge [sflag:s8], $0x20  }
0x14: {  	[sflag:s8] =	ssyncset.done $0x0  }
0x15: {  	s23 =	simm.s32 $0x1A480;
	[sflag:s8] =	ssyncadd.s32 $0xFFFFFFE0  }
0x16: {  	[tilespmem:s23+$0xFFFFFF80] =	vst v0  }
0x17: {  	[tilespmem:s23+$0x70] =	vst v0  }
0x18: {  	[tilespmem:s23+$0x60] =	vst v0  }
0x19: {  	[tilespmem:s23+$0x50] =	vst v0  }
0x1a: {  	[tilespmem:s23+$0x40] =	vst v0  }
0x1b: {  	[tilespmem:s23+$0x30] =	vst v0  }
0x1c: {  	[tilespmem:s23+$0x20] =	vst v0  }
0x1d: {  	[tilespmem:s23+$0x10] =	vst v0  }
0x1e: {  	[tilespmem:s23+$0x0] =	vst v0  }
0x1f: {  	[tilespmem:s23+$0xFFFFFFF0] =	vst v0  }
0x20: {  	[tilespmem:s23+$0xFFFFFFE0] =	vst v0  }
0x21: {  	[tilespmem:s23+$0xFFFFFFD0] =	vst v0  }
0x22: {  	[tilespmem:s23+$0xFFFFFFC0] =	vst v0  }
0x23: {  	[tilespmem:s23+$0xFFFFFFB0] =	vst v0  }
0x24: {  	s24 =	simm.s32 $0x0;
	[tilespmem:s23+$0xFFFFFFA0] =	vst v0  }
.LBB2_2:
0x25: {  	s24 =	sadd.s32 $0x8, s24;
	[tilespmem:s23+$0xFFFFFF90] =	vst v0;
	s23 =	sadd.s32 $0x100, s23  }
0x26: {  	[tilespmem:s23+$0xFFFFFF80] =	vst v0;
	p0 =	slt.u32 s24, $0x78  }
0x27: {  	[tilespmem:s23+$0x70] =	vst v0  }
0x28: {  	[tilespmem:s23+$0x60] =	vst v0  }
0x29: {  	[tilespmem:s23+$0x50] =	vst v0  }
0x2a: {  	[tilespmem:s23+$0x40] =	vst v0  }
0x2b: {  	[tilespmem:s23+$0x30] =	vst v0  }
0x2c: {  	[tilespmem:s23+$0x20] =	vst v0  }
0x2d: {  	[tilespmem:s23+$0x10] =	vst v0  }
0x2e: {  	[tilespmem:s23+$0x0] =	vst v0  }
0x2f: {  	[tilespmem:s23+$0xFFFFFFF0] =	vst v0  }
.Ltmp0:
0x30: {  	[tilespmem:s23+$0xFFFFFFE0] =	vst v0;
	(pc) =	sbr.rel @p0 .LBB2_2-.Ltmp0, $4  }
0x31: {  	[tilespmem:s23+$0xFFFFFFD0] =	vst v0  }
0x32: {  	[tilespmem:s23+$0xFFFFFFC0] =	vst v0  }
0x33: {  	[tilespmem:s23+$0xFFFFFFB0] =	vst v0  }
0x34: {  	[tilespmem:s23+$0xFFFFFFA0] =	vst v0  }
0x35: {  	[tilespmem:s23+$0xFFFFFF90] =	vst v0;
	s23 =	simm.s32 $0x0  }
0x36: {  	[tilespmem:s11], [sflag:$0x1] =	stream.indirect.gather [hbm4b:s4+s10], $0x20, s23, s10, $0xb8;
	[tilespmem:$0x1B420] =	vst v63  }
0x37: {  	_ = 	snop  }
0x38: {  	[tilespmem:s12], [sflag:$0x2] =	stream.indirect.gather [hbm4b:s4+s10], $0x20, s10, s10, $0xb8;
	[tilespmem:$0x1B420] =	vst v63  }
0x39: {  	_ = 	snop  }
0x3a: {  	[tilespmem:s14], [sflag:$0x3] =	stream.indirect.gather [hbm4b:s4+s10], $0x20, s13, s10, $0xb8;
	[tilespmem:$0x1B420] =	vst v63  }
0x3b: {  	_ = 	snop  }
0x3c: {  	[tilespmem:s16], [sflag:$0x4] =	stream.indirect.gather [hbm4b:s4+s10], $0x20, s15, s10, $0xb8;
	[tilespmem:$0x1B420] =	vst v63  }
.LBB2_4:
0x3d: {  	_ =	swait.ge [sflag:s17], $0x5000  }
0x3e: {  	[sflag:s17] =	ssyncset.done $0x0  }
0x3f: {  	s25 =	simm.s32 $0x0;
	[sflag:s17] =	ssyncadd.s32 $0xFFFFB000  }
0x40: {  	v1 =	vld [tilespmem:s25+$0x64F0]  }
0x41: {  	v2 =	vld [tilespmem:s25+$0x74F0]  }
0x42: {  	v3 =	vld [tilespmem:s25+$0x6400]  }
0x43: {  	v4 =	vld [tilespmem:s25+$0x84F0]  }
0x44: {  	v5 =	vld [tilespmem:s25+$0x6410]  }
0x45: {  	v6 =	vld [tilespmem:s25+$0x94F0]  }
0x46: {  	v7 =	vld [tilespmem:s25+$0x7400]  }
0x47: {  	v8 =	vld [tilespmem:s25+$0x7410]  }
0x48: {  	v62 =	vld [tilespmem:s25+$0x6420]  }
0x49: {  	v9 =	vld [tilespmem:s25+$0x6430]  }
0x4a: {  	v63 =	vld [tilespmem:s25+$0x7420]  }
0x4b: {  	v10 =	vld [tilespmem:s25+$0x7430]  }
0x4c: {  	v11 =	vld [tilespmem:s25+$0x7440]  }
0x4d: {  	v12 =	vld [tilespmem:s25+$0x7450]  }
0x4e: {  	v13 =	vld [tilespmem:s25+$0x6460]  }
0x4f: {  	v14 =	vld [tilespmem:s25+$0x6470]  }
0x50: {  	v15 =	vld [tilespmem:s25+$0x7460]  }
0x51: {  	v16 =	vld [tilespmem:s25+$0x7470]  }
0x52: {  	v17 =	vld [tilespmem:s25+$0x6480]  }
0x53: {  	v18 =	vld [tilespmem:s25+$0x6490]  }
0x54: {  	v19 =	vld [tilespmem:s25+$0x7480]  }
0x55: {  	v20 =	vld [tilespmem:s25+$0x7490]  }
0x56: {  	v21 =	vld [tilespmem:s25+$0x64A0]  }
0x57: {  	v22 =	vld [tilespmem:s25+$0x64B0]  }
0x58: {  	v23 =	vld [tilespmem:s25+$0x74A0]  }
0x59: {  	v24 =	vld [tilespmem:s25+$0x74B0]  }
0x5a: {  	v25 =	vld [tilespmem:s25+$0x64C0]  }
0x5b: {  	v26 =	vld [tilespmem:s25+$0x64D0]  }
0x5c: {  	v27 =	vld [tilespmem:s25+$0x74C0]  }
0x5d: {  	v28 =	vld [tilespmem:s25+$0x74D0]  }
0x5e: {  	v29 =	vld [tilespmem:s25+$0x64E0]  }
0x5f: {  	v30 =	vld [tilespmem:s25+$0x74E0]  }
0x60: {  	v31 =	vld [tilespmem:s25+$0x8400]  }
0x61: {  	v32 =	vld [tilespmem:s25+$0x8410]  }
0x62: {  	v33 =	vld [tilespmem:s25+$0x8420]  }
0x63: {  	v34 =	vld [tilespmem:s25+$0x8430]  }
0x64: {  	v35 =	vld [tilespmem:s25+$0x8440]  }
0x65: {  	v36 =	vld [tilespmem:s25+$0x8450]  }
0x66: {  	v37 =	vld [tilespmem:s25+$0x8460]  }
0x67: {  	v38 =	vld [tilespmem:s25+$0x8470]  }
0x68: {  	v39 =	vld [tilespmem:s25+$0x8480]  }
0x69: {  	v40 =	vld [tilespmem:s25+$0x8490]  }
0x6a: {  	v41 =	vld [tilespmem:s25+$0x84A0]  }
0x6b: {  	v42 =	vld [tilespmem:s25+$0x84B0]  }
0x6c: {  	v43 =	vld [tilespmem:s25+$0x84C0]  }
0x6d: {  	v44 =	vld [tilespmem:s25+$0x84D0]  }
0x6e: {  	v45 =	vld [tilespmem:s25+$0x84E0]  }
0x6f: {  	v46 =	vld [tilespmem:s25+$0x9400]  }
0x70: {  	v47 =	vld [tilespmem:s25+$0x9410]  }
0x71: {  	v48 =	vld [tilespmem:s25+$0x9420]  }
0x72: {  	v49 =	vld [tilespmem:s25+$0x9430]  }
0x73: {  	v50 =	vld [tilespmem:s25+$0x9440]  }
0x74: {  	v51 =	vld [tilespmem:s25+$0x9450]  }
0x75: {  	v52 =	vld [tilespmem:s25+$0x9460]  }
0x76: {  	v53 =	vld [tilespmem:s25+$0x9470]  }
0x77: {  	v54 =	vld [tilespmem:s25+$0x9480]  }
0x78: {  	v55 =	vld [tilespmem:s25+$0x9490]  }
0x79: {  	v56 =	vld [tilespmem:s25+$0x94A0]  }
0x7a: {  	v57 =	vld [tilespmem:s25+$0x94B0]  }
0x7b: {  	v61 =	vld [tilespmem:s25+$0xA430]  }
0x7c: {  	v1 =	vadd.f32 v2, v1;
	v2 =	vld [tilespmem:s25+$0xA4F0]  }
0x7d: {  	v3 =	vadd.f32 v7, v3;
	v7 =	vld [tilespmem:s25+$0x94C0]  }
0x7e: {  	v5 =	vadd.f32 v8, v5;
	v8 =	vld [tilespmem:s25+$0x94D0];
	v1 =	vadd.f32 v4, v1  }
0x7f: {  	v58 =	vadd.f32 v24, v22;
	v4 =	vadd.f32 v63, v62;
	v63 =	vld [tilespmem:s25+$0xA440]  }
0x80: {  	v1 =	vadd.f32 v6, v1;
	v6 =	vadd.f32 v10, v9;
	v9 =	vld [tilespmem:s25+$0x94E0]  }
0x81: {  	v59 =	vadd.f32 v27, v25;
	v10 =	vadd.f32 v15, v13;
	v15 =	vld [tilespmem:s25+$0xA410]  }
0x82: {  	v3 =	vadd.f32 v31, v3;
	v4 =	vadd.f32 v33, v4;
	v33 =	vld [tilespmem:s25+$0xA450]  }
0x83: {  	v13 =	vadd.f32 v19, v17;
	v19 =	vadd.f32 v43, v59;
	v43 =	vld [tilespmem:s25+$0xA4A0]  }
0x84: {  	v5 =	vadd.f32 v32, v5;
	v3 =	vadd.f32 v46, v3;
	v46 =	vld [tilespmem:s25+$0xA4B0]  }
0x85: {  	v62 =	vadd.f32 v30, v29;
	v1 =	vadd.f32 v2, v1;
	v2 =	vld [tilespmem:s25+$0x6440]  }
0x86: {  	v60 =	vadd.f32 v28, v26;
	v5 =	vadd.f32 v47, v5;
	v47 =	vld [tilespmem:s25+$0xA4C0]  }
0x87: {  	v17 =	vadd.f32 v42, v58;
	v22 =	vadd.f32 v45, v62;
	[tilespmem:s25+$0x1A4F0] =	vst.add.f32.msk $0xffff, v1  }
0x88: {  	v6 =	vadd.f32 v34, v6;
	v10 =	vadd.f32 v37, v10;
	v1 =	vld [tilespmem:s25+$0x6450]  }
0x89: {  	v58 =	vld [tilespmem:s25+$0xA4D0];
	v13 =	vadd.f32 v39, v13;
	v4 =	vadd.f32 v48, v4  }
0x8a: {  	v59 =	vld [tilespmem:s25+$0xA4E0];
	v62 =	vadd.f32 v57, v17;
	v2 =	vadd.f32 v11, v2  }
0x8b: {  	v11 =	vadd.f32 v16, v14;
	v14 =	vadd.f32 v20, v18;
	v18 =	vld [tilespmem:s25+$0xA420]  }
0x8c: {  	v37 =	vld [tilespmem:s25+$0xA470];
	v6 =	vadd.f32 v49, v6;
	v5 =	vadd.f32 v15, v5  }
0x8d: {  	v1 =	vadd.f32 v12, v1;
	v12 =	vld [tilespmem:s25+$0xA400];
	v2 =	vadd.f32 v35, v2  }
0x8e: {  	v16 =	vadd.f32 v23, v21;
	v20 =	vadd.f32 v44, v60;
	v35 =	vld [tilespmem:s25+$0xA460]  }
0x8f: {  	v39 =	vld [tilespmem:s25+$0xA480];
	v60 =	vadd.f32 v52, v10;
	v2 =	vadd.f32 v50, v2  }
0x90: {  	[tilespmem:s25+$0x1A410] =	vst.add.f32.msk $0xffff, v5;
	v16 =	vadd.f32 v41, v16;
	v4 =	vadd.f32 v18, v4  }
0x91: {  	v41 =	vld [tilespmem:s25+$0xA490];
	v1 =	vadd.f32 v36, v1;
	v2 =	vadd.f32 v63, v2  }
0x92: {  	v14 =	vadd.f32 v40, v14;
	v3 =	vadd.f32 v12, v3;
	[tilespmem:s25+$0x1A420] =	vst.add.f32.msk $0xffff, v4  }
0x93: {  	v1 =	vadd.f32 v51, v1;
	v5 =	vadd.f32 v35, v60;
	[tilespmem:s25+$0x1A440] =	vst.add.f32.msk $0xffff, v2  }
0x94: {  	v11 =	vadd.f32 v38, v11;
	[tilespmem:s25+$0x1A400] =	vst.add.f32.msk $0xffff, v3;
	v3 =	vadd.f32 v61, v6  }
0x95: {  	v1 =	vadd.f32 v33, v1;
	v2 =	vadd.f32 v55, v14;
	[tilespmem:s25+$0x1A460] =	vst.add.f32.msk $0xffff, v5  }
0x96: {  	v5 =	vadd.f32 v46, v62;
	[tilespmem:s25+$0x1A430] =	vst.add.f32.msk $0xffff, v3;
	v3 =	vadd.f32 v54, v13  }
0x97: {  	[tilespmem:s25+$0x1A450] =	vst.add.f32.msk $0xffff, v1;
	v1 =	vadd.f32 v56, v16;
	v2 =	vadd.f32 v41, v2  }
0x98: {  	v61 =	vadd.f32 v53, v11;
	[tilespmem:s25+$0x1A4B0] =	vst.add.f32.msk $0xffff, v5;
	v3 =	vadd.f32 v39, v3  }
0x99: {  	v63 =	vadd.f32 v7, v19;
	v1 =	vadd.f32 v43, v1;
	[tilespmem:s25+$0x1A490] =	vst.add.f32.msk $0xffff, v2  }
0x9a: {  	v4 =	vadd.f32 v37, v61;
	[tilespmem:s25+$0x1A480] =	vst.add.f32.msk $0xffff, v3;
	v3 =	vadd.f32 v8, v20  }
0x9b: {  	v2 =	vadd.f32 v47, v63;
	[tilespmem:s25+$0x1A4A0] =	vst.add.f32.msk $0xffff, v1;
	v1 =	vadd.f32 v9, v22  }
0x9c: {  	[tilespmem:s25+$0x1A470] =	vst.add.f32.msk $0xffff, v4;
	v3 =	vadd.f32 v58, v3  }
0x9d: {  	[tilespmem:s25+$0x1A4C0] =	vst.add.f32.msk $0xffff, v2;
	v1 =	vadd.f32 v59, v1  }
0x9e: {  	s24 =	simm.s32 $0x0;
	s26 =	simm.s32 $0x400;
	[tilespmem:s25+$0x1A4D0] =	vst.add.f32.msk $0xffff, v3  }
.LBB2_5:
0x9f: {  	[tilespmem:s25+$0x1A4E0] =	vst.add.f32.msk $0xffff, v1;
	s25 =	sshra.s32 s26, $0x2  }
0xa0: {  	s24 =	sadd.s32 $0x8, s24;
	v1 =	vld [tilespmem:s25+$0x64F0]  }
0xa1: {  	p0 =	slt.u32 s24, $0x78;
	v2 =	vld [tilespmem:s25+$0x74F0]  }
0xa2: {  	v3 =	vld [tilespmem:s25+$0x6400]  }
0xa3: {  	v4 =	vld [tilespmem:s25+$0x84F0]  }
0xa4: {  	v5 =	vld [tilespmem:s25+$0x6410]  }
0xa5: {  	v6 =	vld [tilespmem:s25+$0x94F0]  }
0xa6: {  	v7 =	vld [tilespmem:s25+$0x7400];
	v1 =	vadd.f32 v2, v1  }
0xa7: {  	v2 =	vld [tilespmem:s25+$0xA4F0]  }
0xa8: {  	v8 =	vld [tilespmem:s25+$0x7410];
	v1 =	vadd.f32 v4, v1  }
0xa9: {  	v4 =	vld [tilespmem:s25+$0x6420]  }
0xaa: {  	v9 =	vld [tilespmem:s25+$0x6430];
	v1 =	vadd.f32 v6, v1  }
0xab: {  	v3 =	vadd.f32 v7, v3;
	v6 =	vld [tilespmem:s25+$0x7420]  }
0xac: {  	v7 =	vld [tilespmem:s25+$0x7430];
	v1 =	vadd.f32 v2, v1  }
0xad: {  	v2 =	vadd.f32 v8, v5;
	v5 =	vld [tilespmem:s25+$0x6440]  }
0xae: {  	[tilespmem:s25+$0x1A4F0] =	vst.add.f32.msk $0xffff, v1  }
0xaf: {  	v1 =	vld [tilespmem:s25+$0x6450]  }
0xb0: {  	v4 =	vadd.f32 v6, v4;
	v6 =	vld [tilespmem:s25+$0x7440]  }
0xb1: {  	v7 =	vadd.f32 v7, v9;
	v8 =	vld [tilespmem:s25+$0x7450]  }
0xb2: {  	v9 =	vld [tilespmem:s25+$0x6460]  }
0xb3: {  	v10 =	vld [tilespmem:s25+$0x6470]  }
0xb4: {  	v11 =	vld [tilespmem:s25+$0x7460]  }
0xb5: {  	v5 =	vadd.f32 v6, v5;
	v6 =	vld [tilespmem:s25+$0x7470]  }
0xb6: {  	v1 =	vadd.f32 v8, v1;
	v8 =	vld [tilespmem:s25+$0x6480]  }
0xb7: {  	v12 =	vld [tilespmem:s25+$0x6490]  }
0xb8: {  	v13 =	vld [tilespmem:s25+$0x7480]  }
0xb9: {  	v9 =	vadd.f32 v11, v9;
	v11 =	vld [tilespmem:s25+$0x7490]  }
0xba: {  	v6 =	vadd.f32 v6, v10;
	v10 =	vld [tilespmem:s25+$0x64A0]  }
0xbb: {  	v14 =	vld [tilespmem:s25+$0x64B0]  }
0xbc: {  	v15 =	vld [tilespmem:s25+$0x74A0]  }
0xbd: {  	v8 =	vadd.f32 v13, v8;
	v13 =	vld [tilespmem:s25+$0x74B0]  }
0xbe: {  	v11 =	vadd.f32 v11, v12;
	v12 =	vld [tilespmem:s25+$0x64C0]  }
0xbf: {  	v16 =	vld [tilespmem:s25+$0x64D0]  }
0xc0: {  	v17 =	vld [tilespmem:s25+$0x74C0]  }
0xc1: {  	v10 =	vadd.f32 v15, v10;
	v15 =	vld [tilespmem:s25+$0x74D0]  }
0xc2: {  	v13 =	vadd.f32 v13, v14;
	v14 =	vld [tilespmem:s25+$0x64E0]  }
0xc3: {  	v18 =	vld [tilespmem:s25+$0x74E0]  }
0xc4: {  	v19 =	vld [tilespmem:s25+$0x8400]  }
0xc5: {  	v20 =	vld [tilespmem:s25+$0x8410];
	v12 =	vadd.f32 v17, v12  }
0xc6: {  	v17 =	vld [tilespmem:s25+$0x8420];
	v15 =	vadd.f32 v15, v16  }
0xc7: {  	v16 =	vld [tilespmem:s25+$0x8430]  }
0xc8: {  	v21 =	vld [tilespmem:s25+$0x8440];
	v14 =	vadd.f32 v18, v14  }
0xc9: {  	v3 =	vadd.f32 v19, v3;
	v18 =	vld [tilespmem:s25+$0x8450]  }
0xca: {  	v2 =	vadd.f32 v20, v2;
	v19 =	vld [tilespmem:s25+$0x8460]  }
0xcb: {  	v4 =	vadd.f32 v17, v4;
	v17 =	vld [tilespmem:s25+$0x8470]  }
0xcc: {  	v7 =	vadd.f32 v16, v7;
	v16 =	vld [tilespmem:s25+$0x8480]  }
0xcd: {  	v5 =	vadd.f32 v21, v5;
	v20 =	vld [tilespmem:s25+$0x8490]  }
0xce: {  	v1 =	vadd.f32 v18, v1;
	v18 =	vld [tilespmem:s25+$0x84A0]  }
0xcf: {  	v9 =	vadd.f32 v19, v9;
	v19 =	vld [tilespmem:s25+$0x84B0]  }
0xd0: {  	v6 =	vadd.f32 v17, v6;
	v17 =	vld [tilespmem:s25+$0x84C0]  }
0xd1: {  	v8 =	vadd.f32 v16, v8;
	v16 =	vld [tilespmem:s25+$0x84D0]  }
0xd2: {  	v11 =	vadd.f32 v20, v11;
	v20 =	vld [tilespmem:s25+$0x84E0]  }
0xd3: {  	v21 =	vld [tilespmem:s25+$0x9400];
	v10 =	vadd.f32 v18, v10  }
0xd4: {  	v18 =	vld [tilespmem:s25+$0x9410];
	v13 =	vadd.f32 v19, v13  }
0xd5: {  	v19 =	vld [tilespmem:s25+$0x9420];
	v12 =	vadd.f32 v17, v12  }
0xd6: {  	v17 =	vld [tilespmem:s25+$0x9430];
	v15 =	vadd.f32 v16, v15  }
0xd7: {  	v16 =	vld [tilespmem:s25+$0x9440];
	v14 =	vadd.f32 v20, v14  }
0xd8: {  	v3 =	vadd.f32 v21, v3;
	v20 =	vld [tilespmem:s25+$0x9450]  }
0xd9: {  	v2 =	vadd.f32 v18, v2;
	v18 =	vld [tilespmem:s25+$0x9460]  }
0xda: {  	v4 =	vadd.f32 v19, v4;
	v19 =	vld [tilespmem:s25+$0x9470]  }
0xdb: {  	v7 =	vadd.f32 v17, v7;
	v17 =	vld [tilespmem:s25+$0x9480]  }
0xdc: {  	v5 =	vadd.f32 v16, v5;
	v16 =	vld [tilespmem:s25+$0x9490]  }
0xdd: {  	v1 =	vadd.f32 v20, v1;
	v20 =	vld [tilespmem:s25+$0x94A0]  }
0xde: {  	v9 =	vadd.f32 v18, v9;
	v18 =	vld [tilespmem:s25+$0x94B0]  }
0xdf: {  	v6 =	vadd.f32 v19, v6;
	v19 =	vld [tilespmem:s25+$0x94C0]  }
0xe0: {  	v8 =	vadd.f32 v17, v8;
	v17 =	vld [tilespmem:s25+$0x94D0]  }
0xe1: {  	v11 =	vadd.f32 v16, v11;
	v16 =	vld [tilespmem:s25+$0x94E0]  }
0xe2: {  	v21 =	vld [tilespmem:s25+$0xA400];
	v10 =	vadd.f32 v20, v10  }
0xe3: {  	v20 =	vld [tilespmem:s25+$0xA410];
	v13 =	vadd.f32 v18, v13  }
0xe4: {  	v18 =	vld [tilespmem:s25+$0xA420];
	v12 =	vadd.f32 v19, v12  }
0xe5: {  	v19 =	vld [tilespmem:s25+$0xA430];
	v15 =	vadd.f32 v17, v15  }
0xe6: {  	v17 =	vld [tilespmem:s25+$0xA440];
	v14 =	vadd.f32 v16, v14  }
0xe7: {  	v3 =	vadd.f32 v21, v3;
	v16 =	vld [tilespmem:s25+$0xA450]  }
0xe8: {  	v2 =	vadd.f32 v20, v2;
	v20 =	vld [tilespmem:s25+$0xA460]  }
0xe9: {  	v4 =	vadd.f32 v18, v4;
	v18 =	vld [tilespmem:s25+$0xA470]  }
0xea: {  	v7 =	vadd.f32 v19, v7;
	v19 =	vld [tilespmem:s25+$0xA480]  }
0xeb: {  	v5 =	vadd.f32 v17, v5;
	v17 =	vld [tilespmem:s25+$0xA490]  }
0xec: {  	v16 =	vadd.f32 v16, v1;
	v1 =	vld [tilespmem:s25+$0xA4A0]  }
0xed: {  	v9 =	vadd.f32 v20, v9;
	v20 =	vld [tilespmem:s25+$0xA4B0]  }
0xee: {  	v6 =	vadd.f32 v18, v6;
	v18 =	vld [tilespmem:s25+$0xA4C0]  }
0xef: {  	v8 =	vadd.f32 v19, v8;
	v19 =	vld [tilespmem:s25+$0xA4D0]  }
0xf0: {  	v11 =	vadd.f32 v17, v11;
	v17 =	vld [tilespmem:s25+$0xA4E0]  }
0xf1: {  	[tilespmem:s25+$0x1A400] =	vst.add.f32.msk $0xffff, v3;
	v3 =	vadd.f32 v1, v10  }
0xf2: {  	[tilespmem:s25+$0x1A410] =	vst.add.f32.msk $0xffff, v2;
	v2 =	vadd.f32 v20, v13  }
0xf3: {  	[tilespmem:s25+$0x1A420] =	vst.add.f32.msk $0xffff, v4;
	v4 =	vadd.f32 v18, v12  }
0xf4: {  	[tilespmem:s25+$0x1A430] =	vst.add.f32.msk $0xffff, v7;
	v7 =	vadd.f32 v19, v15  }
0xf5: {  	[tilespmem:s25+$0x1A440] =	vst.add.f32.msk $0xffff, v5;
	v1 =	vadd.f32 v17, v14  }
0xf6: {  	[tilespmem:s25+$0x1A450] =	vst.add.f32.msk $0xffff, v16  }
0xf7: {  	[tilespmem:s25+$0x1A460] =	vst.add.f32.msk $0xffff, v9  }
0xf8: {  	[tilespmem:s25+$0x1A470] =	vst.add.f32.msk $0xffff, v6  }
0xf9: {  	[tilespmem:s25+$0x1A480] =	vst.add.f32.msk $0xffff, v8  }
.Ltmp1:
0xfa: {  	[tilespmem:s25+$0x1A490] =	vst.add.f32.msk $0xffff, v11;
	(pc) =	sbr.rel @p0 .LBB2_5-.Ltmp1, $4  }
0xfb: {  	[tilespmem:s25+$0x1A4A0] =	vst.add.f32.msk $0xffff, v3  }
0xfc: {  	[tilespmem:s25+$0x1A4B0] =	vst.add.f32.msk $0xffff, v2  }
0xfd: {  	[tilespmem:s25+$0x1A4C0] =	vst.add.f32.msk $0xffff, v4  }
0xfe: {  	s26 =	sadd.s32 $0x400, s26;
	[tilespmem:s25+$0x1A4D0] =	vst.add.f32.msk $0xffff, v7  }
0xff: {  	p0 =	seq.s32 s23, $0x9  }
0x100: {  	s24 =	smul.u32 @!p0 $0x2800, s23;
	_ =	sdelay $0x1  }
0x101: {  	s24 =	sshra.s32 @!p0 s24, $0x2  }
0x102: {  	[tilespmem:s25+$0x1A4E0] =	vst.add.f32.msk $0xffff, v1;
	s26 =	simm.s32 @!p0 $0x280;
	s28 =	simm.s32 @!p0 $0x6400;
	s25 =	sadd.s32 @!p0 $0xA00, s24  }
0x103: {  	[tilespmem:s28], [sflag:$0x1] =	stream.indirect.gather @!p0 [hbm4b:s4+s26], $0x20, s25, s26, $0xb8;
	[tilespmem:$0x1B420] =	vst v63  }
0x104: {  	_ =	swait.ge [sflag:s18], $0x5000  }
0x105: {  	[sflag:s18] =	ssyncset.done $0x0  }
0x106: {  	s25 =	simm.s32 $0x0;
	[sflag:s18] =	ssyncadd.s32 $0xFFFFB000  }
0x107: {  	v1 =	vld [tilespmem:s25+$0xB4F0]  }
0x108: {  	v2 =	vld [tilespmem:s25+$0xC4F0]  }
0x109: {  	v3 =	vld [tilespmem:s25+$0xB400]  }
0x10a: {  	v4 =	vld [tilespmem:s25+$0xD4F0]  }
0x10b: {  	v5 =	vld [tilespmem:s25+$0xB410]  }
0x10c: {  	v6 =	vld [tilespmem:s25+$0xE4F0]  }
0x10d: {  	v7 =	vld [tilespmem:s25+$0xC400]  }
0x10e: {  	v8 =	vld [tilespmem:s25+$0xC410]  }
0x10f: {  	v62 =	vld [tilespmem:s25+$0xB420]  }
0x110: {  	v9 =	vld [tilespmem:s25+$0xB430]  }
0x111: {  	v63 =	vld [tilespmem:s25+$0xC420]  }
0x112: {  	v10 =	vld [tilespmem:s25+$0xC430]  }
0x113: {  	v11 =	vld [tilespmem:s25+$0xC440]  }
0x114: {  	v12 =	vld [tilespmem:s25+$0xC450]  }
0x115: {  	v13 =	vld [tilespmem:s25+$0xB460]  }
0x116: {  	v14 =	vld [tilespmem:s25+$0xB470]  }
0x117: {  	v15 =	vld [tilespmem:s25+$0xC460]  }
0x118: {  	v16 =	vld [tilespmem:s25+$0xC470]  }
0x119: {  	v17 =	vld [tilespmem:s25+$0xB480]  }
0x11a: {  	v18 =	vld [tilespmem:s25+$0xB490]  }
0x11b: {  	v19 =	vld [tilespmem:s25+$0xC480]  }
0x11c: {  	v20 =	vld [tilespmem:s25+$0xC490]  }
0x11d: {  	v21 =	vld [tilespmem:s25+$0xB4A0]  }
0x11e: {  	v22 =	vld [tilespmem:s25+$0xB4B0]  }
0x11f: {  	v23 =	vld [tilespmem:s25+$0xC4A0]  }
0x120: {  	v24 =	vld [tilespmem:s25+$0xC4B0]  }
0x121: {  	v25 =	vld [tilespmem:s25+$0xB4C0]  }
0x122: {  	v26 =	vld [tilespmem:s25+$0xB4D0]  }
0x123: {  	v27 =	vld [tilespmem:s25+$0xC4C0]  }
0x124: {  	v28 =	vld [tilespmem:s25+$0xC4D0]  }
0x125: {  	v29 =	vld [tilespmem:s25+$0xB4E0]  }
0x126: {  	v30 =	vld [tilespmem:s25+$0xC4E0]  }
0x127: {  	v31 =	vld [tilespmem:s25+$0xD400]  }
0x128: {  	v32 =	vld [tilespmem:s25+$0xD410]  }
0x129: {  	v33 =	vld [tilespmem:s25+$0xD420]  }
0x12a: {  	v34 =	vld [tilespmem:s25+$0xD430]  }
0x12b: {  	v35 =	vld [tilespmem:s25+$0xD440]  }
0x12c: {  	v36 =	vld [tilespmem:s25+$0xD450]  }
0x12d: {  	v37 =	vld [tilespmem:s25+$0xD460]  }
0x12e: {  	v38 =	vld [tilespmem:s25+$0xD470]  }
0x12f: {  	v39 =	vld [tilespmem:s25+$0xD480]  }
0x130: {  	v40 =	vld [tilespmem:s25+$0xD490]  }
0x131: {  	v41 =	vld [tilespmem:s25+$0xD4A0]  }
0x132: {  	v42 =	vld [tilespmem:s25+$0xD4B0]  }
0x133: {  	v43 =	vld [tilespmem:s25+$0xD4C0]  }
0x134: {  	v44 =	vld [tilespmem:s25+$0xD4D0]  }
0x135: {  	v45 =	vld [tilespmem:s25+$0xD4E0]  }
0x136: {  	v46 =	vld [tilespmem:s25+$0xE400]  }
0x137: {  	v47 =	vld [tilespmem:s25+$0xE410]  }
0x138: {  	v48 =	vld [tilespmem:s25+$0xE420]  }
0x139: {  	v49 =	vld [tilespmem:s25+$0xE430]  }
0x13a: {  	v50 =	vld [tilespmem:s25+$0xE440]  }
0x13b: {  	v51 =	vld [tilespmem:s25+$0xE450]  }
0x13c: {  	v52 =	vld [tilespmem:s25+$0xE460]  }
0x13d: {  	v53 =	vld [tilespmem:s25+$0xE470]  }
0x13e: {  	v54 =	vld [tilespmem:s25+$0xE480]  }
0x13f: {  	v55 =	vld [tilespmem:s25+$0xE490]  }
0x140: {  	v56 =	vld [tilespmem:s25+$0xE4A0]  }
0x141: {  	v57 =	vld [tilespmem:s25+$0xE4B0]  }
0x142: {  	v61 =	vld [tilespmem:s25+$0xF430]  }
0x143: {  	v1 =	vadd.f32 v2, v1;
	v2 =	vld [tilespmem:s25+$0xF4F0]  }
0x144: {  	v3 =	vadd.f32 v7, v3;
	v7 =	vld [tilespmem:s25+$0xE4C0]  }
0x145: {  	v5 =	vadd.f32 v8, v5;
	v8 =	vld [tilespmem:s25+$0xE4D0];
	v1 =	vadd.f32 v4, v1  }
0x146: {  	v58 =	vadd.f32 v24, v22;
	v4 =	vadd.f32 v63, v62;
	v63 =	vld [tilespmem:s25+$0xF440]  }
0x147: {  	v1 =	vadd.f32 v6, v1;
	v6 =	vadd.f32 v10, v9;
	v9 =	vld [tilespmem:s25+$0xE4E0]  }
0x148: {  	v59 =	vadd.f32 v27, v25;
	v10 =	vadd.f32 v15, v13;
	v15 =	vld [tilespmem:s25+$0xF410]  }
0x149: {  	v3 =	vadd.f32 v31, v3;
	v4 =	vadd.f32 v33, v4;
	v33 =	vld [tilespmem:s25+$0xF450]  }
0x14a: {  	v13 =	vadd.f32 v19, v17;
	v19 =	vadd.f32 v43, v59;
	v43 =	vld [tilespmem:s25+$0xF4A0]  }
0x14b: {  	v5 =	vadd.f32 v32, v5;
	v3 =	vadd.f32 v46, v3;
	v46 =	vld [tilespmem:s25+$0xF4B0]  }
0x14c: {  	v62 =	vadd.f32 v30, v29;
	v1 =	vadd.f32 v2, v1;
	v2 =	vld [tilespmem:s25+$0xB440]  }
0x14d: {  	v60 =	vadd.f32 v28, v26;
	v5 =	vadd.f32 v47, v5;
	v47 =	vld [tilespmem:s25+$0xF4C0]  }
0x14e: {  	v17 =	vadd.f32 v42, v58;
	v22 =	vadd.f32 v45, v62;
	[tilespmem:s25+$0x1A4F0] =	vst.add.f32.msk $0xffff, v1  }
0x14f: {  	v6 =	vadd.f32 v34, v6;
	v10 =	vadd.f32 v37, v10;
	v1 =	vld [tilespmem:s25+$0xB450]  }
0x150: {  	v58 =	vld [tilespmem:s25+$0xF4D0];
	v13 =	vadd.f32 v39, v13;
	v4 =	vadd.f32 v48, v4  }
0x151: {  	v59 =	vld [tilespmem:s25+$0xF4E0];
	v62 =	vadd.f32 v57, v17;
	v2 =	vadd.f32 v11, v2  }
0x152: {  	v11 =	vadd.f32 v16, v14;
	v14 =	vadd.f32 v20, v18;
	v18 =	vld [tilespmem:s25+$0xF420]  }
0x153: {  	v37 =	vld [tilespmem:s25+$0xF470];
	v6 =	vadd.f32 v49, v6;
	v5 =	vadd.f32 v15, v5  }
0x154: {  	v1 =	vadd.f32 v12, v1;
	v12 =	vld [tilespmem:s25+$0xF400];
	v2 =	vadd.f32 v35, v2  }
0x155: {  	v16 =	vadd.f32 v23, v21;
	v20 =	vadd.f32 v44, v60;
	v35 =	vld [tilespmem:s25+$0xF460]  }
0x156: {  	v39 =	vld [tilespmem:s25+$0xF480];
	v60 =	vadd.f32 v52, v10;
	v2 =	vadd.f32 v50, v2  }
0x157: {  	[tilespmem:s25+$0x1A410] =	vst.add.f32.msk $0xffff, v5;
	v16 =	vadd.f32 v41, v16;
	v4 =	vadd.f32 v18, v4  }
0x158: {  	v41 =	vld [tilespmem:s25+$0xF490];
	v1 =	vadd.f32 v36, v1;
	v2 =	vadd.f32 v63, v2  }
0x159: {  	v14 =	vadd.f32 v40, v14;
	v3 =	vadd.f32 v12, v3;
	[tilespmem:s25+$0x1A420] =	vst.add.f32.msk $0xffff, v4  }
0x15a: {  	v1 =	vadd.f32 v51, v1;
	v5 =	vadd.f32 v35, v60;
	[tilespmem:s25+$0x1A440] =	vst.add.f32.msk $0xffff, v2  }
0x15b: {  	v11 =	vadd.f32 v38, v11;
	[tilespmem:s25+$0x1A400] =	vst.add.f32.msk $0xffff, v3;
	v3 =	vadd.f32 v61, v6  }
0x15c: {  	v1 =	vadd.f32 v33, v1;
	v2 =	vadd.f32 v55, v14;
	[tilespmem:s25+$0x1A460] =	vst.add.f32.msk $0xffff, v5  }
0x15d: {  	v5 =	vadd.f32 v46, v62;
	[tilespmem:s25+$0x1A430] =	vst.add.f32.msk $0xffff, v3;
	v3 =	vadd.f32 v54, v13  }
0x15e: {  	[tilespmem:s25+$0x1A450] =	vst.add.f32.msk $0xffff, v1;
	v1 =	vadd.f32 v56, v16;
	v2 =	vadd.f32 v41, v2  }
0x15f: {  	v61 =	vadd.f32 v53, v11;
	[tilespmem:s25+$0x1A4B0] =	vst.add.f32.msk $0xffff, v5;
	v3 =	vadd.f32 v39, v3  }
0x160: {  	v63 =	vadd.f32 v7, v19;
	v1 =	vadd.f32 v43, v1;
	[tilespmem:s25+$0x1A490] =	vst.add.f32.msk $0xffff, v2  }
0x161: {  	v4 =	vadd.f32 v37, v61;
	[tilespmem:s25+$0x1A480] =	vst.add.f32.msk $0xffff, v3;
	v3 =	vadd.f32 v8, v20  }
0x162: {  	v2 =	vadd.f32 v47, v63;
	[tilespmem:s25+$0x1A4A0] =	vst.add.f32.msk $0xffff, v1;
	v1 =	vadd.f32 v9, v22  }
0x163: {  	[tilespmem:s25+$0x1A470] =	vst.add.f32.msk $0xffff, v4;
	v3 =	vadd.f32 v58, v3  }
0x164: {  	[tilespmem:s25+$0x1A4C0] =	vst.add.f32.msk $0xffff, v2;
	v1 =	vadd.f32 v59, v1  }
0x165: {  	s26 =	simm.s32 $0x0;
	s28 =	simm.s32 $0x400;
	[tilespmem:s25+$0x1A4D0] =	vst.add.f32.msk $0xffff, v3  }
.LBB2_7:
0x166: {  	[tilespmem:s25+$0x1A4E0] =	vst.add.f32.msk $0xffff, v1;
	s25 =	sshra.s32 s28, $0x2  }
0x167: {  	s26 =	sadd.s32 $0x8, s26;
	v1 =	vld [tilespmem:s25+$0xB4F0]  }
0x168: {  	p1 =	slt.u32 s26, $0x78;
	v2 =	vld [tilespmem:s25+$0xC4F0]  }
0x169: {  	v3 =	vld [tilespmem:s25+$0xB400]  }
0x16a: {  	v4 =	vld [tilespmem:s25+$0xD4F0]  }
0x16b: {  	v5 =	vld [tilespmem:s25+$0xB410]  }
0x16c: {  	v6 =	vld [tilespmem:s25+$0xE4F0]  }
0x16d: {  	v7 =	vld [tilespmem:s25+$0xC400];
	v1 =	vadd.f32 v2, v1  }
0x16e: {  	v2 =	vld [tilespmem:s25+$0xF4F0]  }
0x16f: {  	v8 =	vld [tilespmem:s25+$0xC410];
	v1 =	vadd.f32 v4, v1  }
0x170: {  	v4 =	vld [tilespmem:s25+$0xB420]  }
0x171: {  	v9 =	vld [tilespmem:s25+$0xB430];
	v1 =	vadd.f32 v6, v1  }
0x172: {  	v3 =	vadd.f32 v7, v3;
	v6 =	vld [tilespmem:s25+$0xC420]  }
0x173: {  	v7 =	vld [tilespmem:s25+$0xC430];
	v1 =	vadd.f32 v2, v1  }
0x174: {  	v2 =	vadd.f32 v8, v5;
	v5 =	vld [tilespmem:s25+$0xB440]  }
0x175: {  	[tilespmem:s25+$0x1A4F0] =	vst.add.f32.msk $0xffff, v1  }
0x176: {  	v1 =	vld [tilespmem:s25+$0xB450]  }
0x177: {  	v4 =	vadd.f32 v6, v4;
	v6 =	vld [tilespmem:s25+$0xC440]  }
0x178: {  	v7 =	vadd.f32 v7, v9;
	v8 =	vld [tilespmem:s25+$0xC450]  }
0x179: {  	v9 =	vld [tilespmem:s25+$0xB460]  }
0x17a: {  	v10 =	vld [tilespmem:s25+$0xB470]  }
0x17b: {  	v11 =	vld [tilespmem:s25+$0xC460]  }
0x17c: {  	v5 =	vadd.f32 v6, v5;
	v6 =	vld [tilespmem:s25+$0xC470]  }
0x17d: {  	v1 =	vadd.f32 v8, v1;
	v8 =	vld [tilespmem:s25+$0xB480]  }
0x17e: {  	v12 =	vld [tilespmem:s25+$0xB490]  }
0x17f: {  	v13 =	vld [tilespmem:s25+$0xC480]  }
0x180: {  	v9 =	vadd.f32 v11, v9;
	v11 =	vld [tilespmem:s25+$0xC490]  }
0x181: {  	v6 =	vadd.f32 v6, v10;
	v10 =	vld [tilespmem:s25+$0xB4A0]  }
0x182: {  	v14 =	vld [tilespmem:s25+$0xB4B0]  }
0x183: {  	v15 =	vld [tilespmem:s25+$0xC4A0]  }
0x184: {  	v8 =	vadd.f32 v13, v8;
	v13 =	vld [tilespmem:s25+$0xC4B0]  }
0x185: {  	v11 =	vadd.f32 v11, v12;
	v12 =	vld [tilespmem:s25+$0xB4C0]  }
0x186: {  	v16 =	vld [tilespmem:s25+$0xB4D0]  }
0x187: {  	v17 =	vld [tilespmem:s25+$0xC4C0]  }
0x188: {  	v10 =	vadd.f32 v15, v10;
	v15 =	vld [tilespmem:s25+$0xC4D0]  }
0x189: {  	v13 =	vadd.f32 v13, v14;
	v14 =	vld [tilespmem:s25+$0xB4E0]  }
0x18a: {  	v18 =	vld [tilespmem:s25+$0xC4E0]  }
0x18b: {  	v19 =	vld [tilespmem:s25+$0xD400]  }
0x18c: {  	v20 =	vld [tilespmem:s25+$0xD410];
	v12 =	vadd.f32 v17, v12  }
0x18d: {  	v17 =	vld [tilespmem:s25+$0xD420];
	v15 =	vadd.f32 v15, v16  }
0x18e: {  	v16 =	vld [tilespmem:s25+$0xD430]  }
0x18f: {  	v21 =	vld [tilespmem:s25+$0xD440];
	v14 =	vadd.f32 v18, v14  }
0x190: {  	v3 =	vadd.f32 v19, v3;
	v18 =	vld [tilespmem:s25+$0xD450]  }
0x191: {  	v2 =	vadd.f32 v20, v2;
	v19 =	vld [tilespmem:s25+$0xD460]  }
0x192: {  	v4 =	vadd.f32 v17, v4;
	v17 =	vld [tilespmem:s25+$0xD470]  }
0x193: {  	v7 =	vadd.f32 v16, v7;
	v16 =	vld [tilespmem:s25+$0xD480]  }
0x194: {  	v5 =	vadd.f32 v21, v5;
	v20 =	vld [tilespmem:s25+$0xD490]  }
0x195: {  	v1 =	vadd.f32 v18, v1;
	v18 =	vld [tilespmem:s25+$0xD4A0]  }
0x196: {  	v9 =	vadd.f32 v19, v9;
	v19 =	vld [tilespmem:s25+$0xD4B0]  }
0x197: {  	v6 =	vadd.f32 v17, v6;
	v17 =	vld [tilespmem:s25+$0xD4C0]  }
0x198: {  	v8 =	vadd.f32 v16, v8;
	v16 =	vld [tilespmem:s25+$0xD4D0]  }
0x199: {  	v11 =	vadd.f32 v20, v11;
	v20 =	vld [tilespmem:s25+$0xD4E0]  }
0x19a: {  	v21 =	vld [tilespmem:s25+$0xE400];
	v10 =	vadd.f32 v18, v10  }
0x19b: {  	v18 =	vld [tilespmem:s25+$0xE410];
	v13 =	vadd.f32 v19, v13  }
0x19c: {  	v19 =	vld [tilespmem:s25+$0xE420];
	v12 =	vadd.f32 v17, v12  }
0x19d: {  	v17 =	vld [tilespmem:s25+$0xE430];
	v15 =	vadd.f32 v16, v15  }
0x19e: {  	v16 =	vld [tilespmem:s25+$0xE440];
	v14 =	vadd.f32 v20, v14  }
0x19f: {  	v3 =	vadd.f32 v21, v3;
	v20 =	vld [tilespmem:s25+$0xE450]  }
0x1a0: {  	v2 =	vadd.f32 v18, v2;
	v18 =	vld [tilespmem:s25+$0xE460]  }
0x1a1: {  	v4 =	vadd.f32 v19, v4;
	v19 =	vld [tilespmem:s25+$0xE470]  }
0x1a2: {  	v7 =	vadd.f32 v17, v7;
	v17 =	vld [tilespmem:s25+$0xE480]  }
0x1a3: {  	v5 =	vadd.f32 v16, v5;
	v16 =	vld [tilespmem:s25+$0xE490]  }
0x1a4: {  	v1 =	vadd.f32 v20, v1;
	v20 =	vld [tilespmem:s25+$0xE4A0]  }
0x1a5: {  	v9 =	vadd.f32 v18, v9;
	v18 =	vld [tilespmem:s25+$0xE4B0]  }
0x1a6: {  	v6 =	vadd.f32 v19, v6;
	v19 =	vld [tilespmem:s25+$0xE4C0]  }
0x1a7: {  	v8 =	vadd.f32 v17, v8;
	v17 =	vld [tilespmem:s25+$0xE4D0]  }
0x1a8: {  	v11 =	vadd.f32 v16, v11;
	v16 =	vld [tilespmem:s25+$0xE4E0]  }
0x1a9: {  	v21 =	vld [tilespmem:s25+$0xF400];
	v10 =	vadd.f32 v20, v10  }
0x1aa: {  	v20 =	vld [tilespmem:s25+$0xF410];
	v13 =	vadd.f32 v18, v13  }
0x1ab: {  	v18 =	vld [tilespmem:s25+$0xF420];
	v12 =	vadd.f32 v19, v12  }
0x1ac: {  	v19 =	vld [tilespmem:s25+$0xF430];
	v15 =	vadd.f32 v17, v15  }
0x1ad: {  	v17 =	vld [tilespmem:s25+$0xF440];
	v14 =	vadd.f32 v16, v14  }
0x1ae: {  	v3 =	vadd.f32 v21, v3;
	v16 =	vld [tilespmem:s25+$0xF450]  }
0x1af: {  	v2 =	vadd.f32 v20, v2;
	v20 =	vld [tilespmem:s25+$0xF460]  }
0x1b0: {  	v4 =	vadd.f32 v18, v4;
	v18 =	vld [tilespmem:s25+$0xF470]  }
0x1b1: {  	v7 =	vadd.f32 v19, v7;
	v19 =	vld [tilespmem:s25+$0xF480]  }
0x1b2: {  	v5 =	vadd.f32 v17, v5;
	v17 =	vld [tilespmem:s25+$0xF490]  }
0x1b3: {  	v16 =	vadd.f32 v16, v1;
	v1 =	vld [tilespmem:s25+$0xF4A0]  }
0x1b4: {  	v9 =	vadd.f32 v20, v9;
	v20 =	vld [tilespmem:s25+$0xF4B0]  }
0x1b5: {  	v6 =	vadd.f32 v18, v6;
	v18 =	vld [tilespmem:s25+$0xF4C0]  }
0x1b6: {  	v8 =	vadd.f32 v19, v8;
	v19 =	vld [tilespmem:s25+$0xF4D0]  }
0x1b7: {  	v11 =	vadd.f32 v17, v11;
	v17 =	vld [tilespmem:s25+$0xF4E0]  }
0x1b8: {  	[tilespmem:s25+$0x1A400] =	vst.add.f32.msk $0xffff, v3;
	v3 =	vadd.f32 v1, v10  }
0x1b9: {  	[tilespmem:s25+$0x1A410] =	vst.add.f32.msk $0xffff, v2;
	v2 =	vadd.f32 v20, v13  }
0x1ba: {  	[tilespmem:s25+$0x1A420] =	vst.add.f32.msk $0xffff, v4;
	v4 =	vadd.f32 v18, v12  }
0x1bb: {  	[tilespmem:s25+$0x1A430] =	vst.add.f32.msk $0xffff, v7;
	v7 =	vadd.f32 v19, v15  }
0x1bc: {  	[tilespmem:s25+$0x1A440] =	vst.add.f32.msk $0xffff, v5;
	v1 =	vadd.f32 v17, v14  }
0x1bd: {  	[tilespmem:s25+$0x1A450] =	vst.add.f32.msk $0xffff, v16  }
0x1be: {  	[tilespmem:s25+$0x1A460] =	vst.add.f32.msk $0xffff, v9  }
0x1bf: {  	[tilespmem:s25+$0x1A470] =	vst.add.f32.msk $0xffff, v6  }
0x1c0: {  	[tilespmem:s25+$0x1A480] =	vst.add.f32.msk $0xffff, v8  }
.Ltmp2:
0x1c1: {  	[tilespmem:s25+$0x1A490] =	vst.add.f32.msk $0xffff, v11;
	(pc) =	sbr.rel @p1 .LBB2_7-.Ltmp2, $4  }
0x1c2: {  	[tilespmem:s25+$0x1A4A0] =	vst.add.f32.msk $0xffff, v3  }
0x1c3: {  	[tilespmem:s25+$0x1A4B0] =	vst.add.f32.msk $0xffff, v2  }
0x1c4: {  	[tilespmem:s25+$0x1A4C0] =	vst.add.f32.msk $0xffff, v4  }
0x1c5: {  	s28 =	sadd.s32 $0x400, s28;
	[tilespmem:s25+$0x1A4D0] =	vst.add.f32.msk $0xffff, v7  }
0x1c6: {  	[tilespmem:s25+$0x1A4E0] =	vst.add.f32.msk $0xffff, v1;
	s25 =	sadd.s32 @!p0 $0xC80, s24;
	s26 =	simm.s32 @!p0 $0x280;
	s28 =	simm.s32 @!p0 $0xB400  }
0x1c7: {  	[tilespmem:s28], [sflag:$0x2] =	stream.indirect.gather @!p0 [hbm4b:s4+s26], $0x20, s25, s26, $0xb8;
	[tilespmem:$0x1B420] =	vst v63  }
0x1c8: {  	_ =	swait.ge [sflag:s19], $0x5000  }
0x1c9: {  	[sflag:s19] =	ssyncset.done $0x0  }
0x1ca: {  	s25 =	simm.s32 $0x0;
	[sflag:s19] =	ssyncadd.s32 $0xFFFFB000  }
0x1cb: {  	v1 =	vld [tilespmem:s25+$0x104F0]  }
0x1cc: {  	v2 =	vld [tilespmem:s25+$0x114F0]  }
0x1cd: {  	v3 =	vld [tilespmem:s25+$0x10400]  }
0x1ce: {  	v4 =	vld [tilespmem:s25+$0x124F0]  }
0x1cf: {  	v5 =	vld [tilespmem:s25+$0x10410]  }
0x1d0: {  	v6 =	vld [tilespmem:s25+$0x134F0]  }
0x1d1: {  	v7 =	vld [tilespmem:s25+$0x11400]  }
0x1d2: {  	v8 =	vld [tilespmem:s25+$0x11410]  }
0x1d3: {  	v62 =	vld [tilespmem:s25+$0x10420]  }
0x1d4: {  	v9 =	vld [tilespmem:s25+$0x10430]  }
0x1d5: {  	v63 =	vld [tilespmem:s25+$0x11420]  }
0x1d6: {  	v10 =	vld [tilespmem:s25+$0x11430]  }
0x1d7: {  	v11 =	vld [tilespmem:s25+$0x11440]  }
0x1d8: {  	v12 =	vld [tilespmem:s25+$0x11450]  }
0x1d9: {  	v13 =	vld [tilespmem:s25+$0x10460]  }
0x1da: {  	v14 =	vld [tilespmem:s25+$0x10470]  }
0x1db: {  	v15 =	vld [tilespmem:s25+$0x11460]  }
0x1dc: {  	v16 =	vld [tilespmem:s25+$0x11470]  }
0x1dd: {  	v17 =	vld [tilespmem:s25+$0x10480]  }
0x1de: {  	v18 =	vld [tilespmem:s25+$0x10490]  }
0x1df: {  	v19 =	vld [tilespmem:s25+$0x11480]  }
0x1e0: {  	v20 =	vld [tilespmem:s25+$0x11490]  }
0x1e1: {  	v21 =	vld [tilespmem:s25+$0x104A0]  }
0x1e2: {  	v22 =	vld [tilespmem:s25+$0x104B0]  }
0x1e3: {  	v23 =	vld [tilespmem:s25+$0x114A0]  }
0x1e4: {  	v24 =	vld [tilespmem:s25+$0x114B0]  }
0x1e5: {  	v25 =	vld [tilespmem:s25+$0x104C0]  }
0x1e6: {  	v26 =	vld [tilespmem:s25+$0x104D0]  }
0x1e7: {  	v27 =	vld [tilespmem:s25+$0x114C0]  }
0x1e8: {  	v28 =	vld [tilespmem:s25+$0x114D0]  }
0x1e9: {  	v29 =	vld [tilespmem:s25+$0x104E0]  }
0x1ea: {  	v30 =	vld [tilespmem:s25+$0x114E0]  }
0x1eb: {  	v31 =	vld [tilespmem:s25+$0x12400]  }
0x1ec: {  	v32 =	vld [tilespmem:s25+$0x12410]  }
0x1ed: {  	v33 =	vld [tilespmem:s25+$0x12420]  }
0x1ee: {  	v34 =	vld [tilespmem:s25+$0x12430]  }
0x1ef: {  	v35 =	vld [tilespmem:s25+$0x12440]  }
0x1f0: {  	v36 =	vld [tilespmem:s25+$0x12450]  }
0x1f1: {  	v37 =	vld [tilespmem:s25+$0x12460]  }
0x1f2: {  	v38 =	vld [tilespmem:s25+$0x12470]  }
0x1f3: {  	v39 =	vld [tilespmem:s25+$0x12480]  }
0x1f4: {  	v40 =	vld [tilespmem:s25+$0x12490]  }
0x1f5: {  	v41 =	vld [tilespmem:s25+$0x124A0]  }
0x1f6: {  	v42 =	vld [tilespmem:s25+$0x124B0]  }
0x1f7: {  	v43 =	vld [tilespmem:s25+$0x124C0]  }
0x1f8: {  	v44 =	vld [tilespmem:s25+$0x124D0]  }
0x1f9: {  	v45 =	vld [tilespmem:s25+$0x124E0]  }
0x1fa: {  	v46 =	vld [tilespmem:s25+$0x13400]  }
0x1fb: {  	v47 =	vld [tilespmem:s25+$0x13410]  }
0x1fc: {  	v48 =	vld [tilespmem:s25+$0x13420]  }
0x1fd: {  	v49 =	vld [tilespmem:s25+$0x13430]  }
0x1fe: {  	v50 =	vld [tilespmem:s25+$0x13440]  }
0x1ff: {  	v51 =	vld [tilespmem:s25+$0x13450]  }
0x200: {  	v52 =	vld [tilespmem:s25+$0x13460]  }
0x201: {  	v53 =	vld [tilespmem:s25+$0x13470]  }
0x202: {  	v54 =	vld [tilespmem:s25+$0x13480]  }
0x203: {  	v55 =	vld [tilespmem:s25+$0x13490]  }
0x204: {  	v56 =	vld [tilespmem:s25+$0x134A0]  }
0x205: {  	v57 =	vld [tilespmem:s25+$0x134B0]  }
0x206: {  	v61 =	vld [tilespmem:s25+$0x14430]  }
0x207: {  	v1 =	vadd.f32 v2, v1;
	v2 =	vld [tilespmem:s25+$0x144F0]  }
0x208: {  	v3 =	vadd.f32 v7, v3;
	v7 =	vld [tilespmem:s25+$0x134C0]  }
0x209: {  	v5 =	vadd.f32 v8, v5;
	v8 =	vld [tilespmem:s25+$0x134D0];
	v1 =	vadd.f32 v4, v1  }
0x20a: {  	v58 =	vadd.f32 v24, v22;
	v4 =	vadd.f32 v63, v62;
	v63 =	vld [tilespmem:s25+$0x14440]  }
0x20b: {  	v1 =	vadd.f32 v6, v1;
	v6 =	vadd.f32 v10, v9;
	v9 =	vld [tilespmem:s25+$0x134E0]  }
0x20c: {  	v59 =	vadd.f32 v27, v25;
	v10 =	vadd.f32 v15, v13;
	v15 =	vld [tilespmem:s25+$0x14410]  }
0x20d: {  	v3 =	vadd.f32 v31, v3;
	v4 =	vadd.f32 v33, v4;
	v33 =	vld [tilespmem:s25+$0x14450]  }
0x20e: {  	v13 =	vadd.f32 v19, v17;
	v19 =	vadd.f32 v43, v59;
	v43 =	vld [tilespmem:s25+$0x144A0]  }
0x20f: {  	v5 =	vadd.f32 v32, v5;
	v3 =	vadd.f32 v46, v3;
	v46 =	vld [tilespmem:s25+$0x144B0]  }
0x210: {  	v62 =	vadd.f32 v30, v29;
	v1 =	vadd.f32 v2, v1;
	v2 =	vld [tilespmem:s25+$0x10440]  }
0x211: {  	v60 =	vadd.f32 v28, v26;
	v5 =	vadd.f32 v47, v5;
	v47 =	vld [tilespmem:s25+$0x144C0]  }
0x212: {  	v17 =	vadd.f32 v42, v58;
	v22 =	vadd.f32 v45, v62;
	[tilespmem:s25+$0x1A4F0] =	vst.add.f32.msk $0xffff, v1  }
0x213: {  	v6 =	vadd.f32 v34, v6;
	v10 =	vadd.f32 v37, v10;
	v1 =	vld [tilespmem:s25+$0x10450]  }
0x214: {  	v58 =	vld [tilespmem:s25+$0x144D0];
	v13 =	vadd.f32 v39, v13;
	v4 =	vadd.f32 v48, v4  }
0x215: {  	v59 =	vld [tilespmem:s25+$0x144E0];
	v62 =	vadd.f32 v57, v17;
	v2 =	vadd.f32 v11, v2  }
0x216: {  	v11 =	vadd.f32 v16, v14;
	v14 =	vadd.f32 v20, v18;
	v18 =	vld [tilespmem:s25+$0x14420]  }
0x217: {  	v37 =	vld [tilespmem:s25+$0x14470];
	v6 =	vadd.f32 v49, v6;
	v5 =	vadd.f32 v15, v5  }
0x218: {  	v1 =	vadd.f32 v12, v1;
	v12 =	vld [tilespmem:s25+$0x14400];
	v2 =	vadd.f32 v35, v2  }
0x219: {  	v16 =	vadd.f32 v23, v21;
	v20 =	vadd.f32 v44, v60;
	v35 =	vld [tilespmem:s25+$0x14460]  }
0x21a: {  	v39 =	vld [tilespmem:s25+$0x14480];
	v60 =	vadd.f32 v52, v10;
	v2 =	vadd.f32 v50, v2  }
0x21b: {  	[tilespmem:s25+$0x1A410] =	vst.add.f32.msk $0xffff, v5;
	v16 =	vadd.f32 v41, v16;
	v4 =	vadd.f32 v18, v4  }
0x21c: {  	v41 =	vld [tilespmem:s25+$0x14490];
	v1 =	vadd.f32 v36, v1;
	v2 =	vadd.f32 v63, v2  }
0x21d: {  	v14 =	vadd.f32 v40, v14;
	v3 =	vadd.f32 v12, v3;
	[tilespmem:s25+$0x1A420] =	vst.add.f32.msk $0xffff, v4  }
0x21e: {  	v1 =	vadd.f32 v51, v1;
	v5 =	vadd.f32 v35, v60;
	[tilespmem:s25+$0x1A440] =	vst.add.f32.msk $0xffff, v2  }
0x21f: {  	v11 =	vadd.f32 v38, v11;
	[tilespmem:s25+$0x1A400] =	vst.add.f32.msk $0xffff, v3;
	v3 =	vadd.f32 v61, v6  }
0x220: {  	v1 =	vadd.f32 v33, v1;
	v2 =	vadd.f32 v55, v14;
	[tilespmem:s25+$0x1A460] =	vst.add.f32.msk $0xffff, v5  }
0x221: {  	v5 =	vadd.f32 v46, v62;
	[tilespmem:s25+$0x1A430] =	vst.add.f32.msk $0xffff, v3;
	v3 =	vadd.f32 v54, v13  }
0x222: {  	[tilespmem:s25+$0x1A450] =	vst.add.f32.msk $0xffff, v1;
	v1 =	vadd.f32 v56, v16;
	v2 =	vadd.f32 v41, v2  }
0x223: {  	v61 =	vadd.f32 v53, v11;
	[tilespmem:s25+$0x1A4B0] =	vst.add.f32.msk $0xffff, v5;
	v3 =	vadd.f32 v39, v3  }
0x224: {  	v63 =	vadd.f32 v7, v19;
	v1 =	vadd.f32 v43, v1;
	[tilespmem:s25+$0x1A490] =	vst.add.f32.msk $0xffff, v2  }
0x225: {  	v4 =	vadd.f32 v37, v61;
	[tilespmem:s25+$0x1A480] =	vst.add.f32.msk $0xffff, v3;
	v3 =	vadd.f32 v8, v20  }
0x226: {  	v2 =	vadd.f32 v47, v63;
	[tilespmem:s25+$0x1A4A0] =	vst.add.f32.msk $0xffff, v1;
	v1 =	vadd.f32 v9, v22  }
0x227: {  	[tilespmem:s25+$0x1A470] =	vst.add.f32.msk $0xffff, v4;
	v3 =	vadd.f32 v58, v3  }
0x228: {  	[tilespmem:s25+$0x1A4C0] =	vst.add.f32.msk $0xffff, v2;
	v1 =	vadd.f32 v59, v1  }
0x229: {  	s26 =	simm.s32 $0x0;
	s28 =	simm.s32 $0x400;
	[tilespmem:s25+$0x1A4D0] =	vst.add.f32.msk $0xffff, v3  }
.LBB2_9:
0x22a: {  	[tilespmem:s25+$0x1A4E0] =	vst.add.f32.msk $0xffff, v1;
	s25 =	sshra.s32 s28, $0x2  }
0x22b: {  	s26 =	sadd.s32 $0x8, s26;
	v1 =	vld [tilespmem:s25+$0x104F0]  }
0x22c: {  	p1 =	slt.u32 s26, $0x78;
	v2 =	vld [tilespmem:s25+$0x114F0]  }
0x22d: {  	v3 =	vld [tilespmem:s25+$0x10400]  }
0x22e: {  	v4 =	vld [tilespmem:s25+$0x124F0]  }
0x22f: {  	v5 =	vld [tilespmem:s25+$0x10410]  }
0x230: {  	v6 =	vld [tilespmem:s25+$0x134F0]  }
0x231: {  	v7 =	vld [tilespmem:s25+$0x11400];
	v1 =	vadd.f32 v2, v1  }
0x232: {  	v2 =	vld [tilespmem:s25+$0x144F0]  }
0x233: {  	v8 =	vld [tilespmem:s25+$0x11410];
	v1 =	vadd.f32 v4, v1  }
0x234: {  	v4 =	vld [tilespmem:s25+$0x10420]  }
0x235: {  	v9 =	vld [tilespmem:s25+$0x10430];
	v1 =	vadd.f32 v6, v1  }
0x236: {  	v3 =	vadd.f32 v7, v3;
	v6 =	vld [tilespmem:s25+$0x11420]  }
0x237: {  	v7 =	vld [tilespmem:s25+$0x11430];
	v1 =	vadd.f32 v2, v1  }
0x238: {  	v2 =	vadd.f32 v8, v5;
	v5 =	vld [tilespmem:s25+$0x10440]  }
0x239: {  	[tilespmem:s25+$0x1A4F0] =	vst.add.f32.msk $0xffff, v1  }
0x23a: {  	v1 =	vld [tilespmem:s25+$0x10450]  }
0x23b: {  	v4 =	vadd.f32 v6, v4;
	v6 =	vld [tilespmem:s25+$0x11440]  }
0x23c: {  	v7 =	vadd.f32 v7, v9;
	v8 =	vld [tilespmem:s25+$0x11450]  }
0x23d: {  	v9 =	vld [tilespmem:s25+$0x10460]  }
0x23e: {  	v10 =	vld [tilespmem:s25+$0x10470]  }
0x23f: {  	v11 =	vld [tilespmem:s25+$0x11460]  }
0x240: {  	v5 =	vadd.f32 v6, v5;
	v6 =	vld [tilespmem:s25+$0x11470]  }
0x241: {  	v1 =	vadd.f32 v8, v1;
	v8 =	vld [tilespmem:s25+$0x10480]  }
0x242: {  	v12 =	vld [tilespmem:s25+$0x10490]  }
0x243: {  	v13 =	vld [tilespmem:s25+$0x11480]  }
0x244: {  	v9 =	vadd.f32 v11, v9;
	v11 =	vld [tilespmem:s25+$0x11490]  }
0x245: {  	v6 =	vadd.f32 v6, v10;
	v10 =	vld [tilespmem:s25+$0x104A0]  }
0x246: {  	v14 =	vld [tilespmem:s25+$0x104B0]  }
0x247: {  	v15 =	vld [tilespmem:s25+$0x114A0]  }
0x248: {  	v8 =	vadd.f32 v13, v8;
	v13 =	vld [tilespmem:s25+$0x114B0]  }
0x249: {  	v11 =	vadd.f32 v11, v12;
	v12 =	vld [tilespmem:s25+$0x104C0]  }
0x24a: {  	v16 =	vld [tilespmem:s25+$0x104D0]  }
0x24b: {  	v17 =	vld [tilespmem:s25+$0x114C0]  }
0x24c: {  	v10 =	vadd.f32 v15, v10;
	v15 =	vld [tilespmem:s25+$0x114D0]  }
0x24d: {  	v13 =	vadd.f32 v13, v14;
	v14 =	vld [tilespmem:s25+$0x104E0]  }
0x24e: {  	v18 =	vld [tilespmem:s25+$0x114E0]  }
0x24f: {  	v19 =	vld [tilespmem:s25+$0x12400]  }
0x250: {  	v20 =	vld [tilespmem:s25+$0x12410];
	v12 =	vadd.f32 v17, v12  }
0x251: {  	v17 =	vld [tilespmem:s25+$0x12420];
	v15 =	vadd.f32 v15, v16  }
0x252: {  	v16 =	vld [tilespmem:s25+$0x12430]  }
0x253: {  	v21 =	vld [tilespmem:s25+$0x12440];
	v14 =	vadd.f32 v18, v14  }
0x254: {  	v3 =	vadd.f32 v19, v3;
	v18 =	vld [tilespmem:s25+$0x12450]  }
0x255: {  	v2 =	vadd.f32 v20, v2;
	v19 =	vld [tilespmem:s25+$0x12460]  }
0x256: {  	v4 =	vadd.f32 v17, v4;
	v17 =	vld [tilespmem:s25+$0x12470]  }
0x257: {  	v7 =	vadd.f32 v16, v7;
	v16 =	vld [tilespmem:s25+$0x12480]  }
0x258: {  	v5 =	vadd.f32 v21, v5;
	v20 =	vld [tilespmem:s25+$0x12490]  }
0x259: {  	v1 =	vadd.f32 v18, v1;
	v18 =	vld [tilespmem:s25+$0x124A0]  }
0x25a: {  	v9 =	vadd.f32 v19, v9;
	v19 =	vld [tilespmem:s25+$0x124B0]  }
0x25b: {  	v6 =	vadd.f32 v17, v6;
	v17 =	vld [tilespmem:s25+$0x124C0]  }
0x25c: {  	v8 =	vadd.f32 v16, v8;
	v16 =	vld [tilespmem:s25+$0x124D0]  }
0x25d: {  	v11 =	vadd.f32 v20, v11;
	v20 =	vld [tilespmem:s25+$0x124E0]  }
0x25e: {  	v21 =	vld [tilespmem:s25+$0x13400];
	v10 =	vadd.f32 v18, v10  }
0x25f: {  	v18 =	vld [tilespmem:s25+$0x13410];
	v13 =	vadd.f32 v19, v13  }
0x260: {  	v19 =	vld [tilespmem:s25+$0x13420];
	v12 =	vadd.f32 v17, v12  }
0x261: {  	v17 =	vld [tilespmem:s25+$0x13430];
	v15 =	vadd.f32 v16, v15  }
0x262: {  	v16 =	vld [tilespmem:s25+$0x13440];
	v14 =	vadd.f32 v20, v14  }
0x263: {  	v3 =	vadd.f32 v21, v3;
	v20 =	vld [tilespmem:s25+$0x13450]  }
0x264: {  	v2 =	vadd.f32 v18, v2;
	v18 =	vld [tilespmem:s25+$0x13460]  }
0x265: {  	v4 =	vadd.f32 v19, v4;
	v19 =	vld [tilespmem:s25+$0x13470]  }
0x266: {  	v7 =	vadd.f32 v17, v7;
	v17 =	vld [tilespmem:s25+$0x13480]  }
0x267: {  	v5 =	vadd.f32 v16, v5;
	v16 =	vld [tilespmem:s25+$0x13490]  }
0x268: {  	v1 =	vadd.f32 v20, v1;
	v20 =	vld [tilespmem:s25+$0x134A0]  }
0x269: {  	v9 =	vadd.f32 v18, v9;
	v18 =	vld [tilespmem:s25+$0x134B0]  }
0x26a: {  	v6 =	vadd.f32 v19, v6;
	v19 =	vld [tilespmem:s25+$0x134C0]  }
0x26b: {  	v8 =	vadd.f32 v17, v8;
	v17 =	vld [tilespmem:s25+$0x134D0]  }
0x26c: {  	v11 =	vadd.f32 v16, v11;
	v16 =	vld [tilespmem:s25+$0x134E0]  }
0x26d: {  	v21 =	vld [tilespmem:s25+$0x14400];
	v10 =	vadd.f32 v20, v10  }
0x26e: {  	v20 =	vld [tilespmem:s25+$0x14410];
	v13 =	vadd.f32 v18, v13  }
0x26f: {  	v18 =	vld [tilespmem:s25+$0x14420];
	v12 =	vadd.f32 v19, v12  }
0x270: {  	v19 =	vld [tilespmem:s25+$0x14430];
	v15 =	vadd.f32 v17, v15  }
0x271: {  	v17 =	vld [tilespmem:s25+$0x14440];
	v14 =	vadd.f32 v16, v14  }
0x272: {  	v3 =	vadd.f32 v21, v3;
	v16 =	vld [tilespmem:s25+$0x14450]  }
0x273: {  	v2 =	vadd.f32 v20, v2;
	v20 =	vld [tilespmem:s25+$0x14460]  }
0x274: {  	v4 =	vadd.f32 v18, v4;
	v18 =	vld [tilespmem:s25+$0x14470]  }
0x275: {  	v7 =	vadd.f32 v19, v7;
	v19 =	vld [tilespmem:s25+$0x14480]  }
0x276: {  	v5 =	vadd.f32 v17, v5;
	v17 =	vld [tilespmem:s25+$0x14490]  }
0x277: {  	v16 =	vadd.f32 v16, v1;
	v1 =	vld [tilespmem:s25+$0x144A0]  }
0x278: {  	v9 =	vadd.f32 v20, v9;
	v20 =	vld [tilespmem:s25+$0x144B0]  }
0x279: {  	v6 =	vadd.f32 v18, v6;
	v18 =	vld [tilespmem:s25+$0x144C0]  }
0x27a: {  	v8 =	vadd.f32 v19, v8;
	v19 =	vld [tilespmem:s25+$0x144D0]  }
0x27b: {  	v11 =	vadd.f32 v17, v11;
	v17 =	vld [tilespmem:s25+$0x144E0]  }
0x27c: {  	[tilespmem:s25+$0x1A400] =	vst.add.f32.msk $0xffff, v3;
	v3 =	vadd.f32 v1, v10  }
0x27d: {  	[tilespmem:s25+$0x1A410] =	vst.add.f32.msk $0xffff, v2;
	v2 =	vadd.f32 v20, v13  }
0x27e: {  	[tilespmem:s25+$0x1A420] =	vst.add.f32.msk $0xffff, v4;
	v4 =	vadd.f32 v18, v12  }
0x27f: {  	[tilespmem:s25+$0x1A430] =	vst.add.f32.msk $0xffff, v7;
	v7 =	vadd.f32 v19, v15  }
0x280: {  	[tilespmem:s25+$0x1A440] =	vst.add.f32.msk $0xffff, v5;
	v1 =	vadd.f32 v17, v14  }
0x281: {  	[tilespmem:s25+$0x1A450] =	vst.add.f32.msk $0xffff, v16  }
0x282: {  	[tilespmem:s25+$0x1A460] =	vst.add.f32.msk $0xffff, v9  }
0x283: {  	[tilespmem:s25+$0x1A470] =	vst.add.f32.msk $0xffff, v6  }
0x284: {  	[tilespmem:s25+$0x1A480] =	vst.add.f32.msk $0xffff, v8  }
.Ltmp3:
0x285: {  	[tilespmem:s25+$0x1A490] =	vst.add.f32.msk $0xffff, v11;
	(pc) =	sbr.rel @p1 .LBB2_9-.Ltmp3, $4  }
0x286: {  	[tilespmem:s25+$0x1A4A0] =	vst.add.f32.msk $0xffff, v3  }
0x287: {  	[tilespmem:s25+$0x1A4B0] =	vst.add.f32.msk $0xffff, v2  }
0x288: {  	[tilespmem:s25+$0x1A4C0] =	vst.add.f32.msk $0xffff, v4  }
0x289: {  	s28 =	sadd.s32 $0x400, s28;
	[tilespmem:s25+$0x1A4D0] =	vst.add.f32.msk $0xffff, v7  }
0x28a: {  	[tilespmem:s25+$0x1A4E0] =	vst.add.f32.msk $0xffff, v1;
	s24 =	sadd.s32 @!p0 $0xF00, s24;
	s25 =	simm.s32 @!p0 $0x280;
	s26 =	simm.s32 @!p0 $0x10400  }
0x28b: {  	[tilespmem:s26], [sflag:$0x3] =	stream.indirect.gather @!p0 [hbm4b:s4+s25], $0x20, s24, s25, $0xb8;
	[tilespmem:$0x1B420] =	vst v63  }
0x28c: {  	_ =	swait.ge [sflag:s20], $0x5000  }
0x28d: {  	[sflag:s20] =	ssyncset.done $0x0  }
0x28e: {  	s24 =	simm.s32 $0x0;
	[sflag:s20] =	ssyncadd.s32 $0xFFFFB000  }
0x28f: {  	v1 =	vld [tilespmem:s24+$0x154F0]  }
0x290: {  	v2 =	vld [tilespmem:s24+$0x164F0]  }
0x291: {  	v3 =	vld [tilespmem:s24+$0x15400]  }
0x292: {  	v4 =	vld [tilespmem:s24+$0x174F0]  }
0x293: {  	v5 =	vld [tilespmem:s24+$0x15410]  }
0x294: {  	v6 =	vld [tilespmem:s24+$0x184F0]  }
0x295: {  	v7 =	vld [tilespmem:s24+$0x16400]  }
0x296: {  	v8 =	vld [tilespmem:s24+$0x16410]  }
0x297: {  	v62 =	vld [tilespmem:s24+$0x15420]  }
0x298: {  	v9 =	vld [tilespmem:s24+$0x15430]  }
0x299: {  	v63 =	vld [tilespmem:s24+$0x16420]  }
0x29a: {  	v10 =	vld [tilespmem:s24+$0x16430]  }
0x29b: {  	v11 =	vld [tilespmem:s24+$0x16440]  }
0x29c: {  	v12 =	vld [tilespmem:s24+$0x16450]  }
0x29d: {  	v13 =	vld [tilespmem:s24+$0x15460]  }
0x29e: {  	v14 =	vld [tilespmem:s24+$0x15470]  }
0x29f: {  	v15 =	vld [tilespmem:s24+$0x16460]  }
0x2a0: {  	v16 =	vld [tilespmem:s24+$0x16470]  }
0x2a1: {  	v17 =	vld [tilespmem:s24+$0x15480]  }
0x2a2: {  	v18 =	vld [tilespmem:s24+$0x15490]  }
0x2a3: {  	v19 =	vld [tilespmem:s24+$0x16480]  }
0x2a4: {  	v20 =	vld [tilespmem:s24+$0x16490]  }
0x2a5: {  	v21 =	vld [tilespmem:s24+$0x154A0]  }
0x2a6: {  	v22 =	vld [tilespmem:s24+$0x154B0]  }
0x2a7: {  	v23 =	vld [tilespmem:s24+$0x164A0]  }
0x2a8: {  	v24 =	vld [tilespmem:s24+$0x164B0]  }
0x2a9: {  	v25 =	vld [tilespmem:s24+$0x154C0]  }
0x2aa: {  	v26 =	vld [tilespmem:s24+$0x154D0]  }
0x2ab: {  	v27 =	vld [tilespmem:s24+$0x164C0]  }
0x2ac: {  	v28 =	vld [tilespmem:s24+$0x164D0]  }
0x2ad: {  	v29 =	vld [tilespmem:s24+$0x154E0]  }
0x2ae: {  	v30 =	vld [tilespmem:s24+$0x164E0]  }
0x2af: {  	v31 =	vld [tilespmem:s24+$0x17400]  }
0x2b0: {  	v32 =	vld [tilespmem:s24+$0x17410]  }
0x2b1: {  	v33 =	vld [tilespmem:s24+$0x17420]  }
0x2b2: {  	v34 =	vld [tilespmem:s24+$0x17430]  }
0x2b3: {  	v35 =	vld [tilespmem:s24+$0x17440]  }
0x2b4: {  	v36 =	vld [tilespmem:s24+$0x17450]  }
0x2b5: {  	v37 =	vld [tilespmem:s24+$0x17460]  }
0x2b6: {  	v38 =	vld [tilespmem:s24+$0x17470]  }
0x2b7: {  	v39 =	vld [tilespmem:s24+$0x17480]  }
0x2b8: {  	v40 =	vld [tilespmem:s24+$0x17490]  }
0x2b9: {  	v41 =	vld [tilespmem:s24+$0x174A0]  }
0x2ba: {  	v42 =	vld [tilespmem:s24+$0x174B0]  }
0x2bb: {  	v43 =	vld [tilespmem:s24+$0x174C0]  }
0x2bc: {  	v44 =	vld [tilespmem:s24+$0x174D0]  }
0x2bd: {  	v45 =	vld [tilespmem:s24+$0x174E0]  }
0x2be: {  	v46 =	vld [tilespmem:s24+$0x18400]  }
0x2bf: {  	v47 =	vld [tilespmem:s24+$0x18410]  }
0x2c0: {  	v48 =	vld [tilespmem:s24+$0x18420]  }
0x2c1: {  	v49 =	vld [tilespmem:s24+$0x18430]  }
0x2c2: {  	v50 =	vld [tilespmem:s24+$0x18440]  }
0x2c3: {  	v51 =	vld [tilespmem:s24+$0x18450]  }
0x2c4: {  	v52 =	vld [tilespmem:s24+$0x18460]  }
0x2c5: {  	v53 =	vld [tilespmem:s24+$0x18470]  }
0x2c6: {  	v54 =	vld [tilespmem:s24+$0x18480]  }
0x2c7: {  	v55 =	vld [tilespmem:s24+$0x18490]  }
0x2c8: {  	v56 =	vld [tilespmem:s24+$0x184A0]  }
0x2c9: {  	v57 =	vld [tilespmem:s24+$0x184B0]  }
0x2ca: {  	v61 =	vld [tilespmem:s24+$0x19430]  }
0x2cb: {  	v1 =	vadd.f32 v2, v1;
	v2 =	vld [tilespmem:s24+$0x194F0]  }
0x2cc: {  	v3 =	vadd.f32 v7, v3;
	v7 =	vld [tilespmem:s24+$0x184C0]  }
0x2cd: {  	v5 =	vadd.f32 v8, v5;
	v8 =	vld [tilespmem:s24+$0x184D0];
	v1 =	vadd.f32 v4, v1  }
0x2ce: {  	v58 =	vadd.f32 v24, v22;
	v4 =	vadd.f32 v63, v62;
	v63 =	vld [tilespmem:s24+$0x19440]  }
0x2cf: {  	v1 =	vadd.f32 v6, v1;
	v6 =	vadd.f32 v10, v9;
	v9 =	vld [tilespmem:s24+$0x184E0]  }
0x2d0: {  	v59 =	vadd.f32 v27, v25;
	v10 =	vadd.f32 v15, v13;
	v15 =	vld [tilespmem:s24+$0x19410]  }
0x2d1: {  	v3 =	vadd.f32 v31, v3;
	v4 =	vadd.f32 v33, v4;
	v33 =	vld [tilespmem:s24+$0x19450]  }
0x2d2: {  	v13 =	vadd.f32 v19, v17;
	v19 =	vadd.f32 v43, v59;
	v43 =	vld [tilespmem:s24+$0x194A0]  }
0x2d3: {  	v5 =	vadd.f32 v32, v5;
	v3 =	vadd.f32 v46, v3;
	v46 =	vld [tilespmem:s24+$0x194B0]  }
0x2d4: {  	v62 =	vadd.f32 v30, v29;
	v1 =	vadd.f32 v2, v1;
	v2 =	vld [tilespmem:s24+$0x15440]  }
0x2d5: {  	v60 =	vadd.f32 v28, v26;
	v5 =	vadd.f32 v47, v5;
	v47 =	vld [tilespmem:s24+$0x194C0]  }
0x2d6: {  	v17 =	vadd.f32 v42, v58;
	v22 =	vadd.f32 v45, v62;
	[tilespmem:s24+$0x1A4F0] =	vst.add.f32.msk $0xffff, v1  }
0x2d7: {  	v6 =	vadd.f32 v34, v6;
	v10 =	vadd.f32 v37, v10;
	v1 =	vld [tilespmem:s24+$0x15450]  }
0x2d8: {  	v58 =	vld [tilespmem:s24+$0x194D0];
	v13 =	vadd.f32 v39, v13;
	v4 =	vadd.f32 v48, v4  }
0x2d9: {  	v59 =	vld [tilespmem:s24+$0x194E0];
	v62 =	vadd.f32 v57, v17;
	v2 =	vadd.f32 v11, v2  }
0x2da: {  	v11 =	vadd.f32 v16, v14;
	v14 =	vadd.f32 v20, v18;
	v18 =	vld [tilespmem:s24+$0x19420]  }
0x2db: {  	v37 =	vld [tilespmem:s24+$0x19470];
	v6 =	vadd.f32 v49, v6;
	v5 =	vadd.f32 v15, v5  }
0x2dc: {  	v1 =	vadd.f32 v12, v1;
	v12 =	vld [tilespmem:s24+$0x19400];
	v2 =	vadd.f32 v35, v2  }
0x2dd: {  	v16 =	vadd.f32 v23, v21;
	v20 =	vadd.f32 v44, v60;
	v35 =	vld [tilespmem:s24+$0x19460]  }
0x2de: {  	v39 =	vld [tilespmem:s24+$0x19480];
	v60 =	vadd.f32 v52, v10;
	v2 =	vadd.f32 v50, v2  }
0x2df: {  	[tilespmem:s24+$0x1A410] =	vst.add.f32.msk $0xffff, v5;
	v16 =	vadd.f32 v41, v16;
	v4 =	vadd.f32 v18, v4  }
0x2e0: {  	v41 =	vld [tilespmem:s24+$0x19490];
	v1 =	vadd.f32 v36, v1;
	v2 =	vadd.f32 v63, v2  }
0x2e1: {  	v14 =	vadd.f32 v40, v14;
	v3 =	vadd.f32 v12, v3;
	[tilespmem:s24+$0x1A420] =	vst.add.f32.msk $0xffff, v4  }
0x2e2: {  	v1 =	vadd.f32 v51, v1;
	v5 =	vadd.f32 v35, v60;
	[tilespmem:s24+$0x1A440] =	vst.add.f32.msk $0xffff, v2  }
0x2e3: {  	v11 =	vadd.f32 v38, v11;
	[tilespmem:s24+$0x1A400] =	vst.add.f32.msk $0xffff, v3;
	v3 =	vadd.f32 v61, v6  }
0x2e4: {  	v1 =	vadd.f32 v33, v1;
	v2 =	vadd.f32 v55, v14;
	[tilespmem:s24+$0x1A460] =	vst.add.f32.msk $0xffff, v5  }
0x2e5: {  	v5 =	vadd.f32 v46, v62;
	[tilespmem:s24+$0x1A430] =	vst.add.f32.msk $0xffff, v3;
	v3 =	vadd.f32 v54, v13  }
0x2e6: {  	[tilespmem:s24+$0x1A450] =	vst.add.f32.msk $0xffff, v1;
	v1 =	vadd.f32 v56, v16;
	v2 =	vadd.f32 v41, v2  }
0x2e7: {  	v61 =	vadd.f32 v53, v11;
	[tilespmem:s24+$0x1A4B0] =	vst.add.f32.msk $0xffff, v5;
	v3 =	vadd.f32 v39, v3  }
0x2e8: {  	v63 =	vadd.f32 v7, v19;
	v1 =	vadd.f32 v43, v1;
	[tilespmem:s24+$0x1A490] =	vst.add.f32.msk $0xffff, v2  }
0x2e9: {  	v4 =	vadd.f32 v37, v61;
	[tilespmem:s24+$0x1A480] =	vst.add.f32.msk $0xffff, v3;
	v3 =	vadd.f32 v8, v20  }
0x2ea: {  	v2 =	vadd.f32 v47, v63;
	[tilespmem:s24+$0x1A4A0] =	vst.add.f32.msk $0xffff, v1;
	v1 =	vadd.f32 v9, v22  }
0x2eb: {  	[tilespmem:s24+$0x1A470] =	vst.add.f32.msk $0xffff, v4;
	v3 =	vadd.f32 v58, v3  }
0x2ec: {  	[tilespmem:s24+$0x1A4C0] =	vst.add.f32.msk $0xffff, v2;
	v1 =	vadd.f32 v59, v1  }
0x2ed: {  	s25 =	simm.s32 $0x0;
	s26 =	simm.s32 $0x400;
	[tilespmem:s24+$0x1A4D0] =	vst.add.f32.msk $0xffff, v3  }
.LBB2_11:
0x2ee: {  	[tilespmem:s24+$0x1A4E0] =	vst.add.f32.msk $0xffff, v1;
	s24 =	sshra.s32 s26, $0x2  }
0x2ef: {  	s25 =	sadd.s32 $0x8, s25;
	v1 =	vld [tilespmem:s24+$0x154F0]  }
0x2f0: {  	p1 =	slt.u32 s25, $0x78;
	v2 =	vld [tilespmem:s24+$0x164F0]  }
0x2f1: {  	v3 =	vld [tilespmem:s24+$0x15400]  }
0x2f2: {  	v4 =	vld [tilespmem:s24+$0x174F0]  }
0x2f3: {  	v5 =	vld [tilespmem:s24+$0x15410]  }
0x2f4: {  	v6 =	vld [tilespmem:s24+$0x184F0]  }
0x2f5: {  	v7 =	vld [tilespmem:s24+$0x16400];
	v1 =	vadd.f32 v2, v1  }
0x2f6: {  	v2 =	vld [tilespmem:s24+$0x194F0]  }
0x2f7: {  	v8 =	vld [tilespmem:s24+$0x16410];
	v1 =	vadd.f32 v4, v1  }
0x2f8: {  	v4 =	vld [tilespmem:s24+$0x15420]  }
0x2f9: {  	v9 =	vld [tilespmem:s24+$0x15430];
	v1 =	vadd.f32 v6, v1  }
0x2fa: {  	v3 =	vadd.f32 v7, v3;
	v6 =	vld [tilespmem:s24+$0x16420]  }
0x2fb: {  	v7 =	vld [tilespmem:s24+$0x16430];
	v1 =	vadd.f32 v2, v1  }
0x2fc: {  	v2 =	vadd.f32 v8, v5;
	v5 =	vld [tilespmem:s24+$0x15440]  }
0x2fd: {  	[tilespmem:s24+$0x1A4F0] =	vst.add.f32.msk $0xffff, v1  }
0x2fe: {  	v1 =	vld [tilespmem:s24+$0x15450]  }
0x2ff: {  	v4 =	vadd.f32 v6, v4;
	v6 =	vld [tilespmem:s24+$0x16440]  }
0x300: {  	v7 =	vadd.f32 v7, v9;
	v8 =	vld [tilespmem:s24+$0x16450]  }
0x301: {  	v9 =	vld [tilespmem:s24+$0x15460]  }
0x302: {  	v10 =	vld [tilespmem:s24+$0x15470]  }
0x303: {  	v11 =	vld [tilespmem:s24+$0x16460]  }
0x304: {  	v5 =	vadd.f32 v6, v5;
	v6 =	vld [tilespmem:s24+$0x16470]  }
0x305: {  	v1 =	vadd.f32 v8, v1;
	v8 =	vld [tilespmem:s24+$0x15480]  }
0x306: {  	v12 =	vld [tilespmem:s24+$0x15490]  }
0x307: {  	v13 =	vld [tilespmem:s24+$0x16480]  }
0x308: {  	v9 =	vadd.f32 v11, v9;
	v11 =	vld [tilespmem:s24+$0x16490]  }
0x309: {  	v6 =	vadd.f32 v6, v10;
	v10 =	vld [tilespmem:s24+$0x154A0]  }
0x30a: {  	v14 =	vld [tilespmem:s24+$0x154B0]  }
0x30b: {  	v15 =	vld [tilespmem:s24+$0x164A0]  }
0x30c: {  	v8 =	vadd.f32 v13, v8;
	v13 =	vld [tilespmem:s24+$0x164B0]  }
0x30d: {  	v11 =	vadd.f32 v11, v12;
	v12 =	vld [tilespmem:s24+$0x154C0]  }
0x30e: {  	v16 =	vld [tilespmem:s24+$0x154D0]  }
0x30f: {  	v17 =	vld [tilespmem:s24+$0x164C0]  }
0x310: {  	v10 =	vadd.f32 v15, v10;
	v15 =	vld [tilespmem:s24+$0x164D0]  }
0x311: {  	v13 =	vadd.f32 v13, v14;
	v14 =	vld [tilespmem:s24+$0x154E0]  }
0x312: {  	v18 =	vld [tilespmem:s24+$0x164E0]  }
0x313: {  	v19 =	vld [tilespmem:s24+$0x17400]  }
0x314: {  	v20 =	vld [tilespmem:s24+$0x17410];
	v12 =	vadd.f32 v17, v12  }
0x315: {  	v17 =	vld [tilespmem:s24+$0x17420];
	v15 =	vadd.f32 v15, v16  }
0x316: {  	v16 =	vld [tilespmem:s24+$0x17430]  }
0x317: {  	v21 =	vld [tilespmem:s24+$0x17440];
	v14 =	vadd.f32 v18, v14  }
0x318: {  	v3 =	vadd.f32 v19, v3;
	v18 =	vld [tilespmem:s24+$0x17450]  }
0x319: {  	v2 =	vadd.f32 v20, v2;
	v19 =	vld [tilespmem:s24+$0x17460]  }
0x31a: {  	v4 =	vadd.f32 v17, v4;
	v17 =	vld [tilespmem:s24+$0x17470]  }
0x31b: {  	v7 =	vadd.f32 v16, v7;
	v16 =	vld [tilespmem:s24+$0x17480]  }
0x31c: {  	v5 =	vadd.f32 v21, v5;
	v20 =	vld [tilespmem:s24+$0x17490]  }
0x31d: {  	v1 =	vadd.f32 v18, v1;
	v18 =	vld [tilespmem:s24+$0x174A0]  }
0x31e: {  	v9 =	vadd.f32 v19, v9;
	v19 =	vld [tilespmem:s24+$0x174B0]  }
0x31f: {  	v6 =	vadd.f32 v17, v6;
	v17 =	vld [tilespmem:s24+$0x174C0]  }
0x320: {  	v8 =	vadd.f32 v16, v8;
	v16 =	vld [tilespmem:s24+$0x174D0]  }
0x321: {  	v11 =	vadd.f32 v20, v11;
	v20 =	vld [tilespmem:s24+$0x174E0]  }
0x322: {  	v21 =	vld [tilespmem:s24+$0x18400];
	v10 =	vadd.f32 v18, v10  }
0x323: {  	v18 =	vld [tilespmem:s24+$0x18410];
	v13 =	vadd.f32 v19, v13  }
0x324: {  	v19 =	vld [tilespmem:s24+$0x18420];
	v12 =	vadd.f32 v17, v12  }
0x325: {  	v17 =	vld [tilespmem:s24+$0x18430];
	v15 =	vadd.f32 v16, v15  }
0x326: {  	v16 =	vld [tilespmem:s24+$0x18440];
	v14 =	vadd.f32 v20, v14  }
0x327: {  	v3 =	vadd.f32 v21, v3;
	v20 =	vld [tilespmem:s24+$0x18450]  }
0x328: {  	v2 =	vadd.f32 v18, v2;
	v18 =	vld [tilespmem:s24+$0x18460]  }
0x329: {  	v4 =	vadd.f32 v19, v4;
	v19 =	vld [tilespmem:s24+$0x18470]  }
0x32a: {  	v7 =	vadd.f32 v17, v7;
	v17 =	vld [tilespmem:s24+$0x18480]  }
0x32b: {  	v5 =	vadd.f32 v16, v5;
	v16 =	vld [tilespmem:s24+$0x18490]  }
0x32c: {  	v1 =	vadd.f32 v20, v1;
	v20 =	vld [tilespmem:s24+$0x184A0]  }
0x32d: {  	v9 =	vadd.f32 v18, v9;
	v18 =	vld [tilespmem:s24+$0x184B0]  }
0x32e: {  	v6 =	vadd.f32 v19, v6;
	v19 =	vld [tilespmem:s24+$0x184C0]  }
0x32f: {  	v8 =	vadd.f32 v17, v8;
	v17 =	vld [tilespmem:s24+$0x184D0]  }
0x330: {  	v11 =	vadd.f32 v16, v11;
	v16 =	vld [tilespmem:s24+$0x184E0]  }
0x331: {  	v21 =	vld [tilespmem:s24+$0x19400];
	v10 =	vadd.f32 v20, v10  }
0x332: {  	v20 =	vld [tilespmem:s24+$0x19410];
	v13 =	vadd.f32 v18, v13  }
0x333: {  	v18 =	vld [tilespmem:s24+$0x19420];
	v12 =	vadd.f32 v19, v12  }
0x334: {  	v19 =	vld [tilespmem:s24+$0x19430];
	v15 =	vadd.f32 v17, v15  }
0x335: {  	v17 =	vld [tilespmem:s24+$0x19440];
	v14 =	vadd.f32 v16, v14  }
0x336: {  	v3 =	vadd.f32 v21, v3;
	v16 =	vld [tilespmem:s24+$0x19450]  }
0x337: {  	v2 =	vadd.f32 v20, v2;
	v20 =	vld [tilespmem:s24+$0x19460]  }
0x338: {  	v4 =	vadd.f32 v18, v4;
	v18 =	vld [tilespmem:s24+$0x19470]  }
0x339: {  	v7 =	vadd.f32 v19, v7;
	v19 =	vld [tilespmem:s24+$0x19480]  }
0x33a: {  	v5 =	vadd.f32 v17, v5;
	v17 =	vld [tilespmem:s24+$0x19490]  }
0x33b: {  	v16 =	vadd.f32 v16, v1;
	v1 =	vld [tilespmem:s24+$0x194A0]  }
0x33c: {  	v9 =	vadd.f32 v20, v9;
	v20 =	vld [tilespmem:s24+$0x194B0]  }
0x33d: {  	v6 =	vadd.f32 v18, v6;
	v18 =	vld [tilespmem:s24+$0x194C0]  }
0x33e: {  	v8 =	vadd.f32 v19, v8;
	v19 =	vld [tilespmem:s24+$0x194D0]  }
0x33f: {  	v11 =	vadd.f32 v17, v11;
	v17 =	vld [tilespmem:s24+$0x194E0]  }
0x340: {  	[tilespmem:s24+$0x1A400] =	vst.add.f32.msk $0xffff, v3;
	v3 =	vadd.f32 v1, v10  }
0x341: {  	[tilespmem:s24+$0x1A410] =	vst.add.f32.msk $0xffff, v2;
	v2 =	vadd.f32 v20, v13  }
0x342: {  	[tilespmem:s24+$0x1A420] =	vst.add.f32.msk $0xffff, v4;
	v4 =	vadd.f32 v18, v12  }
0x343: {  	[tilespmem:s24+$0x1A430] =	vst.add.f32.msk $0xffff, v7;
	v7 =	vadd.f32 v19, v15  }
0x344: {  	[tilespmem:s24+$0x1A440] =	vst.add.f32.msk $0xffff, v5;
	v1 =	vadd.f32 v17, v14  }
0x345: {  	[tilespmem:s24+$0x1A450] =	vst.add.f32.msk $0xffff, v16  }
0x346: {  	[tilespmem:s24+$0x1A460] =	vst.add.f32.msk $0xffff, v9  }
0x347: {  	[tilespmem:s24+$0x1A470] =	vst.add.f32.msk $0xffff, v6  }
0x348: {  	[tilespmem:s24+$0x1A480] =	vst.add.f32.msk $0xffff, v8  }
.Ltmp4:
0x349: {  	[tilespmem:s24+$0x1A490] =	vst.add.f32.msk $0xffff, v11;
	(pc) =	sbr.rel @p1 .LBB2_11-.Ltmp4, $4  }
0x34a: {  	[tilespmem:s24+$0x1A4A0] =	vst.add.f32.msk $0xffff, v3  }
0x34b: {  	[tilespmem:s24+$0x1A4B0] =	vst.add.f32.msk $0xffff, v2  }
0x34c: {  	[tilespmem:s24+$0x1A4C0] =	vst.add.f32.msk $0xffff, v4  }
0x34d: {  	s26 =	sadd.s32 $0x400, s26;
	[tilespmem:s24+$0x1A4D0] =	vst.add.f32.msk $0xffff, v7  }
.Ltmp5:
0x34e: {  	(pc) =	sbr.rel @p0 .LBB2_14-.Ltmp5, $2  }
0x34f: {  	_ =	sdelay $0x2  }
0x350: {  	[tilespmem:s24+$0x1A4E0] =	vst.add.f32.msk $0xffff, v1  }
0x351: {  	s24 =	smul.u32 $0x2800, s23  }
.Ltmp6:
0x352: {  	_ = 	snop;
	(pc) =	sbr.rel .LBB2_4-.Ltmp6, $4  }
0x353: {  	_ = 	snop  }
0x354: {  	s24 =	sshra.s32 s24, $0x2  }
0x355: {  	s23 =	sadd.s32 $0x1, s23;
	s24 =	sadd.s32 $0x1180, s24  }
0x356: {  	[tilespmem:s16], [sflag:$0x4] =	stream.indirect.gather [hbm4b:s4+s10], $0x20, s24, s10, $0xb8;
	[tilespmem:$0x1B420] =	vst v63  }
.LBB2_14:
0x357: {  	s23 =	simm.s32 $0x1A440  }
0x358: {  	v3 =	vld [tilespmem:s23+$0xFFFFFFE0]  }
0x359: {  	v4 =	vld [tilespmem:s23+$0xFFFFFFC0]  }
0x35a: {  	v1 =	vld [tilespmem:$0x1B400];
	_ =	sdelay $0x2  }
0x35b: {  	v5 =	vld [tilespmem:s23+$0xFFFFFFF0];
	v3 =	vmul.f32 $4.999999890e-03, v3  }
0x35c: {  	v4 =	vmul.f32 $4.999999890e-03, v4  }
0x35d: {  	v2 =	vld [tilespmem:$0x1B410];
	v3 =	vadd.f32 v3, v1  }
0x35e: {  	v6 =	vld [tilespmem:s23+$0x30];
	v4 =	vadd.f32 v4, v1  }
0x35f: {  	v7 =	vld [tilespmem:s23+$0x0];
	v3 =	vsub.f32 $0.0e+00, v3  }
0x360: {  	v8 =	vld [tilespmem:s23+$0x20];
	v5 =	vmul.f32 $4.999999890e-03, v5;
	v4 =	vsub.f32 $0.0e+00, v4  }
0x361: {  	v3 =	vmul.f32 $1.442695020e+00, v3  }
0x362: {  	v10 =	vld [tilespmem:s23+$0xFFFFFFD0];
	v5 =	vadd.f32 v5, v2;
	v4 =	vmul.f32 $1.442695020e+00, v4  }
0x363: {  	v9 =	vld [tilespmem:s23+$0x10];
	v6 =	vmul.f32 $4.999999890e-03, v6;
	(erf) = vpow2.f32 v3  }
0x364: {  	v7 =	vmul.f32 $4.999999890e-03, v7;
	(erf) = vpow2.f32 v4;
	v4 =	vsub.f32 $0.0e+00, v5  }
0x365: {  	v6 =	vadd.f32 v6, v2;
	v3 =	vmul.f32 $4.999999890e-03, v8  }
0x366: {  	v5 =	vadd.f32 v7, v1;
	v4 =	vmul.f32 $1.442695020e+00, v4  }
0x367: {  	v63 =	vmul.f32 $4.999999890e-03, v10;
	v6 =	vsub.f32 $0.0e+00, v6;
	v3 =	vadd.f32 v3, v1  }
0x368: {  	v7 =	vmul.f32 $4.999999890e-03, v9;
	v5 =	vsub.f32 $0.0e+00, v5;
	(erf) = vpow2.f32 v4  }
0x369: {  	v6 =	vmul.f32 $1.442695020e+00, v6;
	v8 =	vadd.f32 v63, v2;
	v3 =	vsub.f32 $0.0e+00, v3  }
0x36a: {  	v7 =	vadd.f32 v7, v2;
	v5 =	vmul.f32 $1.442695020e+00, v5  }
0x36b: {  	v3 =	vmul.f32 $1.442695020e+00, v3;
	(erf) = vpow2.f32 v6;
	v6 =	vsub.f32 $0.0e+00, v8  }
0x36c: {  	v4 =	vsub.f32 $0.0e+00, v7;
	(erf) = vpow2.f32 v5  }
0x36d: {  	(erf) = vpow2.f32 v3;
	v3 =	vmul.f32 $1.442695020e+00, v6  }
0x36e: {  	v4 =	vmul.f32 $1.442695020e+00, v4;
	v5 =	vpop (erf)  }
0x36f: {  	v6 =	vpop (erf)  }
0x370: {  	(erf) = vpow2.f32 v4;
	v5 =	vadd.f32 $1.000000000e+00, v5;
	v4 =	vadd.f32 $1.000000000e+00, v6  }
0x371: {  	(erf) = vpow2.f32 v3;
	v3 =	vpop (erf)  }
0x372: {  	(erf) = vrcp.f32 v5;
	v3 =	vadd.f32 $1.000000000e+00, v3  }
0x373: {  	(erf) = vrcp.f32 v4  }
0x374: {  	v4 =	vpop (erf)  }
0x375: {  	v4 =	vadd.f32 $1.000000000e+00, v4;
	v5 =	vpop (erf)  }
0x376: {  	v5 =	vadd.f32 $1.000000000e+00, v5;
	(erf) = vrcp.f32 v3;
	v3 =	vpop (erf)  }
0x377: {  	(erf) = vrcp.f32 v4;
	v3 =	vadd.f32 $1.000000000e+00, v3  }
0x378: {  	(erf) = vrcp.f32 v5  }
0x379: {  	v4 =	vpop (erf);
	(erf) = vrcp.f32 v3  }
0x37a: {  	v5 =	vadd.f32 $1.000000000e+00, v4;
	v4 =	vpop (erf)  }
0x37b: {  	v6 =	vpop (erf);
	v3 =	vadd.f32 $1.000000000e+00, v4  }
0x37c: {  	s24 =	simm.s32 $0x0;
	s25 =	simm.s32 $0x1A4C0;
	[tilespmem:s23+$0xFFFFFFE0] =	vst v6;
	v4 =	vpop (erf);
	(erf) = vrcp.f32 v5  }
.LBB2_15:
0x37d: {  	v5 =	vld [tilespmem:s25+$0xFFFFFFE0];
	s24 =	sadd.s32 $0x4, s24;
	[tilespmem:s23+$0xFFFFFFC0] =	vst v4;
	(erf) = vrcp.f32 v3  }
0x37e: {  	v3 =	vld [tilespmem:s25+$0xFFFFFFC0];
	p0 =	slt.u32 s24, $0x7C  }
0x37f: {  	v4 =	vpop (erf)  }
0x380: {  	v6 =	vld [tilespmem:s25+$0xFFFFFFF0];
	[tilespmem:s23+$0xFFFFFFF0] =	vst v4;
	v4 =	vpop (erf)  }
0x381: {  	[tilespmem:s23+$0x30] =	vst v4;
	v4 =	vpop (erf)  }
0x382: {  	v5 =	vmul.f32 $4.999999890e-03, v5;
	v7 =	vld [tilespmem:s25+$0x30];
	[tilespmem:s23+$0x0] =	vst v4;
	v4 =	vpop (erf)  }
0x383: {  	v3 =	vmul.f32 $4.999999890e-03, v3;
	v8 =	vld [tilespmem:s25+$0x0];
	[tilespmem:s23+$0x20] =	vst v4  }
0x384: {  	v4 =	vadd.f32 v5, v1;
	v5 =	vld [tilespmem:s25+$0x20]  }
0x385: {  	v3 =	vadd.f32 v3, v1;
	v6 =	vmul.f32 $4.999999890e-03, v6;
	v9 =	vpop (erf)  }
0x386: {  	v4 =	vsub.f32 $0.0e+00, v4;
	[tilespmem:s23+$0x10] =	vst v9;
	v9 =	vpop (erf)  }
0x387: {  	v3 =	vsub.f32 $0.0e+00, v3;
	v6 =	vadd.f32 v6, v2;
	v10 =	vld [tilespmem:s25+$0x10];
	v7 =	vmul.f32 $4.999999890e-03, v7;
	[tilespmem:s23+$0xFFFFFFD0] =	vst v9;
	s23 =	smov.u32 s25  }
0x388: {  	v9 =	vld [tilespmem:s25+$0xFFFFFFD0];
	v4 =	vmul.f32 $1.442695020e+00, v4;
	v8 =	vmul.f32 $4.999999890e-03, v8  }
0x389: {  	v3 =	vmul.f32 $1.442695020e+00, v3;
	v5 =	vmul.f32 $4.999999890e-03, v5;
	v7 =	vadd.f32 v7, v2  }
0x38a: {  	v6 =	vsub.f32 $0.0e+00, v6;
	v8 =	vadd.f32 v8, v1;
	(erf) = vpow2.f32 v4  }
0x38b: {  	v4 =	vadd.f32 v5, v1;
	v5 =	vsub.f32 $0.0e+00, v7;
	(erf) = vpow2.f32 v3  }
0x38c: {  	v3 =	vmul.f32 $1.442695020e+00, v6;
	v6 =	vmul.f32 $4.999999890e-03, v10;
	v7 =	vsub.f32 $0.0e+00, v8  }
0x38d: {  	v8 =	vmul.f32 $4.999999890e-03, v9;
	v4 =	vsub.f32 $0.0e+00, v4;
	v5 =	vmul.f32 $1.442695020e+00, v5  }
0x38e: {  	v6 =	vadd.f32 v6, v2;
	v7 =	vmul.f32 $1.442695020e+00, v7;
	(erf) = vpow2.f32 v3  }
0x38f: {  	v3 =	vadd.f32 v8, v2;
	v4 =	vmul.f32 $1.442695020e+00, v4;
	(erf) = vpow2.f32 v5  }
0x390: {  	v6 =	vsub.f32 $0.0e+00, v6;
	(erf) = vpow2.f32 v7  }
0x391: {  	v3 =	vsub.f32 $0.0e+00, v3;
	(erf) = vpow2.f32 v4  }
0x392: {  	v4 =	vmul.f32 $1.442695020e+00, v6  }
0x393: {  	v3 =	vmul.f32 $1.442695020e+00, v3;
	v5 =	vpop (erf)  }
0x394: {  	v5 =	vadd.f32 $1.000000000e+00, v5;
	v6 =	vpop (erf);
	(erf) = vpow2.f32 v4  }
0x395: {  	v6 =	vadd.f32 $1.000000000e+00, v6;
	(erf) = vpow2.f32 v3  }
0x396: {  	(erf) = vrcp.f32 v5  }
0x397: {  	(erf) = vrcp.f32 v6;
	v3 =	vpop (erf)  }
0x398: {  	v6 =	vadd.f32 $1.000000000e+00, v3;
	v4 =	vpop (erf)  }
0x399: {  	v4 =	vadd.f32 $1.000000000e+00, v4;
	v5 =	vpop (erf)  }
0x39a: {  	v5 =	vadd.f32 $1.000000000e+00, v5;
	(erf) = vrcp.f32 v6;
	v3 =	vpop (erf)  }
0x39b: {  	v6 =	vadd.f32 $1.000000000e+00, v3;
	(erf) = vrcp.f32 v4  }
.Ltmp7:
0x39c: {  	(erf) = vrcp.f32 v5;
	(pc) =	sbr.rel @p0 .LBB2_15-.Ltmp7, $4  }
0x39d: {  	v4 =	vpop (erf);
	(erf) = vrcp.f32 v6  }
0x39e: {  	v5 =	vadd.f32 $1.000000000e+00, v4;
	v3 =	vpop (erf)  }
0x39f: {  	v3 =	vadd.f32 $1.000000000e+00, v3;
	v4 =	vpop (erf)  }
0x3a0: {  	s25 =	sadd.s32 $0x80, s25;
	[tilespmem:s23+$0xFFFFFFE0] =	vst v4;
	v4 =	vpop (erf);
	(erf) = vrcp.f32 v5  }
0x3a1: {  	(erf) = vrcp.f32 v3;
	_ =	sdelay $0x3  }
0x3a2: {  	[tilespmem:s23+$0xFFFFFFC0] =	vst v4;
	v1 =	vpop (erf)  }
0x3a3: {  	[tilespmem:s23+$0xFFFFFFF0] =	vst v1;
	v1 =	vpop (erf)  }
0x3a4: {  	[tilespmem:s23+$0x30] =	vst v1;
	v1 =	vpop (erf)  }
0x3a5: {  	[tilespmem:s23+$0x0] =	vst v1;
	v1 =	vpop (erf)  }
0x3a6: {  	s22 =	sadd.s32 $0x1, s22;
	[tilespmem:s23+$0x20] =	vst v1;
	v1 =	vpop (erf)  }
0x3a7: {  	p0 =	sne.s32 s22, s7;
	[tilespmem:s23+$0x10] =	vst v1;
	v1 =	vpop (erf)  }
.Ltmp8:
0x3a8: {  	[tilespmem:s23+$0xFFFFFFD0] =	vst v1;
	(pc) =	sbr.rel @p0 .LBB2_1-.Ltmp8, $4  }
0x3a9: {  	[hbm4b:s6+s3] =	stream.linear.scatter [tilespmem:s21], [sflag:$0x5], $0x1000, $0x38;
	[tilespmem:$0x1B420] =	vst v63  }
0x3aa: {  	_ =	swait.ge [sflag:s8], $0x1000  }
0x3ab: {  	[sflag:s8] =	ssyncset.done $0x0  }
0x3ac: {  	[sflag:s8] =	ssyncadd.s32 $0xFFFFF000  }
0x3ad: {  	_ =	sfence.sel $0x180000  }
0x3ae: {  	[bflag:$0x0] =	sbarrier.arrive $0xFFFF  }
0x3af: {  	p0 =	sne.s32 s0, $0x0;
	_ =	strace $0x90000047  }
0x3b0: {  	s0 =	sadd.s32 @!p0 $0x100000, s1;
	[bflag:$0x2] =	sbarrier.arrive $0xFFFF  }
0x3b1: {  	[sflag:s0] =	ssyncadd.tile.s32 @!p0 $0x1;
	_ =	shalt  }
.Lfunc_end2:
_tile_overlayer_lowered:
.L_overlay_start_2:
0x3b2: {  	(tag) =	ssettag $0x2  }
0x3b3: {  	s0 =	rddreg [dreg:$0x0];
	s2 =	stileid.u32  }
0x3b4: {  	s1 =	rddreg [dreg:$0x1];
	p0 =	sne.s32 s2, $0x0  }
0x3b5: {  	s3 =	rddreg [dreg:$0x2];
	[bflag:$0x3] =	sbarrier.arrive $0xFFFF;
	s2 =	simm.s32 @!p0 $0x1C05  }
0x3b6: {  	[timem:s3], [sflag:s2] =	dma.local @!p0 [hbm:s0], s1  }
0x3b7: {  	s0 =	simm.s32 @!p0 $0x5  }
0x3b8: {  	_ =	swait.ge @!p0 [sflag:s0], s1  }
0x3b9: {  	s1 =	ssub.s32 @!p0 $0x0, s1;
	[sflag:s0] =	ssyncset.done @!p0 $0x0  }
0x3ba: {  	[sflag:s0] =	ssyncadd.s32 @!p0 s1  }
0x3bb: {  	[bflag:$0x3] =	sbarrier.arrive $0xFFFF  }
0x3bc: {  	_ =	shalt  }

</sc_bundles>
